<compile_context>
chip_gen: v7x
topology: tpu7x:2x2x1
jax: 0.10.2.dev20260603
libtpu: 0.0.44.dev20260713+nightly
codegen_flags: <defaults>
</compile_context>

<pallas_src>
import functools

import jax
import jax.numpy as jnp
from jax import lax
from jax.experimental import pallas as pl
from jax.experimental.pallas import tpu as pltpu
from jax.experimental.pallas import tpu_sc as plsc
from jax._src.pallas import mpmd as _pl_mpmd
from jax.experimental import layout as jex_layout

N = 1_000_000
H = 32
B = 16384
K = 16
NC = 2
NS = 16
NW = NC * NS
EPW = B // NW
RNG = N // NW
NCH = 2048
SCH = 512
L = 16


def _gather_body(z_hbm, u_hbm, v_hbm, nbrv_hbm, nbru_hbm, zeros_hbm,
                 zuv_hbm, agg_hbm,
                 uvidx, uvrows, nidxc, nrows, dstidx, acc, sem):
    c = lax.axis_index("c")
    s = lax.axis_index("s")
    wid = s * NC + c
    base = wid * EPW

    pltpu.sync_copy(zeros_hbm, acc.at[pl.ds(s * EPW, EPW)])
    pltpu.sync_copy(zeros_hbm, acc.at[pl.ds(NS * EPW + s * EPW, EPW)])

    pltpu.sync_copy(u_hbm.at[pl.ds(base, EPW)], uvidx)
    pltpu.async_copy(z_hbm.at[uvidx], uvrows, sem).wait()
    pltpu.sync_copy(uvrows, zuv_hbm.at[pl.ds(base, EPW)])

    pltpu.sync_copy(v_hbm.at[pl.ds(base, EPW)], uvidx)
    pltpu.async_copy(z_hbm.at[uvidx], uvrows, sem).wait()
    pltpu.sync_copy(uvrows, zuv_hbm.at[pl.ds(B + base, EPW)])

    nchunks = (EPW * K) // NCH
    eprch = NCH // K

    def do_nbr(src_hbm, slice_base):
        def chunk(ci, carry):
            pltpu.sync_copy(src_hbm.at[pl.ds(base * K + ci * NCH, NCH)], nidxc)

            def mkidx(g, carry2):
                val = (slice_base + ci * eprch + g).astype(jnp.int32)
                dstidx[pl.ds(g * L, L)] = jnp.broadcast_to(val, (L,))
                return carry2
            lax.fori_loop(0, NCH // L, mkidx, 0)
            pltpu.async_copy(z_hbm.at[nidxc], nrows, sem).wait()
            pltpu.sync_copy(nrows, acc.at[dstidx], add=True)
            return carry
        lax.fori_loop(0, nchunks, chunk, 0)

    do_nbr(nbrv_hbm, s * EPW)
    do_nbr(nbru_hbm, NS * EPW + s * EPW)

    pltpu.sync_copy(acc.at[pl.ds(s * EPW, EPW)], uvrows)
    pltpu.sync_copy(uvrows, agg_hbm.at[pl.ds(base, EPW)])
    pltpu.sync_copy(acc.at[pl.ds(NS * EPW + s * EPW, EPW)], uvrows)
    pltpu.sync_copy(uvrows, agg_hbm.at[pl.ds(B + base, EPW)])


@functools.cache
def _sc_gather():
    return pl.kernel(
        _gather_body,
        out_type=[
            jax.ShapeDtypeStruct((2 * B, H), jnp.float32),
            jax.ShapeDtypeStruct((2 * B, H), jnp.float32),
        ],
        mesh=plsc.VectorSubcoreMesh(core_axis_name="c", subcore_axis_name="s",
                                    num_cores=NC, num_subcores=NS),
        scratch_types=[
            pltpu.VMEM((EPW,), jnp.int32),
            pltpu.VMEM((EPW, H), jnp.float32),
            pltpu.VMEM((NCH,), jnp.int32),
            pltpu.VMEM((NCH, H), jnp.float32),
            pltpu.VMEM((NCH,), jnp.int32),
            pltpu.VMEM_SHARED((2 * NS * EPW, H), jnp.float32),
            pltpu.SemaphoreType.DMA,
        ],
        compiler_params=pltpu.CompilerParams(use_tc_tiling_on_sc=False, needs_layout_passes=False),
    )


TBLK = 256
NBF = (N // TBLK)
NTAIL = N - NBF * TBLK


def _transpose_body(zT_hbm, ztail_hbm, zp_hbm, slab, outb, tailv, sem):
    c = lax.axis_index("c")
    s = lax.axis_index("s")
    wid = s * NC + c
    iota = lax.iota(jnp.int32, L)
    jvs = [iota, iota + 16]
    perms = [(iota + d) & 15 for d in range(L)]
    dsts = [[perms[d] * 128 + iota + jset for d in range(L)]
            for jset in (0, 16)]

    nblk_max = NBF // NW + 1
    OB = TBLK * 128
    nissued = (NBF - wid + NW - 1) // NW

    def drain_one():
        pltpu.make_async_copy(zp_hbm.at[pl.ds(0, OB)], outb.at[pl.ds(0, OB)],
                              sem).wait()

    def blk(i, carry):
        b = wid + i * NW

        @pl.when(b < NBF)
        def _():
            c0 = b * TBLK
            pltpu.sync_copy(zT_hbm.at[:, pl.ds(c0, TBLK)], slab)

            @pl.when(i >= 2)
            def _():
                drain_one()
            selbase = pl.multiple_of((i & 1) * OB, 8)

            def cgrp(cg, carry2):
                cgbase = (cg * L).astype(jnp.int32)
                gs = []
                for js in range(2):
                    for d in range(L):
                        cv = cgbase + perms[d]
                        gs.append(plsc.load_gather(slab, [jvs[js], cv]))
                for js in range(2):
                    for d in range(L):
                        plsc.store_scatter(
                            outb, [selbase + cgbase * 128 + dsts[js][d]],
                            gs[js * L + d])
                return carry2
            lax.fori_loop(0, TBLK // L, cgrp, 0)
            pltpu.async_copy(outb.at[pl.ds(selbase, OB)],
                             zp_hbm.at[pl.ds(c0 * 128, OB)], sem)
        return carry
    lax.fori_loop(0, nblk_max, blk, 0)

    def dr(i, carry):
        @pl.when(i < jnp.minimum(nissued, 2))
        def _():
            drain_one()
        return carry
    lax.fori_loop(0, 2, dr, 0)

    @pl.when(wid == 1)
    def _():
        pltpu.sync_copy(ztail_hbm, tailv)

        def trow(r, carry):
            ro = pl.multiple_of(r * 128, 8)
            ri = pl.multiple_of(r * H, 8)
            outb[pl.ds(ro, L)] = tailv[pl.ds(ri, L)]
            outb[pl.ds(ro + 16, L)] = tailv[pl.ds(ri + 16, L)]
            return carry
        lax.fori_loop(0, NTAIL, trow, 0)
        pltpu.sync_copy(outb.at[pl.ds(0, NTAIL * 128)],
                        zp_hbm.at[pl.ds(NBF * TBLK * 128, NTAIL * 128)])


@functools.cache
def _sc_transpose():
    return pl.kernel(
        _transpose_body,
        out_type=jax.ShapeDtypeStruct((N * 128,), jnp.float32),
        mesh=plsc.VectorSubcoreMesh(core_axis_name="c", subcore_axis_name="s",
                                    num_cores=NC, num_subcores=NS),
        scratch_types=[
            pltpu.VMEM((H, TBLK), jnp.float32),
            pltpu.VMEM((2 * TBLK * 128,), jnp.float32),
            pltpu.VMEM((NTAIL * H,), jnp.float32),
            pltpu.SemaphoreType.DMA,
        ],
        compiler_params=pltpu.CompilerParams(use_tc_tiling_on_sc=True,
                                             needs_layout_passes=False),
    )


def _dense_body(zuv_ref, agg_ref, t_ref, Ws_ref, bs_ref, Wh_ref, bh_ref,
                Wr_ref, br_ref, Wt_ref, bt_ref, out_ref):
    A = jnp.dot(Ws_ref[...], Wh_ref[...], preferred_element_type=jnp.float32)
    c0 = (jnp.dot(bs_ref[...], Wh_ref[...], preferred_element_type=jnp.float32)
          + bh_ref[...] + br_ref[...] + bt_ref[...])
    agg = agg_ref[...] * (1.0 / K)
    x = (jnp.dot(agg, A, preferred_element_type=jnp.float32)
         + jnp.dot(zuv_ref[...], Wr_ref[...], preferred_element_type=jnp.float32)
         + jnp.dot(t_ref[...], Wt_ref[...], preferred_element_type=jnp.float32)
         + c0)
    out_ref[...] = jax.nn.sigmoid(x)


DBLK = 2048


def _tc_dense(zuv, agg, t2, Ws, bs2, Wh, bh2, Wr, br2, Wt, bt2):
    nblk = (2 * B) // DBLK
    tper = B // DBLK
    return pl.pallas_call(
        _dense_body,
        grid=(nblk,),
        in_specs=[
            pl.BlockSpec((DBLK, H), lambda i: (i, 0)),
            pl.BlockSpec((DBLK, H), lambda i: (i, 0)),
            pl.BlockSpec((DBLK, 4), lambda i: (i % tper, 0)),
            pl.BlockSpec((H, H), lambda i: (0, 0)),
            pl.BlockSpec((1, H), lambda i: (0, 0)),
            pl.BlockSpec((H, H), lambda i: (0, 0)),
            pl.BlockSpec((1, H), lambda i: (0, 0)),
            pl.BlockSpec((H, H), lambda i: (0, 0)),
            pl.BlockSpec((1, H), lambda i: (0, 0)),
            pl.BlockSpec((4, H), lambda i: (0, 0)),
            pl.BlockSpec((1, H), lambda i: (0, 0)),
        ],
        out_specs=pl.BlockSpec((DBLK, H), lambda i: (i, 0)),
        out_shape=jax.ShapeDtypeStruct((2 * B, H), jnp.float32),
    )(zuv, agg, t2, Ws, bs2, Wh, bh2, Wr, br2, Wt, bt2)


def _scatter_body(z_hbm, u_hbm, v_hbm, nv_hbm, zout_hbm,
                  winner, comp_n, comp_j, sidx, srow, scidx,
                  scidx16, sem):
    c = lax.axis_index("c")
    s = lax.axis_index("s")
    wid = s * NC + c
    lo = wid * RNG * 4

    iota = lax.iota(jnp.int32, L)
    nvec = 4096 // L

    def passA_chunk(src_hbm, cb, j0):
        pltpu.sync_copy(src_hbm.at[pl.ds(cb * 4096, 4096)], sidx)

        def inner(s2, carry):
            vec = sidx[pl.ds(s2 * L, L)]
            rel = vec - lo
            inr = (rel >= 0) & (rel < RNG * 4)
            relc = jnp.where(inr, rel, 0) >> 2
            jv = iota + (j0 + s2 * L)
            plsc.store_scatter(winner, [relc], jv, mask=inr)
            return carry
        lax.fori_loop(0, nvec, inner, 0)

    def passA(cb, carry):
        passA_chunk(u_hbm, cb, cb * 4096)
        return carry
    lax.fori_loop(0, B // 4096, passA, 0)

    def passAv(cb, carry):
        passA_chunk(v_hbm, cb, B + cb * 4096)
        return carry
    lax.fori_loop(0, B // 4096, passAv, 0)

    def passB_chunk(src_hbm, cb, j0, cnt):
        pltpu.sync_copy(src_hbm.at[pl.ds(cb * 4096, 4096)], sidx)

        def inner(s2, cnt):
            vec = sidx[pl.ds(s2 * L, L)]
            rel = vec - lo
            inr = (rel >= 0) & (rel < RNG * 4)
            relc = jnp.where(inr, rel, 0) >> 2
            jv = iota + (j0 + s2 * L)
            w16 = plsc.load_gather(winner, [relc])
            keep = inr & (w16 == jv)
            kc = keep.astype(jnp.int32)
            pos = cnt + plsc.cumsum(kc) - kc
            plsc.store_scatter(comp_n, [pos], vec, mask=keep)
            plsc.store_scatter(comp_j, [pos], jv, mask=keep)
            return cnt + plsc.all_reduce_population_count(keep)
        return lax.fori_loop(0, nvec, inner, cnt)

    cntv = jnp.zeros((L,), jnp.int32)

    def passB(cb, cnt):
        return passB_chunk(u_hbm, cb, cb * 4096, cnt)
    cntv = lax.fori_loop(0, B // 4096, passB, cntv)

    def passBv(cb, cnt):
        return passB_chunk(v_hbm, cb, B + cb * 4096, cnt)
    cntv = lax.fori_loop(0, B // 4096, passBv, cntv)

    lastp = jnp.maximum(cntv - 1, 0)
    padn = plsc.load_gather(comp_n, [lastp])
    padj = plsc.load_gather(comp_j, [lastp])
    cnt2v = (cntv + 15) & ~15
    padmask = iota < (cnt2v - cntv)
    plsc.store_scatter(comp_n, [cntv + iota], padn, mask=padmask)
    plsc.store_scatter(comp_j, [cntv + iota], padj, mask=padmask)
    cnt2 = cnt2v[0]

    @pl.when(cnt2 >= SCH)
    def _():
        nch = (cnt2 + SCH - 1) // SCH

        def body(ci, carry):
            start = pl.multiple_of(jnp.minimum(ci * SCH, cnt2 - SCH), L)

            def stage(k, carry2):
                off = pl.multiple_of(start + k * L, L)
                scidx[pl.ds(k * L, L)] = comp_n[pl.ds(off, L)]
                return carry2
            lax.fori_loop(0, SCH // L, stage, 0)
            pltpu.async_copy(nv_hbm.at[comp_j.at[pl.ds(start, SCH)]], srow, sem).wait()
            pltpu.async_copy(srow, zout_hbm.at[scidx], sem).wait()
            return carry
        lax.fori_loop(0, nch, body, 0)

    @pl.when((cnt2 < SCH) & (cnt2 >= L))
    def _():
        nch = cnt2 // L

        def body(ci, carry):
            start = pl.multiple_of(ci * L, L)
            scidx16[pl.ds(0, L)] = comp_n[pl.ds(start, L)]
            pltpu.async_copy(nv_hbm.at[comp_j.at[pl.ds(start, L)]], srow.at[pl.ds(0, L)], sem).wait()
            pltpu.async_copy(srow.at[pl.ds(0, L)], zout_hbm.at[scidx16], sem).wait()
            return carry
        lax.fori_loop(0, nch, body, 0)


@functools.cache
def _sc_scatter():
    mesh = plsc.VectorSubcoreMesh(core_axis_name="c", subcore_axis_name="s",
                                  num_cores=NC, num_subcores=NS)
    return _pl_mpmd._mpmd_map(
        [(mesh, _scatter_body)],
        jax.ShapeDtypeStruct((4 * N, H), jnp.float32),
        input_output_aliases={0: 0},
        scratch_types=[
            pltpu.VMEM((RNG + 8,), jnp.int32),
            pltpu.VMEM((RNG + 24,), jnp.int32),
            pltpu.VMEM((RNG + 24,), jnp.int32),
            pltpu.VMEM((4096,), jnp.int32),
            pltpu.VMEM((SCH, H), jnp.float32),
            pltpu.VMEM((SCH,), jnp.int32),
            pltpu.VMEM((L,), jnp.int32),
            pltpu.SemaphoreType.DMA,
        ],
        compiler_params=pltpu.CompilerParams(use_tc_tiling_on_sc=False, needs_layout_passes=False),
    )


def kernel(z, u, v, nbr_u, nbr_v, t_feat, W_struct, b_struct, W_h, b_h,
           W_rec, b_rec, W_t, b_t):
    zT = z.T
    ztail = z[NBF * TBLK:].reshape(NTAIL * H)
    zp = _sc_transpose()(zT, ztail)
    z4 = zp.reshape(4 * N, H)
    u4 = u.astype(jnp.int32) * 4
    v4 = v.astype(jnp.int32) * 4
    nbru_f = nbr_u.astype(jnp.int32).reshape(B * K) * 4
    nbrv_f = nbr_v.astype(jnp.int32).reshape(B * K) * 4

    zeros = jnp.zeros((EPW, H), jnp.float32)
    zuv, agg = _sc_gather()(z4, u4, v4, nbrv_f, nbru_f, zeros)
    newvals = _tc_dense(
        zuv, agg, t_feat,
        W_struct, b_struct.reshape(1, H), W_h, b_h.reshape(1, H),
        W_rec, b_rec.reshape(1, H), W_t, b_t.reshape(1, H),
    )
    z_out4 = _sc_scatter()(z4, u4, v4, newvals)
    z_out = z_out4.reshape(N, 4 * H)[:, :H]
    return jex_layout.with_layout_constraint(
        z_out, jex_layout.Layout((1, 0), tiling=((8, 128),)))

# --- scband reference (transcript-rebuilt; emitter-appended) ---
"""Pipeline reference for scband-dy-rep-1614907703404 (READ-ONLY COPY).

The authoritative reference and input builder live on the scoring server;
editing this copy changes nothing except your own understanding.
"""

import jax, jax.numpy as jnp
import numpy as np

N_NODES = 1000000
H = 32
B = 16384
KNBR = 16


def setup_inputs(seed: int = 0) -> dict:
    key = jax.random.key(seed)
    ks = jax.random.split(key, 16)
    z = jax.random.normal(ks[0], (N_NODES, H), dtype=jnp.float32)
    u = jax.random.randint(ks[1], (B,), 0, N_NODES)
    v = jax.random.randint(ks[2], (B,), 0, N_NODES)
    nbr_u = jax.random.randint(ks[3], (B, KNBR), 0, N_NODES)
    nbr_v = jax.random.randint(ks[4], (B, KNBR), 0, N_NODES)
    t_feat = jax.random.uniform(ks[5], (B, 4), dtype=jnp.float32)
    # learned parameters (xavier-normal style scaling)
    def xav(k, shp):
        fan = shp[0] + shp[1]
        return jax.random.normal(k, shp, dtype=jnp.float32) * jnp.sqrt(2.0 / fan)
    W_struct = xav(ks[6], (H, H)); b_struct = jnp.zeros((H,), jnp.float32)
    W_h = xav(ks[7], (H, H)); b_h = jnp.zeros((H,), jnp.float32)
    W_rec = xav(ks[8], (H, H)); b_rec = jnp.zeros((H,), jnp.float32)
    W_t = xav(ks[9], (4, H)); b_t = jnp.zeros((H,), jnp.float32)
    return {"z": z, "u": u, "v": v, "nbr_u": nbr_u, "nbr_v": nbr_v, "t_feat": t_feat,
            "W_struct": W_struct, "b_struct": b_struct, "W_h": W_h, "b_h": b_h,
            "W_rec": W_rec, "b_rec": b_rec, "W_t": W_t, "b_t": b_t}


def reference(z, u, v, nbr_u, nbr_v, t_feat, W_struct, b_struct, W_h, b_h, W_rec, b_rec, W_t, b_t):
    # DyRep event-driven node-memory update (update_node_embed):
    # gather current embeddings of the event endpoints
    zu = jnp.take(z, u, axis=0)              # [B, H]
    zv = jnp.take(z, v, axis=0)              # [B, H]
    # localized embedding propagation: aggregate the *other* node's neighborhood
    agg_v = jnp.mean(jnp.take(z, nbr_v, axis=0), axis=1)   # [B, H] neighborhood of v -> update u
    agg_u = jnp.mean(jnp.take(z, nbr_u, axis=0), axis=1)   # [B, H] neighborhood of u -> update v
    h_struct_v = agg_v @ W_struct + b_struct
    h_struct_u = agg_u @ W_struct + b_struct
    # temporal drift term W_t on 4-dim time features
    h_t = t_feat @ W_t + b_t                  # [B, H]
    zu_new = jax.nn.sigmoid(h_struct_v @ W_h + b_h + zu @ W_rec + b_rec + h_t)
    zv_new = jax.nn.sigmoid(h_struct_u @ W_h + b_h + zv @ W_rec + b_rec + h_t)
    # scatter-overwrite the node memory with the updated embeddings
    z_out = z.at[u].set(zu_new).at[v].set(zv_new)
    return z_out

if __name__ == "__main__":
    import jax
    _d = setup_inputs()
    print(jax.jit(kernel)(*tuple(_d.values())))

</pallas_src>

<mosaic_0001>
#map = affine_map<(d0, d1) -> (0, 0)>
#map1 = affine_map<(d0, d1) -> (0)>
module attributes {stable_mosaic.version = 14 : i64} {
  func.func @_gather_body(%arg0: i32, %arg1: i32, %arg2: memref<4000000x32xf32, #tpu.memory_space<hbm>>, %arg3: memref<16384xi32, #tpu.memory_space<hbm>>, %arg4: memref<16384xi32, #tpu.memory_space<hbm>>, %arg5: memref<262144xi32, #tpu.memory_space<hbm>>, %arg6: memref<262144xi32, #tpu.memory_space<hbm>>, %arg7: memref<512x32xf32, #tpu.memory_space<hbm>>, %arg8: memref<32768x32xf32, #tpu.memory_space<hbm>>, %arg9: memref<32768x32xf32, #tpu.memory_space<hbm>>, %arg10: memref<512xi32, #tpu.memory_space<vmem>>, %arg11: memref<512x32xf32, #tpu.memory_space<vmem>>, %arg12: memref<2048xi32, #tpu.memory_space<vmem>>, %arg13: memref<2048x32xf32, #tpu.memory_space<vmem>>, %arg14: memref<2048xi32, #tpu.memory_space<vmem>>, %arg15: memref<16384x32xf32, #tpu.memory_space<vmem_shared>>, %arg16: memref<!tpu.dma_semaphore, #tpu.memory_space<semaphore_mem>>) attributes {dimension_semantics = [#tpu.dimension_semantics<core_parallel>, #tpu.dimension_semantics<subcore_parallel>], iteration_bounds = array<i64: 2, 16>, scalar_prefetch = 0 : i64, scratch_operands = 7 : i64, tpu.core_type = #tpu.core_type<sc_vector_subcore>, window_params = [{transform_indices = #map}, {transform_indices = #map1}, {transform_indices = #map1}, {transform_indices = #map1}, {transform_indices = #map1}, {transform_indices = #map}, {transform_indices = #map}, {transform_indices = #map}]} {
    %mul3A = arith.constant 2 : i32
    %mul3A_0 = arith.muli %arg1, %mul3A : i32
    %add3A = arith.addi %mul3A_0, %arg0 : i32
    %mul3A_1 = arith.constant 512 : i32
    %mul3A_2 = arith.muli %add3A, %mul3A_1 : i32
    %mul3A_3 = arith.constant 512 : i32
    %mul3A_4 = arith.muli %arg1, %mul3A_3 : i32
    "tpu.region"() ({
      %run_scoped3A = tpu.sem_alloc : memref<!tpu.dma_semaphore, #tpu.memory_space<semaphore_mem>>
      %dma_start3A_46 = arith.constant 0 : i32
      %dma_start3A_47 = tpu.memref_slice %arg15[%mul3A_4, %dma_start3A_46] : memref<16384x32xf32, #tpu.memory_space<vmem_shared>> -> memref<512x32xf32, #tpu.memory_space<vmem_shared>>
      tpu.enqueue_dma source(%arg7 : memref<512x32xf32, #tpu.memory_space<hbm>>) target(%dma_start3A_47 : memref<512x32xf32, #tpu.memory_space<vmem_shared>>) target_semaphore(%run_scoped3A : memref<!tpu.dma_semaphore, #tpu.memory_space<semaphore_mem>>)
      %dma_wait3A_48 = arith.constant 0 : i32
      %dma_wait3A_49 = tpu.memref_slice %arg15[%mul3A_4, %dma_wait3A_48] : memref<16384x32xf32, #tpu.memory_space<vmem_shared>> -> memref<512x32xf32, #tpu.memory_space<vmem_shared>>
      tpu.wait_dma2 semaphore(%run_scoped3A : memref<!tpu.dma_semaphore, #tpu.memory_space<semaphore_mem>>) src(%arg7 : memref<512x32xf32, #tpu.memory_space<hbm>>) dst(%dma_wait3A_49 : memref<512x32xf32, #tpu.memory_space<vmem_shared>>)
      tpu.yield
    }) : () -> ()
    %mul3A_5 = arith.constant 512 : i32
    %mul3A_6 = arith.muli %arg1, %mul3A_5 : i32
    %add3A_7 = arith.constant 8192 : i32
    %add3A_8 = arith.addi %add3A_7, %mul3A_6 : i32
    "tpu.region"() ({
      %run_scoped3A = tpu.sem_alloc : memref<!tpu.dma_semaphore, #tpu.memory_space<semaphore_mem>>
      %dma_start3A_46 = arith.constant 0 : i32
      %dma_start3A_47 = tpu.memref_slice %arg15[%add3A_8, %dma_start3A_46] : memref<16384x32xf32, #tpu.memory_space<vmem_shared>> -> memref<512x32xf32, #tpu.memory_space<vmem_shared>>
      tpu.enqueue_dma source(%arg7 : memref<512x32xf32, #tpu.memory_space<hbm>>) target(%dma_start3A_47 : memref<512x32xf32, #tpu.memory_space<vmem_shared>>) target_semaphore(%run_scoped3A : memref<!tpu.dma_semaphore, #tpu.memory_space<semaphore_mem>>)
      %dma_wait3A_48 = arith.constant 0 : i32
      %dma_wait3A_49 = tpu.memref_slice %arg15[%add3A_8, %dma_wait3A_48] : memref<16384x32xf32, #tpu.memory_space<vmem_shared>> -> memref<512x32xf32, #tpu.memory_space<vmem_shared>>
      tpu.wait_dma2 semaphore(%run_scoped3A : memref<!tpu.dma_semaphore, #tpu.memory_space<semaphore_mem>>) src(%arg7 : memref<512x32xf32, #tpu.memory_space<hbm>>) dst(%dma_wait3A_49 : memref<512x32xf32, #tpu.memory_space<vmem_shared>>)
      tpu.yield
    }) : () -> ()
    "tpu.region"() ({
      %run_scoped3A = tpu.sem_alloc : memref<!tpu.dma_semaphore, #tpu.memory_space<semaphore_mem>>
      %dma_start3A_46 = tpu.memref_slice %arg3[%mul3A_2] : memref<16384xi32, #tpu.memory_space<hbm>> -> memref<512xi32, #tpu.memory_space<hbm>>
      %dma_start3A_47 = tpu.memref_slice %arg3[%mul3A_2] : memref<16384xi32, #tpu.memory_space<hbm>> -> memref<512xi32, #tpu.memory_space<hbm>>
      tpu.enqueue_dma source(%dma_start3A_47 : memref<512xi32, #tpu.memory_space<hbm>>) target(%arg10 : memref<512xi32, #tpu.memory_space<vmem>>) target_semaphore(%run_scoped3A : memref<!tpu.dma_semaphore, #tpu.memory_space<semaphore_mem>>)
      %dma_wait3A_48 = tpu.memref_slice %arg3[%mul3A_2] : memref<16384xi32, #tpu.memory_space<hbm>> -> memref<512xi32, #tpu.memory_space<hbm>>
      %dma_wait3A_49 = tpu.memref_slice %arg3[%mul3A_2] : memref<16384xi32, #tpu.memory_space<hbm>> -> memref<512xi32, #tpu.memory_space<hbm>>
      tpu.wait_dma2 semaphore(%run_scoped3A : memref<!tpu.dma_semaphore, #tpu.memory_space<semaphore_mem>>) src(%dma_wait3A_49 : memref<512xi32, #tpu.memory_space<hbm>>) dst(%arg10 : memref<512xi32, #tpu.memory_space<vmem>>)
      tpu.yield
    }) : () -> ()
    %dma_start3A = arith.constant 0 : i32
    %dma_start3A_9 = arith.constant 0 : i32
    %dma_start3A_10 = tpu.memref_slice %arg2[%dma_start3A, %dma_start3A_9] : memref<4000000x32xf32, #tpu.memory_space<hbm>> -> memref<4000000x32xf32, #tpu.memory_space<hbm>>
    tpu.enqueue_indirect_dma source(%dma_start3A_10 : memref<4000000x32xf32, #tpu.memory_space<hbm>>) target(%arg11 : memref<512x32xf32, #tpu.memory_space<vmem>>) offsets(%arg10 : memref<512xi32, #tpu.memory_space<vmem>>) semaphore(%arg16 : memref<!tpu.dma_semaphore, #tpu.memory_space<semaphore_mem>>)
    %dma_wait3A = arith.constant 0 : i32
    %dma_wait3A_11 = arith.constant 0 : i32
    %dma_wait3A_12 = tpu.memref_slice %arg2[%dma_wait3A, %dma_wait3A_11] : memref<4000000x32xf32, #tpu.memory_space<hbm>> -> memref<4000000x32xf32, #tpu.memory_space<hbm>>
    tpu.wait_indirect_dma semaphore(%arg16 : memref<!tpu.dma_semaphore, #tpu.memory_space<semaphore_mem>>) src(%dma_wait3A_12 : memref<4000000x32xf32, #tpu.memory_space<hbm>>) dst(%arg11 : memref<512x32xf32, #tpu.memory_space<vmem>>)
    "tpu.region"() ({
      %run_scoped3A = tpu.sem_alloc : memref<!tpu.dma_semaphore, #tpu.memory_space<semaphore_mem>>
      %dma_start3A_46 = arith.constant 0 : i32
      %dma_start3A_47 = tpu.memref_slice %arg8[%mul3A_2, %dma_start3A_46] : memref<32768x32xf32, #tpu.memory_space<hbm>> -> memref<512x32xf32, #tpu.memory_space<hbm>>
      %dma_start3A_48 = arith.constant 0 : i32
      %dma_start3A_49 = tpu.memref_slice %arg8[%mul3A_2, %dma_start3A_48] : memref<32768x32xf32, #tpu.memory_space<hbm>> -> memref<512x32xf32, #tpu.memory_space<hbm>>
      tpu.enqueue_dma source(%arg11 : memref<512x32xf32, #tpu.memory_space<vmem>>) target(%dma_start3A_49 : memref<512x32xf32, #tpu.memory_space<hbm>>) target_semaphore(%run_scoped3A : memref<!tpu.dma_semaphore, #tpu.memory_space<semaphore_mem>>)
      %dma_wait3A_50 = arith.constant 0 : i32
      %dma_wait3A_51 = tpu.memref_slice %arg8[%mul3A_2, %dma_wait3A_50] : memref<32768x32xf32, #tpu.memory_space<hbm>> -> memref<512x32xf32, #tpu.memory_space<hbm>>
      %dma_wait3A_52 = arith.constant 0 : i32
      %dma_wait3A_53 = tpu.memref_slice %arg8[%mul3A_2, %dma_wait3A_52] : memref<32768x32xf32, #tpu.memory_space<hbm>> -> memref<512x32xf32, #tpu.memory_space<hbm>>
      tpu.wait_dma2 semaphore(%run_scoped3A : memref<!tpu.dma_semaphore, #tpu.memory_space<semaphore_mem>>) src(%arg11 : memref<512x32xf32, #tpu.memory_space<vmem>>) dst(%dma_wait3A_53 : memref<512x32xf32, #tpu.memory_space<hbm>>)
      tpu.yield
    }) : () -> ()
    "tpu.region"() ({
      %run_scoped3A = tpu.sem_alloc : memref<!tpu.dma_semaphore, #tpu.memory_space<semaphore_mem>>
      %dma_start3A_46 = tpu.memref_slice %arg4[%mul3A_2] : memref<16384xi32, #tpu.memory_space<hbm>> -> memref<512xi32, #tpu.memory_space<hbm>>
      %dma_start3A_47 = tpu.memref_slice %arg4[%mul3A_2] : memref<16384xi32, #tpu.memory_space<hbm>> -> memref<512xi32, #tpu.memory_space<hbm>>
      tpu.enqueue_dma source(%dma_start3A_47 : memref<512xi32, #tpu.memory_space<hbm>>) target(%arg10 : memref<512xi32, #tpu.memory_space<vmem>>) target_semaphore(%run_scoped3A : memref<!tpu.dma_semaphore, #tpu.memory_space<semaphore_mem>>)
      %dma_wait3A_48 = tpu.memref_slice %arg4[%mul3A_2] : memref<16384xi32, #tpu.memory_space<hbm>> -> memref<512xi32, #tpu.memory_space<hbm>>
      %dma_wait3A_49 = tpu.memref_slice %arg4[%mul3A_2] : memref<16384xi32, #tpu.memory_space<hbm>> -> memref<512xi32, #tpu.memory_space<hbm>>
      tpu.wait_dma2 semaphore(%run_scoped3A : memref<!tpu.dma_semaphore, #tpu.memory_space<semaphore_mem>>) src(%dma_wait3A_49 : memref<512xi32, #tpu.memory_space<hbm>>) dst(%arg10 : memref<512xi32, #tpu.memory_space<vmem>>)
      tpu.yield
    }) : () -> ()
    %dma_start3A_13 = arith.constant 0 : i32
    %dma_start3A_14 = arith.constant 0 : i32
    %dma_start3A_15 = tpu.memref_slice %arg2[%dma_start3A_13, %dma_start3A_14] : memref<4000000x32xf32, #tpu.memory_space<hbm>> -> memref<4000000x32xf32, #tpu.memory_space<hbm>>
    tpu.enqueue_indirect_dma source(%dma_start3A_15 : memref<4000000x32xf32, #tpu.memory_space<hbm>>) target(%arg11 : memref<512x32xf32, #tpu.memory_space<vmem>>) offsets(%arg10 : memref<512xi32, #tpu.memory_space<vmem>>) semaphore(%arg16 : memref<!tpu.dma_semaphore, #tpu.memory_space<semaphore_mem>>)
    %dma_wait3A_16 = arith.constant 0 : i32
    %dma_wait3A_17 = arith.constant 0 : i32
    %dma_wait3A_18 = tpu.memref_slice %arg2[%dma_wait3A_16, %dma_wait3A_17] : memref<4000000x32xf32, #tpu.memory_space<hbm>> -> memref<4000000x32xf32, #tpu.memory_space<hbm>>
    tpu.wait_indirect_dma semaphore(%arg16 : memref<!tpu.dma_semaphore, #tpu.memory_space<semaphore_mem>>) src(%dma_wait3A_18 : memref<4000000x32xf32, #tpu.memory_space<hbm>>) dst(%arg11 : memref<512x32xf32, #tpu.memory_space<vmem>>)
    %add3A_19 = arith.constant 16384 : i32
    %add3A_20 = arith.addi %add3A_19, %mul3A_2 : i32
    "tpu.region"() ({
      %run_scoped3A = tpu.sem_alloc : memref<!tpu.dma_semaphore, #tpu.memory_space<semaphore_mem>>
      %dma_start3A_46 = arith.constant 0 : i32
      %dma_start3A_47 = tpu.memref_slice %arg8[%add3A_20, %dma_start3A_46] : memref<32768x32xf32, #tpu.memory_space<hbm>> -> memref<512x32xf32, #tpu.memory_space<hbm>>
      %dma_start3A_48 = arith.constant 0 : i32
      %dma_start3A_49 = tpu.memref_slice %arg8[%add3A_20, %dma_start3A_48] : memref<32768x32xf32, #tpu.memory_space<hbm>> -> memref<512x32xf32, #tpu.memory_space<hbm>>
      tpu.enqueue_dma source(%arg11 : memref<512x32xf32, #tpu.memory_space<vmem>>) target(%dma_start3A_49 : memref<512x32xf32, #tpu.memory_space<hbm>>) target_semaphore(%run_scoped3A : memref<!tpu.dma_semaphore, #tpu.memory_space<semaphore_mem>>)
      %dma_wait3A_50 = arith.constant 0 : i32
      %dma_wait3A_51 = tpu.memref_slice %arg8[%add3A_20, %dma_wait3A_50] : memref<32768x32xf32, #tpu.memory_space<hbm>> -> memref<512x32xf32, #tpu.memory_space<hbm>>
      %dma_wait3A_52 = arith.constant 0 : i32
      %dma_wait3A_53 = tpu.memref_slice %arg8[%add3A_20, %dma_wait3A_52] : memref<32768x32xf32, #tpu.memory_space<hbm>> -> memref<512x32xf32, #tpu.memory_space<hbm>>
      tpu.wait_dma2 semaphore(%run_scoped3A : memref<!tpu.dma_semaphore, #tpu.memory_space<semaphore_mem>>) src(%arg11 : memref<512x32xf32, #tpu.memory_space<vmem>>) dst(%dma_wait3A_53 : memref<512x32xf32, #tpu.memory_space<hbm>>)
      tpu.yield
    }) : () -> ()
    %mul3A_21 = arith.constant 512 : i32
    %mul3A_22 = arith.muli %arg1, %mul3A_21 : i32
    %scan3A = arith.constant 0 : i32
    %scan3A_23 = arith.constant 0 : i32
    %scan3A_24 = arith.constant 4 : i32
    %scan3A_25 = arith.addi %scan3A_23, %scan3A_24 : i32
    %scan3A_26 = arith.constant 1 : i32
    scf.for %scan3A_46 = %scan3A_23 to %scan3A_25 step %scan3A_26  : i32 {
      %mul3A_47 = arith.constant 16 : i32
      %mul3A_48 = arith.muli %mul3A_2, %mul3A_47 : i32
      %mul3A_49 = arith.constant 2048 : i32
      %mul3A_50 = arith.muli %scan3A_46, %mul3A_49 : i32
      %add3A_51 = arith.addi %mul3A_48, %mul3A_50 : i32
      "tpu.region"() ({
        %run_scoped3A = tpu.sem_alloc : memref<!tpu.dma_semaphore, #tpu.memory_space<semaphore_mem>>
        %dma_start3A_64 = tpu.memref_slice %arg5[%add3A_51] : memref<262144xi32, #tpu.memory_space<hbm>> -> memref<2048xi32, #tpu.memory_space<hbm>>
        %dma_start3A_65 = tpu.memref_slice %arg5[%add3A_51] : memref<262144xi32, #tpu.memory_space<hbm>> -> memref<2048xi32, #tpu.memory_space<hbm>>
        tpu.enqueue_dma source(%dma_start3A_65 : memref<2048xi32, #tpu.memory_space<hbm>>) target(%arg12 : memref<2048xi32, #tpu.memory_space<vmem>>) target_semaphore(%run_scoped3A : memref<!tpu.dma_semaphore, #tpu.memory_space<semaphore_mem>>)
        %dma_wait3A_66 = tpu.memref_slice %arg5[%add3A_51] : memref<262144xi32, #tpu.memory_space<hbm>> -> memref<2048xi32, #tpu.memory_space<hbm>>
        %dma_wait3A_67 = tpu.memref_slice %arg5[%add3A_51] : memref<262144xi32, #tpu.memory_space<hbm>> -> memref<2048xi32, #tpu.memory_space<hbm>>
        tpu.wait_dma2 semaphore(%run_scoped3A : memref<!tpu.dma_semaphore, #tpu.memory_space<semaphore_mem>>) src(%dma_wait3A_67 : memref<2048xi32, #tpu.memory_space<hbm>>) dst(%arg12 : memref<2048xi32, #tpu.memory_space<vmem>>)
        tpu.yield
      }) : () -> ()
      %scan3A_52 = arith.constant 0 : i32
      %scan3A_53 = arith.constant 0 : i32
      %scan3A_54 = arith.constant 128 : i32
      %scan3A_55 = arith.addi %scan3A_53, %scan3A_54 : i32
      %scan3A_56 = arith.constant 1 : i32
      scf.for %scan3A_64 = %scan3A_53 to %scan3A_55 step %scan3A_56  : i32 {
        %mul3A_65 = arith.constant 128 : i32
        %mul3A_66 = arith.muli %scan3A_46, %mul3A_65 : i32
        %add3A_67 = arith.addi %mul3A_22, %mul3A_66 : i32
        %add3A_68 = arith.addi %add3A_67, %scan3A_64 : i32
        %broadcast_in_dim3A = vector.broadcast %add3A_68 : i32 to vector<16xi32>
        %mul3A_69 = arith.constant 16 : i32
        %mul3A_70 = arith.muli %scan3A_64, %mul3A_69 : i32
        %swap3A = arith.index_cast %mul3A_70 : i32 to index
        %swap3A_71 = tpu.vector_load %arg14[%swap3A] {strides = array<i32>} : memref<2048xi32, #tpu.memory_space<vmem>>, vector<16xi32>,
        tpu.vector_store %arg14[%swap3A], %broadcast_in_dim3A {strides = array<i32>} : memref<2048xi32, #tpu.memory_space<vmem>>, vector<16xi32>,
      }
      %scan3A_57 = arith.constant 128 : i32
      %dma_start3A_58 = arith.constant 0 : i32
      %dma_start3A_59 = arith.constant 0 : i32
      %dma_start3A_60 = tpu.memref_slice %arg2[%dma_start3A_58, %dma_start3A_59] : memref<4000000x32xf32, #tpu.memory_space<hbm>> -> memref<4000000x32xf32, #tpu.memory_space<hbm>>
      tpu.enqueue_indirect_dma source(%dma_start3A_60 : memref<4000000x32xf32, #tpu.memory_space<hbm>>) target(%arg13 : memref<2048x32xf32, #tpu.memory_space<vmem>>) offsets(%arg12 : memref<2048xi32, #tpu.memory_space<vmem>>) semaphore(%arg16 : memref<!tpu.dma_semaphore, #tpu.memory_space<semaphore_mem>>)
      %dma_wait3A_61 = arith.constant 0 : i32
      %dma_wait3A_62 = arith.constant 0 : i32
      %dma_wait3A_63 = tpu.memref_slice %arg2[%dma_wait3A_61, %dma_wait3A_62] : memref<4000000x32xf32, #tpu.memory_space<hbm>> -> memref<4000000x32xf32, #tpu.memory_space<hbm>>
      tpu.wait_indirect_dma semaphore(%arg16 : memref<!tpu.dma_semaphore, #tpu.memory_space<semaphore_mem>>) src(%dma_wait3A_63 : memref<4000000x32xf32, #tpu.memory_space<hbm>>) dst(%arg13 : memref<2048x32xf32, #tpu.memory_space<vmem>>)
      "tpu.region"() ({
        %run_scoped3A = tpu.sem_alloc : memref<!tpu.dma_semaphore, #tpu.memory_space<semaphore_mem>>
        %dma_start3A_64 = arith.constant 0 : i32
        %dma_start3A_65 = arith.constant 0 : i32
        %dma_start3A_66 = tpu.memref_slice %arg15[%dma_start3A_64, %dma_start3A_65] : memref<16384x32xf32, #tpu.memory_space<vmem_shared>> -> memref<16384x32xf32, #tpu.memory_space<vmem_shared>>
        tpu.enqueue_indirect_dma source(%arg13 : memref<2048x32xf32, #tpu.memory_space<vmem>>) target(%dma_start3A_66 : memref<16384x32xf32, #tpu.memory_space<vmem_shared>>) offsets(%arg14 : memref<2048xi32, #tpu.memory_space<vmem>>) semaphore(%run_scoped3A : memref<!tpu.dma_semaphore, #tpu.memory_space<semaphore_mem>>) {add = true}
        %dma_wait3A_67 = arith.constant 0 : i32
        %dma_wait3A_68 = arith.constant 0 : i32
        %dma_wait3A_69 = tpu.memref_slice %arg15[%dma_wait3A_67, %dma_wait3A_68] : memref<16384x32xf32, #tpu.memory_space<vmem_shared>> -> memref<16384x32xf32, #tpu.memory_space<vmem_shared>>
        tpu.wait_indirect_dma semaphore(%run_scoped3A : memref<!tpu.dma_semaphore, #tpu.memory_space<semaphore_mem>>) src(%arg13 : memref<2048x32xf32, #tpu.memory_space<vmem>>) dst(%dma_wait3A_69 : memref<16384x32xf32, #tpu.memory_space<vmem_shared>>)
        tpu.yield
      }) : () -> ()
    }
    %scan3A_27 = arith.constant 4 : i32
    %mul3A_28 = arith.constant 512 : i32
    %mul3A_29 = arith.muli %arg1, %mul3A_28 : i32
    %add3A_30 = arith.constant 8192 : i32
    %add3A_31 = arith.addi %add3A_30, %mul3A_29 : i32
    %scan3A_32 = arith.constant 0 : i32
    %scan3A_33 = arith.constant 0 : i32
    %scan3A_34 = arith.constant 4 : i32
    %scan3A_35 = arith.addi %scan3A_33, %scan3A_34 : i32
    %scan3A_36 = arith.constant 1 : i32
    scf.for %scan3A_46 = %scan3A_33 to %scan3A_35 step %scan3A_36  : i32 {
      %mul3A_47 = arith.constant 16 : i32
      %mul3A_48 = arith.muli %mul3A_2, %mul3A_47 : i32
      %mul3A_49 = arith.constant 2048 : i32
      %mul3A_50 = arith.muli %scan3A_46, %mul3A_49 : i32
      %add3A_51 = arith.addi %mul3A_48, %mul3A_50 : i32
      "tpu.region"() ({
        %run_scoped3A = tpu.sem_alloc : memref<!tpu.dma_semaphore, #tpu.memory_space<semaphore_mem>>
        %dma_start3A_64 = tpu.memref_slice %arg6[%add3A_51] : memref<262144xi32, #tpu.memory_space<hbm>> -> memref<2048xi32, #tpu.memory_space<hbm>>
        %dma_start3A_65 = tpu.memref_slice %arg6[%add3A_51] : memref<262144xi32, #tpu.memory_space<hbm>> -> memref<2048xi32, #tpu.memory_space<hbm>>
        tpu.enqueue_dma source(%dma_start3A_65 : memref<2048xi32, #tpu.memory_space<hbm>>) target(%arg12 : memref<2048xi32, #tpu.memory_space<vmem>>) target_semaphore(%run_scoped3A : memref<!tpu.dma_semaphore, #tpu.memory_space<semaphore_mem>>)
        %dma_wait3A_66 = tpu.memref_slice %arg6[%add3A_51] : memref<262144xi32, #tpu.memory_space<hbm>> -> memref<2048xi32, #tpu.memory_space<hbm>>
        %dma_wait3A_67 = tpu.memref_slice %arg6[%add3A_51] : memref<262144xi32, #tpu.memory_space<hbm>> -> memref<2048xi32, #tpu.memory_space<hbm>>
        tpu.wait_dma2 semaphore(%run_scoped3A : memref<!tpu.dma_semaphore, #tpu.memory_space<semaphore_mem>>) src(%dma_wait3A_67 : memref<2048xi32, #tpu.memory_space<hbm>>) dst(%arg12 : memref<2048xi32, #tpu.memory_space<vmem>>)
        tpu.yield
      }) : () -> ()
      %scan3A_52 = arith.constant 0 : i32
      %scan3A_53 = arith.constant 0 : i32
      %scan3A_54 = arith.constant 128 : i32
      %scan3A_55 = arith.addi %scan3A_53, %scan3A_54 : i32
      %scan3A_56 = arith.constant 1 : i32
      scf.for %scan3A_64 = %scan3A_53 to %scan3A_55 step %scan3A_56  : i32 {
        %mul3A_65 = arith.constant 128 : i32
        %mul3A_66 = arith.muli %scan3A_46, %mul3A_65 : i32
        %add3A_67 = arith.addi %add3A_31, %mul3A_66 : i32
        %add3A_68 = arith.addi %add3A_67, %scan3A_64 : i32
        %broadcast_in_dim3A = vector.broadcast %add3A_68 : i32 to vector<16xi32>
        %mul3A_69 = arith.constant 16 : i32
        %mul3A_70 = arith.muli %scan3A_64, %mul3A_69 : i32
        %swap3A = arith.index_cast %mul3A_70 : i32 to index
        %swap3A_71 = tpu.vector_load %arg14[%swap3A] {strides = array<i32>} : memref<2048xi32, #tpu.memory_space<vmem>>, vector<16xi32>,
        tpu.vector_store %arg14[%swap3A], %broadcast_in_dim3A {strides = array<i32>} : memref<2048xi32, #tpu.memory_space<vmem>>, vector<16xi32>,
      }
      %scan3A_57 = arith.constant 128 : i32
      %dma_start3A_58 = arith.constant 0 : i32
      %dma_start3A_59 = arith.constant 0 : i32
      %dma_start3A_60 = tpu.memref_slice %arg2[%dma_start3A_58, %dma_start3A_59] : memref<4000000x32xf32, #tpu.memory_space<hbm>> -> memref<4000000x32xf32, #tpu.memory_space<hbm>>
      tpu.enqueue_indirect_dma source(%dma_start3A_60 : memref<4000000x32xf32, #tpu.memory_space<hbm>>) target(%arg13 : memref<2048x32xf32, #tpu.memory_space<vmem>>) offsets(%arg12 : memref<2048xi32, #tpu.memory_space<vmem>>) semaphore(%arg16 : memref<!tpu.dma_semaphore, #tpu.memory_space<semaphore_mem>>)
      %dma_wait3A_61 = arith.constant 0 : i32
      %dma_wait3A_62 = arith.constant 0 : i32
      %dma_wait3A_63 = tpu.memref_slice %arg2[%dma_wait3A_61, %dma_wait3A_62] : memref<4000000x32xf32, #tpu.memory_space<hbm>> -> memref<4000000x32xf32, #tpu.memory_space<hbm>>
      tpu.wait_indirect_dma semaphore(%arg16 : memref<!tpu.dma_semaphore, #tpu.memory_space<semaphore_mem>>) src(%dma_wait3A_63 : memref<4000000x32xf32, #tpu.memory_space<hbm>>) dst(%arg13 : memref<2048x32xf32, #tpu.memory_space<vmem>>)
      "tpu.region"() ({
        %run_scoped3A = tpu.sem_alloc : memref<!tpu.dma_semaphore, #tpu.memory_space<semaphore_mem>>
        %dma_start3A_64 = arith.constant 0 : i32
        %dma_start3A_65 = arith.constant 0 : i32
        %dma_start3A_66 = tpu.memref_slice %arg15[%dma_start3A_64, %dma_start3A_65] : memref<16384x32xf32, #tpu.memory_space<vmem_shared>> -> memref<16384x32xf32, #tpu.memory_space<vmem_shared>>
        tpu.enqueue_indirect_dma source(%arg13 : memref<2048x32xf32, #tpu.memory_space<vmem>>) target(%dma_start3A_66 : memref<16384x32xf32, #tpu.memory_space<vmem_shared>>) offsets(%arg14 : memref<2048xi32, #tpu.memory_space<vmem>>) semaphore(%run_scoped3A : memref<!tpu.dma_semaphore, #tpu.memory_space<semaphore_mem>>) {add = true}
        %dma_wait3A_67 = arith.constant 0 : i32
        %dma_wait3A_68 = arith.constant 0 : i32
        %dma_wait3A_69 = tpu.memref_slice %arg15[%dma_wait3A_67, %dma_wait3A_68] : memref<16384x32xf32, #tpu.memory_space<vmem_shared>> -> memref<16384x32xf32, #tpu.memory_space<vmem_shared>>
        tpu.wait_indirect_dma semaphore(%run_scoped3A : memref<!tpu.dma_semaphore, #tpu.memory_space<semaphore_mem>>) src(%arg13 : memref<2048x32xf32, #tpu.memory_space<vmem>>) dst(%dma_wait3A_69 : memref<16384x32xf32, #tpu.memory_space<vmem_shared>>)
        tpu.yield
      }) : () -> ()
    }
    %scan3A_37 = arith.constant 4 : i32
    %mul3A_38 = arith.constant 512 : i32
    %mul3A_39 = arith.muli %arg1, %mul3A_38 : i32
    "tpu.region"() ({
      %run_scoped3A = tpu.sem_alloc : memref<!tpu.dma_semaphore, #tpu.memory_space<semaphore_mem>>
      %dma_start3A_46 = arith.constant 0 : i32
      %dma_start3A_47 = tpu.memref_slice %arg15[%mul3A_39, %dma_start3A_46] : memref<16384x32xf32, #tpu.memory_space<vmem_shared>> -> memref<512x32xf32, #tpu.memory_space<vmem_shared>>
      %dma_start3A_48 = arith.constant 0 : i32
      %dma_start3A_49 = tpu.memref_slice %arg15[%mul3A_39, %dma_start3A_48] : memref<16384x32xf32, #tpu.memory_space<vmem_shared>> -> memref<512x32xf32, #tpu.memory_space<vmem_shared>>
      tpu.enqueue_dma source(%dma_start3A_49 : memref<512x32xf32, #tpu.memory_space<vmem_shared>>) target(%arg11 : memref<512x32xf32, #tpu.memory_space<vmem>>) target_semaphore(%run_scoped3A : memref<!tpu.dma_semaphore, #tpu.memory_space<semaphore_mem>>)
      %dma_wait3A_50 = arith.constant 0 : i32
      %dma_wait3A_51 = tpu.memref_slice %arg15[%mul3A_39, %dma_wait3A_50] : memref<16384x32xf32, #tpu.memory_space<vmem_shared>> -> memref<512x32xf32, #tpu.memory_space<vmem_shared>>
      %dma_wait3A_52 = arith.constant 0 : i32
      %dma_wait3A_53 = tpu.memref_slice %arg15[%mul3A_39, %dma_wait3A_52] : memref<16384x32xf32, #tpu.memory_space<vmem_shared>> -> memref<512x32xf32, #tpu.memory_space<vmem_shared>>
      tpu.wait_dma2 semaphore(%run_scoped3A : memref<!tpu.dma_semaphore, #tpu.memory_space<semaphore_mem>>) src(%dma_wait3A_53 : memref<512x32xf32, #tpu.memory_space<vmem_shared>>) dst(%arg11 : memref<512x32xf32, #tpu.memory_space<vmem>>)
      tpu.yield
    }) : () -> ()
    "tpu.region"() ({
      %run_scoped3A = tpu.sem_alloc : memref<!tpu.dma_semaphore, #tpu.memory_space<semaphore_mem>>
      %dma_start3A_46 = arith.constant 0 : i32
      %dma_start3A_47 = tpu.memref_slice %arg9[%mul3A_2, %dma_start3A_46] : memref<32768x32xf32, #tpu.memory_space<hbm>> -> memref<512x32xf32, #tpu.memory_space<hbm>>
      %dma_start3A_48 = arith.constant 0 : i32
      %dma_start3A_49 = tpu.memref_slice %arg9[%mul3A_2, %dma_start3A_48] : memref<32768x32xf32, #tpu.memory_space<hbm>> -> memref<512x32xf32, #tpu.memory_space<hbm>>
      tpu.enqueue_dma source(%arg11 : memref<512x32xf32, #tpu.memory_space<vmem>>) target(%dma_start3A_49 : memref<512x32xf32, #tpu.memory_space<hbm>>) target_semaphore(%run_scoped3A : memref<!tpu.dma_semaphore, #tpu.memory_space<semaphore_mem>>)
      %dma_wait3A_50 = arith.constant 0 : i32
      %dma_wait3A_51 = tpu.memref_slice %arg9[%mul3A_2, %dma_wait3A_50] : memref<32768x32xf32, #tpu.memory_space<hbm>> -> memref<512x32xf32, #tpu.memory_space<hbm>>
      %dma_wait3A_52 = arith.constant 0 : i32
      %dma_wait3A_53 = tpu.memref_slice %arg9[%mul3A_2, %dma_wait3A_52] : memref<32768x32xf32, #tpu.memory_space<hbm>> -> memref<512x32xf32, #tpu.memory_space<hbm>>
      tpu.wait_dma2 semaphore(%run_scoped3A : memref<!tpu.dma_semaphore, #tpu.memory_space<semaphore_mem>>) src(%arg11 : memref<512x32xf32, #tpu.memory_space<vmem>>) dst(%dma_wait3A_53 : memref<512x32xf32, #tpu.memory_space<hbm>>)
      tpu.yield
    }) : () -> ()
    %mul3A_40 = arith.constant 512 : i32
    %mul3A_41 = arith.muli %arg1, %mul3A_40 : i32
    %add3A_42 = arith.constant 8192 : i32
    %add3A_43 = arith.addi %add3A_42, %mul3A_41 : i32
    "tpu.region"() ({
      %run_scoped3A = tpu.sem_alloc : memref<!tpu.dma_semaphore, #tpu.memory_space<semaphore_mem>>
      %dma_start3A_46 = arith.constant 0 : i32
      %dma_start3A_47 = tpu.memref_slice %arg15[%add3A_43, %dma_start3A_46] : memref<16384x32xf32, #tpu.memory_space<vmem_shared>> -> memref<512x32xf32, #tpu.memory_space<vmem_shared>>
      %dma_start3A_48 = arith.constant 0 : i32
      %dma_start3A_49 = tpu.memref_slice %arg15[%add3A_43, %dma_start3A_48] : memref<16384x32xf32, #tpu.memory_space<vmem_shared>> -> memref<512x32xf32, #tpu.memory_space<vmem_shared>>
      tpu.enqueue_dma source(%dma_start3A_49 : memref<512x32xf32, #tpu.memory_space<vmem_shared>>) target(%arg11 : memref<512x32xf32, #tpu.memory_space<vmem>>) target_semaphore(%run_scoped3A : memref<!tpu.dma_semaphore, #tpu.memory_space<semaphore_mem>>)
      %dma_wait3A_50 = arith.constant 0 : i32
      %dma_wait3A_51 = tpu.memref_slice %arg15[%add3A_43, %dma_wait3A_50] : memref<16384x32xf32, #tpu.memory_space<vmem_shared>> -> memref<512x32xf32, #tpu.memory_space<vmem_shared>>
      %dma_wait3A_52 = arith.constant 0 : i32
      %dma_wait3A_53 = tpu.memref_slice %arg15[%add3A_43, %dma_wait3A_52] : memref<16384x32xf32, #tpu.memory_space<vmem_shared>> -> memref<512x32xf32, #tpu.memory_space<vmem_shared>>
      tpu.wait_dma2 semaphore(%run_scoped3A : memref<!tpu.dma_semaphore, #tpu.memory_space<semaphore_mem>>) src(%dma_wait3A_53 : memref<512x32xf32, #tpu.memory_space<vmem_shared>>) dst(%arg11 : memref<512x32xf32, #tpu.memory_space<vmem>>)
      tpu.yield
    }) : () -> ()
    %add3A_44 = arith.constant 16384 : i32
    %add3A_45 = arith.addi %add3A_44, %mul3A_2 : i32
    "tpu.region"() ({
      %run_scoped3A = tpu.sem_alloc : memref<!tpu.dma_semaphore, #tpu.memory_space<semaphore_mem>>
      %dma_start3A_46 = arith.constant 0 : i32
      %dma_start3A_47 = tpu.memref_slice %arg9[%add3A_45, %dma_start3A_46] : memref<32768x32xf32, #tpu.memory_space<hbm>> -> memref<512x32xf32, #tpu.memory_space<hbm>>
      %dma_start3A_48 = arith.constant 0 : i32
      %dma_start3A_49 = tpu.memref_slice %arg9[%add3A_45, %dma_start3A_48] : memref<32768x32xf32, #tpu.memory_space<hbm>> -> memref<512x32xf32, #tpu.memory_space<hbm>>
      tpu.enqueue_dma source(%arg11 : memref<512x32xf32, #tpu.memory_space<vmem>>) target(%dma_start3A_49 : memref<512x32xf32, #tpu.memory_space<hbm>>) target_semaphore(%run_scoped3A : memref<!tpu.dma_semaphore, #tpu.memory_space<semaphore_mem>>)
      %dma_wait3A_50 = arith.constant 0 : i32
      %dma_wait3A_51 = tpu.memref_slice %arg9[%add3A_45, %dma_wait3A_50] : memref<32768x32xf32, #tpu.memory_space<hbm>> -> memref<512x32xf32, #tpu.memory_space<hbm>>
      %dma_wait3A_52 = arith.constant 0 : i32
      %dma_wait3A_53 = tpu.memref_slice %arg9[%add3A_45, %dma_wait3A_52] : memref<32768x32xf32, #tpu.memory_space<hbm>> -> memref<512x32xf32, #tpu.memory_space<hbm>>
      tpu.wait_dma2 semaphore(%run_scoped3A : memref<!tpu.dma_semaphore, #tpu.memory_space<semaphore_mem>>) src(%arg11 : memref<512x32xf32, #tpu.memory_space<vmem>>) dst(%dma_wait3A_53 : memref<512x32xf32, #tpu.memory_space<hbm>>)
      tpu.yield
    }) : () -> ()
    return
  }
}

#map = affine_map<(d0, d1) -> (0, 0)>
#map1 = affine_map<(d0, d1) -> (0)>
module attributes {stable_mosaic.version = 14 : i64} {
  func.func @_transpose_body(%arg0: i32, %arg1: i32, %arg2: memref<32x1000000xf32, #tpu.memory_space<hbm>>, %arg3: memref<2048xf32, #tpu.memory_space<hbm>>, %arg4: memref<128000000xf32, #tpu.memory_space<hbm>>, %arg5: memref<32x256xf32, #tpu.memory_space<vmem>>, %arg6: memref<65536xf32, #tpu.memory_space<vmem>>, %arg7: memref<2048xf32, #tpu.memory_space<vmem>>, %arg8: memref<!tpu.dma_semaphore, #tpu.memory_space<semaphore_mem>>) attributes {dimension_semantics = [#tpu.dimension_semantics<core_parallel>, #tpu.dimension_semantics<subcore_parallel>], iteration_bounds = array<i64: 2, 16>, scalar_prefetch = 0 : i64, scratch_operands = 4 : i64, tpu.core_type = #tpu.core_type<sc_vector_subcore>, window_params = [{transform_indices = #map}, {transform_indices = #map1}, {transform_indices = #map1}]} {
    %mul3A = arith.constant 2 : i32
    %mul3A_0 = arith.muli %arg1, %mul3A : i32
    %add3A = arith.addi %mul3A_0, %arg0 : i32
    %iota3A = tpu.iota {dimensions = array<i32: 0>} : vector<16xi32>
    %add3A_1 = arith.constant 16 : i32
    %add3A_2 = vector.broadcast %add3A_1 : i32 to vector<16xi32>
    %add3A_3 = arith.addi %iota3A, %add3A_2 : vector<16xi32>
    %add3A_4 = arith.constant 0 : i32
    %add3A_5 = vector.broadcast %add3A_4 : i32 to vector<16xi32>
    %add3A_6 = arith.addi %iota3A, %add3A_5 : vector<16xi32>
    %and3A = arith.constant 15 : i32
    %and3A_7 = vector.broadcast %and3A : i32 to vector<16xi32>
    %and3A_8 = arith.andi %add3A_6, %and3A_7 : vector<16xi32>
    %add3A_9 = arith.constant 1 : i32
    %add3A_10 = vector.broadcast %add3A_9 : i32 to vector<16xi32>
    %add3A_11 = arith.addi %iota3A, %add3A_10 : vector<16xi32>
    %and3A_12 = arith.constant 15 : i32
    %and3A_13 = vector.broadcast %and3A_12 : i32 to vector<16xi32>
    %and3A_14 = arith.andi %add3A_11, %and3A_13 : vector<16xi32>
    %add3A_15 = arith.constant 2 : i32
    %add3A_16 = vector.broadcast %add3A_15 : i32 to vector<16xi32>
    %add3A_17 = arith.addi %iota3A, %add3A_16 : vector<16xi32>
    %and3A_18 = arith.constant 15 : i32
    %and3A_19 = vector.broadcast %and3A_18 : i32 to vector<16xi32>
    %and3A_20 = arith.andi %add3A_17, %and3A_19 : vector<16xi32>
    %add3A_21 = arith.constant 3 : i32
    %add3A_22 = vector.broadcast %add3A_21 : i32 to vector<16xi32>
    %add3A_23 = arith.addi %iota3A, %add3A_22 : vector<16xi32>
    %and3A_24 = arith.constant 15 : i32
    %and3A_25 = vector.broadcast %and3A_24 : i32 to vector<16xi32>
    %and3A_26 = arith.andi %add3A_23, %and3A_25 : vector<16xi32>
    %add3A_27 = arith.constant 4 : i32
    %add3A_28 = vector.broadcast %add3A_27 : i32 to vector<16xi32>
    %add3A_29 = arith.addi %iota3A, %add3A_28 : vector<16xi32>
    %and3A_30 = arith.constant 15 : i32
    %and3A_31 = vector.broadcast %and3A_30 : i32 to vector<16xi32>
    %and3A_32 = arith.andi %add3A_29, %and3A_31 : vector<16xi32>
    %add3A_33 = arith.constant 5 : i32
    %add3A_34 = vector.broadcast %add3A_33 : i32 to vector<16xi32>
    %add3A_35 = arith.addi %iota3A, %add3A_34 : vector<16xi32>
    %and3A_36 = arith.constant 15 : i32
    %and3A_37 = vector.broadcast %and3A_36 : i32 to vector<16xi32>
    %and3A_38 = arith.andi %add3A_35, %and3A_37 : vector<16xi32>
    %add3A_39 = arith.constant 6 : i32
    %add3A_40 = vector.broadcast %add3A_39 : i32 to vector<16xi32>
    %add3A_41 = arith.addi %iota3A, %add3A_40 : vector<16xi32>
    %and3A_42 = arith.constant 15 : i32
    %and3A_43 = vector.broadcast %and3A_42 : i32 to vector<16xi32>
    %and3A_44 = arith.andi %add3A_41, %and3A_43 : vector<16xi32>
    %add3A_45 = arith.constant 7 : i32
    %add3A_46 = vector.broadcast %add3A_45 : i32 to vector<16xi32>
    %add3A_47 = arith.addi %iota3A, %add3A_46 : vector<16xi32>
    %and3A_48 = arith.constant 15 : i32
    %and3A_49 = vector.broadcast %and3A_48 : i32 to vector<16xi32>
    %and3A_50 = arith.andi %add3A_47, %and3A_49 : vector<16xi32>
    %add3A_51 = arith.constant 8 : i32
    %add3A_52 = vector.broadcast %add3A_51 : i32 to vector<16xi32>
    %add3A_53 = arith.addi %iota3A, %add3A_52 : vector<16xi32>
    %and3A_54 = arith.constant 15 : i32
    %and3A_55 = vector.broadcast %and3A_54 : i32 to vector<16xi32>
    %and3A_56 = arith.andi %add3A_53, %and3A_55 : vector<16xi32>
    %add3A_57 = arith.constant 9 : i32
    %add3A_58 = vector.broadcast %add3A_57 : i32 to vector<16xi32>
    %add3A_59 = arith.addi %iota3A, %add3A_58 : vector<16xi32>
    %and3A_60 = arith.constant 15 : i32
    %and3A_61 = vector.broadcast %and3A_60 : i32 to vector<16xi32>
    %and3A_62 = arith.andi %add3A_59, %and3A_61 : vector<16xi32>
    %add3A_63 = arith.constant 10 : i32
    %add3A_64 = vector.broadcast %add3A_63 : i32 to vector<16xi32>
    %add3A_65 = arith.addi %iota3A, %add3A_64 : vector<16xi32>
    %and3A_66 = arith.constant 15 : i32
    %and3A_67 = vector.broadcast %and3A_66 : i32 to vector<16xi32>
    %and3A_68 = arith.andi %add3A_65, %and3A_67 : vector<16xi32>
    %add3A_69 = arith.constant 11 : i32
    %add3A_70 = vector.broadcast %add3A_69 : i32 to vector<16xi32>
    %add3A_71 = arith.addi %iota3A, %add3A_70 : vector<16xi32>
    %and3A_72 = arith.constant 15 : i32
    %and3A_73 = vector.broadcast %and3A_72 : i32 to vector<16xi32>
    %and3A_74 = arith.andi %add3A_71, %and3A_73 : vector<16xi32>
    %add3A_75 = arith.constant 12 : i32
    %add3A_76 = vector.broadcast %add3A_75 : i32 to vector<16xi32>
    %add3A_77 = arith.addi %iota3A, %add3A_76 : vector<16xi32>
    %and3A_78 = arith.constant 15 : i32
    %and3A_79 = vector.broadcast %and3A_78 : i32 to vector<16xi32>
    %and3A_80 = arith.andi %add3A_77, %and3A_79 : vector<16xi32>
    %add3A_81 = arith.constant 13 : i32
    %add3A_82 = vector.broadcast %add3A_81 : i32 to vector<16xi32>
    %add3A_83 = arith.addi %iota3A, %add3A_82 : vector<16xi32>
    %and3A_84 = arith.constant 15 : i32
    %and3A_85 = vector.broadcast %and3A_84 : i32 to vector<16xi32>
    %and3A_86 = arith.andi %add3A_83, %and3A_85 : vector<16xi32>
    %add3A_87 = arith.constant 14 : i32
    %add3A_88 = vector.broadcast %add3A_87 : i32 to vector<16xi32>
    %add3A_89 = arith.addi %iota3A, %add3A_88 : vector<16xi32>
    %and3A_90 = arith.constant 15 : i32
    %and3A_91 = vector.broadcast %and3A_90 : i32 to vector<16xi32>
    %and3A_92 = arith.andi %add3A_89, %and3A_91 : vector<16xi32>
    %add3A_93 = arith.constant 15 : i32
    %add3A_94 = vector.broadcast %add3A_93 : i32 to vector<16xi32>
    %add3A_95 = arith.addi %iota3A, %add3A_94 : vector<16xi32>
    %and3A_96 = arith.constant 15 : i32
    %and3A_97 = vector.broadcast %and3A_96 : i32 to vector<16xi32>
    %and3A_98 = arith.andi %add3A_95, %and3A_97 : vector<16xi32>
    %mul3A_99 = arith.constant 128 : i32
    %mul3A_100 = vector.broadcast %mul3A_99 : i32 to vector<16xi32>
    %mul3A_101 = arith.muli %and3A_8, %mul3A_100 : vector<16xi32>
    %add3A_102 = arith.addi %mul3A_101, %iota3A : vector<16xi32>
    %add3A_103 = arith.constant 0 : i32
    %add3A_104 = vector.broadcast %add3A_103 : i32 to vector<16xi32>
    %add3A_105 = arith.addi %add3A_102, %add3A_104 : vector<16xi32>
    %mul3A_106 = arith.constant 128 : i32
    %mul3A_107 = vector.broadcast %mul3A_106 : i32 to vector<16xi32>
    %mul3A_108 = arith.muli %and3A_14, %mul3A_107 : vector<16xi32>
    %add3A_109 = arith.addi %mul3A_108, %iota3A : vector<16xi32>
    %add3A_110 = arith.constant 0 : i32
    %add3A_111 = vector.broadcast %add3A_110 : i32 to vector<16xi32>
    %add3A_112 = arith.addi %add3A_109, %add3A_111 : vector<16xi32>
    %mul3A_113 = arith.constant 128 : i32
    %mul3A_114 = vector.broadcast %mul3A_113 : i32 to vector<16xi32>
    %mul3A_115 = arith.muli %and3A_20, %mul3A_114 : vector<16xi32>
    %add3A_116 = arith.addi %mul3A_115, %iota3A : vector<16xi32>
    %add3A_117 = arith.constant 0 : i32
    %add3A_118 = vector.broadcast %add3A_117 : i32 to vector<16xi32>
    %add3A_119 = arith.addi %add3A_116, %add3A_118 : vector<16xi32>
    %mul3A_120 = arith.constant 128 : i32
    %mul3A_121 = vector.broadcast %mul3A_120 : i32 to vector<16xi32>
    %mul3A_122 = arith.muli %and3A_26, %mul3A_121 : vector<16xi32>
    %add3A_123 = arith.addi %mul3A_122, %iota3A : vector<16xi32>
    %add3A_124 = arith.constant 0 : i32
    %add3A_125 = vector.broadcast %add3A_124 : i32 to vector<16xi32>
    %add3A_126 = arith.addi %add3A_123, %add3A_125 : vector<16xi32>
    %mul3A_127 = arith.constant 128 : i32
    %mul3A_128 = vector.broadcast %mul3A_127 : i32 to vector<16xi32>
    %mul3A_129 = arith.muli %and3A_32, %mul3A_128 : vector<16xi32>
    %add3A_130 = arith.addi %mul3A_129, %iota3A : vector<16xi32>
    %add3A_131 = arith.constant 0 : i32
    %add3A_132 = vector.broadcast %add3A_131 : i32 to vector<16xi32>
    %add3A_133 = arith.addi %add3A_130, %add3A_132 : vector<16xi32>
    %mul3A_134 = arith.constant 128 : i32
    %mul3A_135 = vector.broadcast %mul3A_134 : i32 to vector<16xi32>
    %mul3A_136 = arith.muli %and3A_38, %mul3A_135 : vector<16xi32>
    %add3A_137 = arith.addi %mul3A_136, %iota3A : vector<16xi32>
    %add3A_138 = arith.constant 0 : i32
    %add3A_139 = vector.broadcast %add3A_138 : i32 to vector<16xi32>
    %add3A_140 = arith.addi %add3A_137, %add3A_139 : vector<16xi32>
    %mul3A_141 = arith.constant 128 : i32
    %mul3A_142 = vector.broadcast %mul3A_141 : i32 to vector<16xi32>
    %mul3A_143 = arith.muli %and3A_44, %mul3A_142 : vector<16xi32>
    %add3A_144 = arith.addi %mul3A_143, %iota3A : vector<16xi32>
    %add3A_145 = arith.constant 0 : i32
    %add3A_146 = vector.broadcast %add3A_145 : i32 to vector<16xi32>
    %add3A_147 = arith.addi %add3A_144, %add3A_146 : vector<16xi32>
    %mul3A_148 = arith.constant 128 : i32
    %mul3A_149 = vector.broadcast %mul3A_148 : i32 to vector<16xi32>
    %mul3A_150 = arith.muli %and3A_50, %mul3A_149 : vector<16xi32>
    %add3A_151 = arith.addi %mul3A_150, %iota3A : vector<16xi32>
    %add3A_152 = arith.constant 0 : i32
    %add3A_153 = vector.broadcast %add3A_152 : i32 to vector<16xi32>
    %add3A_154 = arith.addi %add3A_151, %add3A_153 : vector<16xi32>
    %mul3A_155 = arith.constant 128 : i32
    %mul3A_156 = vector.broadcast %mul3A_155 : i32 to vector<16xi32>
    %mul3A_157 = arith.muli %and3A_56, %mul3A_156 : vector<16xi32>
    %add3A_158 = arith.addi %mul3A_157, %iota3A : vector<16xi32>
    %add3A_159 = arith.constant 0 : i32
    %add3A_160 = vector.broadcast %add3A_159 : i32 to vector<16xi32>
    %add3A_161 = arith.addi %add3A_158, %add3A_160 : vector<16xi32>
    %mul3A_162 = arith.constant 128 : i32
    %mul3A_163 = vector.broadcast %mul3A_162 : i32 to vector<16xi32>
    %mul3A_164 = arith.muli %and3A_62, %mul3A_163 : vector<16xi32>
    %add3A_165 = arith.addi %mul3A_164, %iota3A : vector<16xi32>
    %add3A_166 = arith.constant 0 : i32
    %add3A_167 = vector.broadcast %add3A_166 : i32 to vector<16xi32>
    %add3A_168 = arith.addi %add3A_165, %add3A_167 : vector<16xi32>
    %mul3A_169 = arith.constant 128 : i32
    %mul3A_170 = vector.broadcast %mul3A_169 : i32 to vector<16xi32>
    %mul3A_171 = arith.muli %and3A_68, %mul3A_170 : vector<16xi32>
    %add3A_172 = arith.addi %mul3A_171, %iota3A : vector<16xi32>
    %add3A_173 = arith.constant 0 : i32
    %add3A_174 = vector.broadcast %add3A_173 : i32 to vector<16xi32>
    %add3A_175 = arith.addi %add3A_172, %add3A_174 : vector<16xi32>
    %mul3A_176 = arith.constant 128 : i32
    %mul3A_177 = vector.broadcast %mul3A_176 : i32 to vector<16xi32>
    %mul3A_178 = arith.muli %and3A_74, %mul3A_177 : vector<16xi32>
    %add3A_179 = arith.addi %mul3A_178, %iota3A : vector<16xi32>
    %add3A_180 = arith.constant 0 : i32
    %add3A_181 = vector.broadcast %add3A_180 : i32 to vector<16xi32>
    %add3A_182 = arith.addi %add3A_179, %add3A_181 : vector<16xi32>
    %mul3A_183 = arith.constant 128 : i32
    %mul3A_184 = vector.broadcast %mul3A_183 : i32 to vector<16xi32>
    %mul3A_185 = arith.muli %and3A_80, %mul3A_184 : vector<16xi32>
    %add3A_186 = arith.addi %mul3A_185, %iota3A : vector<16xi32>
    %add3A_187 = arith.constant 0 : i32
    %add3A_188 = vector.broadcast %add3A_187 : i32 to vector<16xi32>
    %add3A_189 = arith.addi %add3A_186, %add3A_188 : vector<16xi32>
    %mul3A_190 = arith.constant 128 : i32
    %mul3A_191 = vector.broadcast %mul3A_190 : i32 to vector<16xi32>
    %mul3A_192 = arith.muli %and3A_86, %mul3A_191 : vector<16xi32>
    %add3A_193 = arith.addi %mul3A_192, %iota3A : vector<16xi32>
    %add3A_194 = arith.constant 0 : i32
    %add3A_195 = vector.broadcast %add3A_194 : i32 to vector<16xi32>
    %add3A_196 = arith.addi %add3A_193, %add3A_195 : vector<16xi32>
    %mul3A_197 = arith.constant 128 : i32
    %mul3A_198 = vector.broadcast %mul3A_197 : i32 to vector<16xi32>
    %mul3A_199 = arith.muli %and3A_92, %mul3A_198 : vector<16xi32>
    %add3A_200 = arith.addi %mul3A_199, %iota3A : vector<16xi32>
    %add3A_201 = arith.constant 0 : i32
    %add3A_202 = vector.broadcast %add3A_201 : i32 to vector<16xi32>
    %add3A_203 = arith.addi %add3A_200, %add3A_202 : vector<16xi32>
    %mul3A_204 = arith.constant 128 : i32
    %mul3A_205 = vector.broadcast %mul3A_204 : i32 to vector<16xi32>
    %mul3A_206 = arith.muli %and3A_98, %mul3A_205 : vector<16xi32>
    %add3A_207 = arith.addi %mul3A_206, %iota3A : vector<16xi32>
    %add3A_208 = arith.constant 0 : i32
    %add3A_209 = vector.broadcast %add3A_208 : i32 to vector<16xi32>
    %add3A_210 = arith.addi %add3A_207, %add3A_209 : vector<16xi32>
    %mul3A_211 = arith.constant 128 : i32
    %mul3A_212 = vector.broadcast %mul3A_211 : i32 to vector<16xi32>
    %mul3A_213 = arith.muli %and3A_8, %mul3A_212 : vector<16xi32>
    %add3A_214 = arith.addi %mul3A_213, %iota3A : vector<16xi32>
    %add3A_215 = arith.constant 16 : i32
    %add3A_216 = vector.broadcast %add3A_215 : i32 to vector<16xi32>
    %add3A_217 = arith.addi %add3A_214, %add3A_216 : vector<16xi32>
    %mul3A_218 = arith.constant 128 : i32
    %mul3A_219 = vector.broadcast %mul3A_218 : i32 to vector<16xi32>
    %mul3A_220 = arith.muli %and3A_14, %mul3A_219 : vector<16xi32>
    %add3A_221 = arith.addi %mul3A_220, %iota3A : vector<16xi32>
    %add3A_222 = arith.constant 16 : i32
    %add3A_223 = vector.broadcast %add3A_222 : i32 to vector<16xi32>
    %add3A_224 = arith.addi %add3A_221, %add3A_223 : vector<16xi32>
    %mul3A_225 = arith.constant 128 : i32
    %mul3A_226 = vector.broadcast %mul3A_225 : i32 to vector<16xi32>
    %mul3A_227 = arith.muli %and3A_20, %mul3A_226 : vector<16xi32>
    %add3A_228 = arith.addi %mul3A_227, %iota3A : vector<16xi32>
    %add3A_229 = arith.constant 16 : i32
    %add3A_230 = vector.broadcast %add3A_229 : i32 to vector<16xi32>
    %add3A_231 = arith.addi %add3A_228, %add3A_230 : vector<16xi32>
    %mul3A_232 = arith.constant 128 : i32
    %mul3A_233 = vector.broadcast %mul3A_232 : i32 to vector<16xi32>
    %mul3A_234 = arith.muli %and3A_26, %mul3A_233 : vector<16xi32>
    %add3A_235 = arith.addi %mul3A_234, %iota3A : vector<16xi32>
    %add3A_236 = arith.constant 16 : i32
    %add3A_237 = vector.broadcast %add3A_236 : i32 to vector<16xi32>
    %add3A_238 = arith.addi %add3A_235, %add3A_237 : vector<16xi32>
    %mul3A_239 = arith.constant 128 : i32
    %mul3A_240 = vector.broadcast %mul3A_239 : i32 to vector<16xi32>
    %mul3A_241 = arith.muli %and3A_32, %mul3A_240 : vector<16xi32>
    %add3A_242 = arith.addi %mul3A_241, %iota3A : vector<16xi32>
    %add3A_243 = arith.constant 16 : i32
    %add3A_244 = vector.broadcast %add3A_243 : i32 to vector<16xi32>
    %add3A_245 = arith.addi %add3A_242, %add3A_244 : vector<16xi32>
    %mul3A_246 = arith.constant 128 : i32
    %mul3A_247 = vector.broadcast %mul3A_246 : i32 to vector<16xi32>
    %mul3A_248 = arith.muli %and3A_38, %mul3A_247 : vector<16xi32>
    %add3A_249 = arith.addi %mul3A_248, %iota3A : vector<16xi32>
    %add3A_250 = arith.constant 16 : i32
    %add3A_251 = vector.broadcast %add3A_250 : i32 to vector<16xi32>
    %add3A_252 = arith.addi %add3A_249, %add3A_251 : vector<16xi32>
    %mul3A_253 = arith.constant 128 : i32
    %mul3A_254 = vector.broadcast %mul3A_253 : i32 to vector<16xi32>
    %mul3A_255 = arith.muli %and3A_44, %mul3A_254 : vector<16xi32>
    %add3A_256 = arith.addi %mul3A_255, %iota3A : vector<16xi32>
    %add3A_257 = arith.constant 16 : i32
    %add3A_258 = vector.broadcast %add3A_257 : i32 to vector<16xi32>
    %add3A_259 = arith.addi %add3A_256, %add3A_258 : vector<16xi32>
    %mul3A_260 = arith.constant 128 : i32
    %mul3A_261 = vector.broadcast %mul3A_260 : i32 to vector<16xi32>
    %mul3A_262 = arith.muli %and3A_50, %mul3A_261 : vector<16xi32>
    %add3A_263 = arith.addi %mul3A_262, %iota3A : vector<16xi32>
    %add3A_264 = arith.constant 16 : i32
    %add3A_265 = vector.broadcast %add3A_264 : i32 to vector<16xi32>
    %add3A_266 = arith.addi %add3A_263, %add3A_265 : vector<16xi32>
    %mul3A_267 = arith.constant 128 : i32
    %mul3A_268 = vector.broadcast %mul3A_267 : i32 to vector<16xi32>
    %mul3A_269 = arith.muli %and3A_56, %mul3A_268 : vector<16xi32>
    %add3A_270 = arith.addi %mul3A_269, %iota3A : vector<16xi32>
    %add3A_271 = arith.constant 16 : i32
    %add3A_272 = vector.broadcast %add3A_271 : i32 to vector<16xi32>
    %add3A_273 = arith.addi %add3A_270, %add3A_272 : vector<16xi32>
    %mul3A_274 = arith.constant 128 : i32
    %mul3A_275 = vector.broadcast %mul3A_274 : i32 to vector<16xi32>
    %mul3A_276 = arith.muli %and3A_62, %mul3A_275 : vector<16xi32>
    %add3A_277 = arith.addi %mul3A_276, %iota3A : vector<16xi32>
    %add3A_278 = arith.constant 16 : i32
    %add3A_279 = vector.broadcast %add3A_278 : i32 to vector<16xi32>
    %add3A_280 = arith.addi %add3A_277, %add3A_279 : vector<16xi32>
    %mul3A_281 = arith.constant 128 : i32
    %mul3A_282 = vector.broadcast %mul3A_281 : i32 to vector<16xi32>
    %mul3A_283 = arith.muli %and3A_68, %mul3A_282 : vector<16xi32>
    %add3A_284 = arith.addi %mul3A_283, %iota3A : vector<16xi32>
    %add3A_285 = arith.constant 16 : i32
    %add3A_286 = vector.broadcast %add3A_285 : i32 to vector<16xi32>
    %add3A_287 = arith.addi %add3A_284, %add3A_286 : vector<16xi32>
    %mul3A_288 = arith.constant 128 : i32
    %mul3A_289 = vector.broadcast %mul3A_288 : i32 to vector<16xi32>
    %mul3A_290 = arith.muli %and3A_74, %mul3A_289 : vector<16xi32>
    %add3A_291 = arith.addi %mul3A_290, %iota3A : vector<16xi32>
    %add3A_292 = arith.constant 16 : i32
    %add3A_293 = vector.broadcast %add3A_292 : i32 to vector<16xi32>
    %add3A_294 = arith.addi %add3A_291, %add3A_293 : vector<16xi32>
    %mul3A_295 = arith.constant 128 : i32
    %mul3A_296 = vector.broadcast %mul3A_295 : i32 to vector<16xi32>
    %mul3A_297 = arith.muli %and3A_80, %mul3A_296 : vector<16xi32>
    %add3A_298 = arith.addi %mul3A_297, %iota3A : vector<16xi32>
    %add3A_299 = arith.constant 16 : i32
    %add3A_300 = vector.broadcast %add3A_299 : i32 to vector<16xi32>
    %add3A_301 = arith.addi %add3A_298, %add3A_300 : vector<16xi32>
    %mul3A_302 = arith.constant 128 : i32
    %mul3A_303 = vector.broadcast %mul3A_302 : i32 to vector<16xi32>
    %mul3A_304 = arith.muli %and3A_86, %mul3A_303 : vector<16xi32>
    %add3A_305 = arith.addi %mul3A_304, %iota3A : vector<16xi32>
    %add3A_306 = arith.constant 16 : i32
    %add3A_307 = vector.broadcast %add3A_306 : i32 to vector<16xi32>
    %add3A_308 = arith.addi %add3A_305, %add3A_307 : vector<16xi32>
    %mul3A_309 = arith.constant 128 : i32
    %mul3A_310 = vector.broadcast %mul3A_309 : i32 to vector<16xi32>
    %mul3A_311 = arith.muli %and3A_92, %mul3A_310 : vector<16xi32>
    %add3A_312 = arith.addi %mul3A_311, %iota3A : vector<16xi32>
    %add3A_313 = arith.constant 16 : i32
    %add3A_314 = vector.broadcast %add3A_313 : i32 to vector<16xi32>
    %add3A_315 = arith.addi %add3A_312, %add3A_314 : vector<16xi32>
    %mul3A_316 = arith.constant 128 : i32
    %mul3A_317 = vector.broadcast %mul3A_316 : i32 to vector<16xi32>
    %mul3A_318 = arith.muli %and3A_98, %mul3A_317 : vector<16xi32>
    %add3A_319 = arith.addi %mul3A_318, %iota3A : vector<16xi32>
    %add3A_320 = arith.constant 16 : i32
    %add3A_321 = vector.broadcast %add3A_320 : i32 to vector<16xi32>
    %add3A_322 = arith.addi %add3A_319, %add3A_321 : vector<16xi32>
    %sub3A = arith.constant 3906 : i32
    %sub3A_323 = arith.subi %sub3A, %add3A : i32
    %add3A_324 = arith.constant 32 : i32
    %add3A_325 = arith.addi %sub3A_323, %add3A_324 : i32
    %sub3A_326 = arith.constant 1 : i32
    %sub3A_327 = arith.subi %add3A_325, %sub3A_326 : i32
    %jit3A = arith.constant 32 : i32
    %div3A = arith.divsi %sub3A_327, %jit3A : i32
    %sign3A = arith.constant 0 : i32
    %sign3A_328 = arith.cmpi sgt, %sub3A_327, %sign3A : i32
    %sign3A_329 = arith.extui %sign3A_328 : i1 to i32
    %sign3A_330 = arith.constant 0 : i32
    %sign3A_331 = arith.cmpi slt, %sub3A_327, %sign3A_330 : i32
    %sign3A_332 = arith.extui %sign3A_331 : i1 to i32
    %sign3A_333 = arith.subi %sign3A_329, %sign3A_332 : i32
    %sign3A_334 = arith.constant 0 : i32
    %sign3A_335 = arith.cmpi sgt, %jit3A, %sign3A_334 : i32
    %sign3A_336 = arith.extui %sign3A_335 : i1 to i32
    %sign3A_337 = arith.constant 0 : i32
    %sign3A_338 = arith.cmpi slt, %jit3A, %sign3A_337 : i32
    %sign3A_339 = arith.extui %sign3A_338 : i1 to i32
    %sign3A_340 = arith.subi %sign3A_336, %sign3A_339 : i32
    %ne3A = arith.cmpi ne, %sign3A_333, %sign3A_340 : i32
    %rem3A = arith.remsi %sub3A_327, %jit3A : i32
    %ne3A_341 = arith.constant 0 : i32
    %ne3A_342 = arith.cmpi ne, %rem3A, %ne3A_341 : i32
    %and3A_343 = arith.andi %ne3A, %ne3A_342 : i1
    %sub3A_344 = arith.constant 1 : i32
    %sub3A_345 = arith.subi %div3A, %sub3A_344 : i32
    %select_n3A = arith.select %and3A_343, %sub3A_345, %div3A : i32
    %scan3A = arith.constant 0 : i32
    %scan3A_346 = arith.constant 0 : i32
    %scan3A_347 = arith.constant 123 : i32
    %scan3A_348 = arith.addi %scan3A_346, %scan3A_347 : i32
    %scan3A_349 = arith.constant 1 : i32
    scf.for %scan3A_359 = %scan3A_346 to %scan3A_348 step %scan3A_349  : i32 {
      %mul3A_360 = arith.constant 32 : i32
      %mul3A_361 = arith.muli %scan3A_359, %mul3A_360 : i32
      %add3A_362 = arith.addi %add3A, %mul3A_361 : i32
      %lt3A = arith.constant 3906 : i32
      %lt3A_363 = arith.cmpi slt, %add3A_362, %lt3A : i32
      %convert_element_type3A_364 = arith.extui %lt3A_363 : i1 to i32
      %cond3A_365 = arith.constant 0 : i32
      %cond3A_366 = arith.cmpi ne, %convert_element_type3A_364, %cond3A_365 : i32
      scf.if %cond3A_366 {
        %mul3A_367 = arith.constant 256 : i32
        %mul3A_368 = arith.muli %add3A_362, %mul3A_367 : i32
        "tpu.region"() ({
          %run_scoped3A = tpu.sem_alloc : memref<!tpu.dma_semaphore, #tpu.memory_space<semaphore_mem>>
          %dma_start3A_388 = arith.constant 0 : i32
          %dma_start3A_389 = tpu.memref_slice %arg2[%dma_start3A_388, %mul3A_368] : memref<32x1000000xf32, #tpu.memory_space<hbm>> -> memref<32x256xf32, #tpu.memory_space<hbm>>
          %dma_start3A_390 = arith.constant 0 : i32
          %dma_start3A_391 = tpu.memref_slice %arg2[%dma_start3A_390, %mul3A_368] : memref<32x1000000xf32, #tpu.memory_space<hbm>> -> memref<32x256xf32, #tpu.memory_space<hbm>>
          tpu.enqueue_dma source(%dma_start3A_391 : memref<32x256xf32, #tpu.memory_space<hbm>>) target(%arg5 : memref<32x256xf32, #tpu.memory_space<vmem>>) target_semaphore(%run_scoped3A : memref<!tpu.dma_semaphore, #tpu.memory_space<semaphore_mem>>)
          %dma_wait3A = arith.constant 0 : i32
          %dma_wait3A_392 = tpu.memref_slice %arg2[%dma_wait3A, %mul3A_368] : memref<32x1000000xf32, #tpu.memory_space<hbm>> -> memref<32x256xf32, #tpu.memory_space<hbm>>
          %dma_wait3A_393 = arith.constant 0 : i32
          %dma_wait3A_394 = tpu.memref_slice %arg2[%dma_wait3A_393, %mul3A_368] : memref<32x1000000xf32, #tpu.memory_space<hbm>> -> memref<32x256xf32, #tpu.memory_space<hbm>>
          tpu.wait_dma2 semaphore(%run_scoped3A : memref<!tpu.dma_semaphore, #tpu.memory_space<semaphore_mem>>) src(%dma_wait3A_394 : memref<32x256xf32, #tpu.memory_space<hbm>>) dst(%arg5 : memref<32x256xf32, #tpu.memory_space<vmem>>)
          tpu.yield
        }) : () -> ()
        %ge3A = arith.constant 2 : i32
        %ge3A_369 = arith.cmpi sge, %scan3A_359, %ge3A : i32
        %convert_element_type3A_370 = arith.extui %ge3A_369 : i1 to i32
        %cond3A_371 = arith.constant 0 : i32
        %cond3A_372 = arith.cmpi ne, %convert_element_type3A_370, %cond3A_371 : i32
        scf.if %cond3A_372 {
          %dma_wait3A = arith.constant 0 : i32
          %dma_wait3A_388 = tpu.memref_slice %arg6[%dma_wait3A] : memref<65536xf32, #tpu.memory_space<vmem>> -> memref<32768xf32, #tpu.memory_space<vmem>>
          %dma_wait3A_389 = arith.constant 0 : i32
          %dma_wait3A_390 = tpu.memref_slice %arg4[%dma_wait3A_389] : memref<128000000xf32, #tpu.memory_space<hbm>> -> memref<32768xf32, #tpu.memory_space<hbm>>
          %dma_wait3A_391 = arith.constant 0 : i32
          %dma_wait3A_392 = tpu.memref_slice %arg6[%dma_wait3A_391] : memref<65536xf32, #tpu.memory_space<vmem>> -> memref<32768xf32, #tpu.memory_space<vmem>>
          %dma_wait3A_393 = arith.constant 0 : i32
          %dma_wait3A_394 = tpu.memref_slice %arg4[%dma_wait3A_393] : memref<128000000xf32, #tpu.memory_space<hbm>> -> memref<32768xf32, #tpu.memory_space<hbm>>
          tpu.wait_dma2 semaphore(%arg8 : memref<!tpu.dma_semaphore, #tpu.memory_space<semaphore_mem>>) src(%dma_wait3A_394 : memref<32768xf32, #tpu.memory_space<hbm>>) dst(%dma_wait3A_392 : memref<32768xf32, #tpu.memory_space<vmem>>)
        } else {
        }
        %and3A_373 = arith.constant 1 : i32
        %and3A_374 = arith.andi %scan3A_359, %and3A_373 : i32
        %mul3A_375 = arith.constant 32768 : i32
        %mul3A_376 = arith.muli %and3A_374, %mul3A_375 : i32
        %multiple_of3A = tpu.assume_multiple %mul3A_376, 8 : i32
        %scan3A_377 = arith.constant 0 : i32
        %scan3A_378 = arith.constant 0 : i32
        %scan3A_379 = arith.constant 16 : i32
        %scan3A_380 = arith.addi %scan3A_378, %scan3A_379 : i32
        %scan3A_381 = arith.constant 1 : i32
        scf.for %scan3A_388 = %scan3A_378 to %scan3A_380 step %scan3A_381  : i32 {
          %mul3A_389 = arith.constant 16 : i32
          %mul3A_390 = arith.muli %scan3A_388, %mul3A_389 : i32
          %add3A_391 = vector.broadcast %mul3A_390 : i32 to vector<16xi32>
          %add3A_392 = arith.addi %add3A_391, %and3A_8 : vector<16xi32>
          %gather3A = tpu.vector_load_idx %arg5[%iota3A, %add3A_392] : memref<32x256xf32, #tpu.memory_space<vmem>>[vector<16xi32>, vector<16xi32>], vector<16xf32>,
          %add3A_393 = vector.broadcast %mul3A_390 : i32 to vector<16xi32>
          %add3A_394 = arith.addi %add3A_393, %and3A_14 : vector<16xi32>
          %gather3A_395 = tpu.vector_load_idx %arg5[%iota3A, %add3A_394] : memref<32x256xf32, #tpu.memory_space<vmem>>[vector<16xi32>, vector<16xi32>], vector<16xf32>,
          %add3A_396 = vector.broadcast %mul3A_390 : i32 to vector<16xi32>
          %add3A_397 = arith.addi %add3A_396, %and3A_20 : vector<16xi32>
          %gather3A_398 = tpu.vector_load_idx %arg5[%iota3A, %add3A_397] : memref<32x256xf32, #tpu.memory_space<vmem>>[vector<16xi32>, vector<16xi32>], vector<16xf32>,
          %add3A_399 = vector.broadcast %mul3A_390 : i32 to vector<16xi32>
          %add3A_400 = arith.addi %add3A_399, %and3A_26 : vector<16xi32>
          %gather3A_401 = tpu.vector_load_idx %arg5[%iota3A, %add3A_400] : memref<32x256xf32, #tpu.memory_space<vmem>>[vector<16xi32>, vector<16xi32>], vector<16xf32>,
          %add3A_402 = vector.broadcast %mul3A_390 : i32 to vector<16xi32>
          %add3A_403 = arith.addi %add3A_402, %and3A_32 : vector<16xi32>
          %gather3A_404 = tpu.vector_load_idx %arg5[%iota3A, %add3A_403] : memref<32x256xf32, #tpu.memory_space<vmem>>[vector<16xi32>, vector<16xi32>], vector<16xf32>,
          %add3A_405 = vector.broadcast %mul3A_390 : i32 to vector<16xi32>
          %add3A_406 = arith.addi %add3A_405, %and3A_38 : vector<16xi32>
          %gather3A_407 = tpu.vector_load_idx %arg5[%iota3A, %add3A_406] : memref<32x256xf32, #tpu.memory_space<vmem>>[vector<16xi32>, vector<16xi32>], vector<16xf32>,
          %add3A_408 = vector.broadcast %mul3A_390 : i32 to vector<16xi32>
          %add3A_409 = arith.addi %add3A_408, %and3A_44 : vector<16xi32>
          %gather3A_410 = tpu.vector_load_idx %arg5[%iota3A, %add3A_409] : memref<32x256xf32, #tpu.memory_space<vmem>>[vector<16xi32>, vector<16xi32>], vector<16xf32>,
          %add3A_411 = vector.broadcast %mul3A_390 : i32 to vector<16xi32>
          %add3A_412 = arith.addi %add3A_411, %and3A_50 : vector<16xi32>
          %gather3A_413 = tpu.vector_load_idx %arg5[%iota3A, %add3A_412] : memref<32x256xf32, #tpu.memory_space<vmem>>[vector<16xi32>, vector<16xi32>], vector<16xf32>,
          %add3A_414 = vector.broadcast %mul3A_390 : i32 to vector<16xi32>
          %add3A_415 = arith.addi %add3A_414, %and3A_56 : vector<16xi32>
          %gather3A_416 = tpu.vector_load_idx %arg5[%iota3A, %add3A_415] : memref<32x256xf32, #tpu.memory_space<vmem>>[vector<16xi32>, vector<16xi32>], vector<16xf32>,
          %add3A_417 = vector.broadcast %mul3A_390 : i32 to vector<16xi32>
          %add3A_418 = arith.addi %add3A_417, %and3A_62 : vector<16xi32>
          %gather3A_419 = tpu.vector_load_idx %arg5[%iota3A, %add3A_418] : memref<32x256xf32, #tpu.memory_space<vmem>>[vector<16xi32>, vector<16xi32>], vector<16xf32>,
          %add3A_420 = vector.broadcast %mul3A_390 : i32 to vector<16xi32>
          %add3A_421 = arith.addi %add3A_420, %and3A_68 : vector<16xi32>
          %gather3A_422 = tpu.vector_load_idx %arg5[%iota3A, %add3A_421] : memref<32x256xf32, #tpu.memory_space<vmem>>[vector<16xi32>, vector<16xi32>], vector<16xf32>,
          %add3A_423 = vector.broadcast %mul3A_390 : i32 to vector<16xi32>
          %add3A_424 = arith.addi %add3A_423, %and3A_74 : vector<16xi32>
          %gather3A_425 = tpu.vector_load_idx %arg5[%iota3A, %add3A_424] : memref<32x256xf32, #tpu.memory_space<vmem>>[vector<16xi32>, vector<16xi32>], vector<16xf32>,
          %add3A_426 = vector.broadcast %mul3A_390 : i32 to vector<16xi32>
          %add3A_427 = arith.addi %add3A_426, %and3A_80 : vector<16xi32>
          %gather3A_428 = tpu.vector_load_idx %arg5[%iota3A, %add3A_427] : memref<32x256xf32, #tpu.memory_space<vmem>>[vector<16xi32>, vector<16xi32>], vector<16xf32>,
          %add3A_429 = vector.broadcast %mul3A_390 : i32 to vector<16xi32>
          %add3A_430 = arith.addi %add3A_429, %and3A_86 : vector<16xi32>
          %gather3A_431 = tpu.vector_load_idx %arg5[%iota3A, %add3A_430] : memref<32x256xf32, #tpu.memory_space<vmem>>[vector<16xi32>, vector<16xi32>], vector<16xf32>,
          %add3A_432 = vector.broadcast %mul3A_390 : i32 to vector<16xi32>
          %add3A_433 = arith.addi %add3A_432, %and3A_92 : vector<16xi32>
          %gather3A_434 = tpu.vector_load_idx %arg5[%iota3A, %add3A_433] : memref<32x256xf32, #tpu.memory_space<vmem>>[vector<16xi32>, vector<16xi32>], vector<16xf32>,
          %add3A_435 = vector.broadcast %mul3A_390 : i32 to vector<16xi32>
          %add3A_436 = arith.addi %add3A_435, %and3A_98 : vector<16xi32>
          %gather3A_437 = tpu.vector_load_idx %arg5[%iota3A, %add3A_436] : memref<32x256xf32, #tpu.memory_space<vmem>>[vector<16xi32>, vector<16xi32>], vector<16xf32>,
          %add3A_438 = vector.broadcast %mul3A_390 : i32 to vector<16xi32>
          %add3A_439 = arith.addi %add3A_438, %and3A_8 : vector<16xi32>
          %gather3A_440 = tpu.vector_load_idx %arg5[%add3A_3, %add3A_439] : memref<32x256xf32, #tpu.memory_space<vmem>>[vector<16xi32>, vector<16xi32>], vector<16xf32>,
          %add3A_441 = vector.broadcast %mul3A_390 : i32 to vector<16xi32>
          %add3A_442 = arith.addi %add3A_441, %and3A_14 : vector<16xi32>
          %gather3A_443 = tpu.vector_load_idx %arg5[%add3A_3, %add3A_442] : memref<32x256xf32, #tpu.memory_space<vmem>>[vector<16xi32>, vector<16xi32>], vector<16xf32>,
          %add3A_444 = vector.broadcast %mul3A_390 : i32 to vector<16xi32>
          %add3A_445 = arith.addi %add3A_444, %and3A_20 : vector<16xi32>
          %gather3A_446 = tpu.vector_load_idx %arg5[%add3A_3, %add3A_445] : memref<32x256xf32, #tpu.memory_space<vmem>>[vector<16xi32>, vector<16xi32>], vector<16xf32>,
          %add3A_447 = vector.broadcast %mul3A_390 : i32 to vector<16xi32>
          %add3A_448 = arith.addi %add3A_447, %and3A_26 : vector<16xi32>
          %gather3A_449 = tpu.vector_load_idx %arg5[%add3A_3, %add3A_448] : memref<32x256xf32, #tpu.memory_space<vmem>>[vector<16xi32>, vector<16xi32>], vector<16xf32>,
          %add3A_450 = vector.broadcast %mul3A_390 : i32 to vector<16xi32>
          %add3A_451 = arith.addi %add3A_450, %and3A_32 : vector<16xi32>
          %gather3A_452 = tpu.vector_load_idx %arg5[%add3A_3, %add3A_451] : memref<32x256xf32, #tpu.memory_space<vmem>>[vector<16xi32>, vector<16xi32>], vector<16xf32>,
          %add3A_453 = vector.broadcast %mul3A_390 : i32 to vector<16xi32>
          %add3A_454 = arith.addi %add3A_453, %and3A_38 : vector<16xi32>
          %gather3A_455 = tpu.vector_load_idx %arg5[%add3A_3, %add3A_454] : memref<32x256xf32, #tpu.memory_space<vmem>>[vector<16xi32>, vector<16xi32>], vector<16xf32>,
          %add3A_456 = vector.broadcast %mul3A_390 : i32 to vector<16xi32>
          %add3A_457 = arith.addi %add3A_456, %and3A_44 : vector<16xi32>
          %gather3A_458 = tpu.vector_load_idx %arg5[%add3A_3, %add3A_457] : memref<32x256xf32, #tpu.memory_space<vmem>>[vector<16xi32>, vector<16xi32>], vector<16xf32>,
          %add3A_459 = vector.broadcast %mul3A_390 : i32 to vector<16xi32>
          %add3A_460 = arith.addi %add3A_459, %and3A_50 : vector<16xi32>
          %gather3A_461 = tpu.vector_load_idx %arg5[%add3A_3, %add3A_460] : memref<32x256xf32, #tpu.memory_space<vmem>>[vector<16xi32>, vector<16xi32>], vector<16xf32>,
          %add3A_462 = vector.broadcast %mul3A_390 : i32 to vector<16xi32>
          %add3A_463 = arith.addi %add3A_462, %and3A_56 : vector<16xi32>
          %gather3A_464 = tpu.vector_load_idx %arg5[%add3A_3, %add3A_463] : memref<32x256xf32, #tpu.memory_space<vmem>>[vector<16xi32>, vector<16xi32>], vector<16xf32>,
          %add3A_465 = vector.broadcast %mul3A_390 : i32 to vector<16xi32>
          %add3A_466 = arith.addi %add3A_465, %and3A_62 : vector<16xi32>
          %gather3A_467 = tpu.vector_load_idx %arg5[%add3A_3, %add3A_466] : memref<32x256xf32, #tpu.memory_space<vmem>>[vector<16xi32>, vector<16xi32>], vector<16xf32>,
          %add3A_468 = vector.broadcast %mul3A_390 : i32 to vector<16xi32>
          %add3A_469 = arith.addi %add3A_468, %and3A_68 : vector<16xi32>
          %gather3A_470 = tpu.vector_load_idx %arg5[%add3A_3, %add3A_469] : memref<32x256xf32, #tpu.memory_space<vmem>>[vector<16xi32>, vector<16xi32>], vector<16xf32>,
          %add3A_471 = vector.broadcast %mul3A_390 : i32 to vector<16xi32>
          %add3A_472 = arith.addi %add3A_471, %and3A_74 : vector<16xi32>
          %gather3A_473 = tpu.vector_load_idx %arg5[%add3A_3, %add3A_472] : memref<32x256xf32, #tpu.memory_space<vmem>>[vector<16xi32>, vector<16xi32>], vector<16xf32>,
          %add3A_474 = vector.broadcast %mul3A_390 : i32 to vector<16xi32>
          %add3A_475 = arith.addi %add3A_474, %and3A_80 : vector<16xi32>
          %gather3A_476 = tpu.vector_load_idx %arg5[%add3A_3, %add3A_475] : memref<32x256xf32, #tpu.memory_space<vmem>>[vector<16xi32>, vector<16xi32>], vector<16xf32>,
          %add3A_477 = vector.broadcast %mul3A_390 : i32 to vector<16xi32>
          %add3A_478 = arith.addi %add3A_477, %and3A_86 : vector<16xi32>
          %gather3A_479 = tpu.vector_load_idx %arg5[%add3A_3, %add3A_478] : memref<32x256xf32, #tpu.memory_space<vmem>>[vector<16xi32>, vector<16xi32>], vector<16xf32>,
          %add3A_480 = vector.broadcast %mul3A_390 : i32 to vector<16xi32>
          %add3A_481 = arith.addi %add3A_480, %and3A_92 : vector<16xi32>
          %gather3A_482 = tpu.vector_load_idx %arg5[%add3A_3, %add3A_481] : memref<32x256xf32, #tpu.memory_space<vmem>>[vector<16xi32>, vector<16xi32>], vector<16xf32>,
          %add3A_483 = vector.broadcast %mul3A_390 : i32 to vector<16xi32>
          %add3A_484 = arith.addi %add3A_483, %and3A_98 : vector<16xi32>
          %gather3A_485 = tpu.vector_load_idx %arg5[%add3A_3, %add3A_484] : memref<32x256xf32, #tpu.memory_space<vmem>>[vector<16xi32>, vector<16xi32>], vector<16xf32>,
          %mul3A_486 = arith.constant 128 : i32
          %mul3A_487 = arith.muli %mul3A_390, %mul3A_486 : i32
          %add3A_488 = arith.addi %multiple_of3A, %mul3A_487 : i32
          %add3A_489 = vector.broadcast %add3A_488 : i32 to vector<16xi32>
          %add3A_490 = arith.addi %add3A_489, %add3A_105 : vector<16xi32>
          tpu.vector_store_idx %arg6[%add3A_490], %gather3A : memref<65536xf32, #tpu.memory_space<vmem>>[vector<16xi32>], vector<16xf32>,
          %mul3A_491 = arith.constant 128 : i32
          %mul3A_492 = arith.muli %mul3A_390, %mul3A_491 : i32
          %add3A_493 = arith.addi %multiple_of3A, %mul3A_492 : i32
          %add3A_494 = vector.broadcast %add3A_493 : i32 to vector<16xi32>
          %add3A_495 = arith.addi %add3A_494, %add3A_112 : vector<16xi32>
          tpu.vector_store_idx %arg6[%add3A_495], %gather3A_395 : memref<65536xf32, #tpu.memory_space<vmem>>[vector<16xi32>], vector<16xf32>,
          %mul3A_496 = arith.constant 128 : i32
          %mul3A_497 = arith.muli %mul3A_390, %mul3A_496 : i32
          %add3A_498 = arith.addi %multiple_of3A, %mul3A_497 : i32
          %add3A_499 = vector.broadcast %add3A_498 : i32 to vector<16xi32>
          %add3A_500 = arith.addi %add3A_499, %add3A_119 : vector<16xi32>
          tpu.vector_store_idx %arg6[%add3A_500], %gather3A_398 : memref<65536xf32, #tpu.memory_space<vmem>>[vector<16xi32>], vector<16xf32>,
          %mul3A_501 = arith.constant 128 : i32
          %mul3A_502 = arith.muli %mul3A_390, %mul3A_501 : i32
          %add3A_503 = arith.addi %multiple_of3A, %mul3A_502 : i32
          %add3A_504 = vector.broadcast %add3A_503 : i32 to vector<16xi32>
          %add3A_505 = arith.addi %add3A_504, %add3A_126 : vector<16xi32>
          tpu.vector_store_idx %arg6[%add3A_505], %gather3A_401 : memref<65536xf32, #tpu.memory_space<vmem>>[vector<16xi32>], vector<16xf32>,
          %mul3A_506 = arith.constant 128 : i32
          %mul3A_507 = arith.muli %mul3A_390, %mul3A_506 : i32
          %add3A_508 = arith.addi %multiple_of3A, %mul3A_507 : i32
          %add3A_509 = vector.broadcast %add3A_508 : i32 to vector<16xi32>
          %add3A_510 = arith.addi %add3A_509, %add3A_133 : vector<16xi32>
          tpu.vector_store_idx %arg6[%add3A_510], %gather3A_404 : memref<65536xf32, #tpu.memory_space<vmem>>[vector<16xi32>], vector<16xf32>,
          %mul3A_511 = arith.constant 128 : i32
          %mul3A_512 = arith.muli %mul3A_390, %mul3A_511 : i32
          %add3A_513 = arith.addi %multiple_of3A, %mul3A_512 : i32
          %add3A_514 = vector.broadcast %add3A_513 : i32 to vector<16xi32>
          %add3A_515 = arith.addi %add3A_514, %add3A_140 : vector<16xi32>
          tpu.vector_store_idx %arg6[%add3A_515], %gather3A_407 : memref<65536xf32, #tpu.memory_space<vmem>>[vector<16xi32>], vector<16xf32>,
          %mul3A_516 = arith.constant 128 : i32
          %mul3A_517 = arith.muli %mul3A_390, %mul3A_516 : i32
          %add3A_518 = arith.addi %multiple_of3A, %mul3A_517 : i32
          %add3A_519 = vector.broadcast %add3A_518 : i32 to vector<16xi32>
          %add3A_520 = arith.addi %add3A_519, %add3A_147 : vector<16xi32>
          tpu.vector_store_idx %arg6[%add3A_520], %gather3A_410 : memref<65536xf32, #tpu.memory_space<vmem>>[vector<16xi32>], vector<16xf32>,
          %mul3A_521 = arith.constant 128 : i32
          %mul3A_522 = arith.muli %mul3A_390, %mul3A_521 : i32
          %add3A_523 = arith.addi %multiple_of3A, %mul3A_522 : i32
          %add3A_524 = vector.broadcast %add3A_523 : i32 to vector<16xi32>
          %add3A_525 = arith.addi %add3A_524, %add3A_154 : vector<16xi32>
          tpu.vector_store_idx %arg6[%add3A_525], %gather3A_413 : memref<65536xf32, #tpu.memory_space<vmem>>[vector<16xi32>], vector<16xf32>,
          %mul3A_526 = arith.constant 128 : i32
          %mul3A_527 = arith.muli %mul3A_390, %mul3A_526 : i32
          %add3A_528 = arith.addi %multiple_of3A, %mul3A_527 : i32
          %add3A_529 = vector.broadcast %add3A_528 : i32 to vector<16xi32>
          %add3A_530 = arith.addi %add3A_529, %add3A_161 : vector<16xi32>
          tpu.vector_store_idx %arg6[%add3A_530], %gather3A_416 : memref<65536xf32, #tpu.memory_space<vmem>>[vector<16xi32>], vector<16xf32>,
          %mul3A_531 = arith.constant 128 : i32
          %mul3A_532 = arith.muli %mul3A_390, %mul3A_531 : i32
          %add3A_533 = arith.addi %multiple_of3A, %mul3A_532 : i32
          %add3A_534 = vector.broadcast %add3A_533 : i32 to vector<16xi32>
          %add3A_535 = arith.addi %add3A_534, %add3A_168 : vector<16xi32>
          tpu.vector_store_idx %arg6[%add3A_535], %gather3A_419 : memref<65536xf32, #tpu.memory_space<vmem>>[vector<16xi32>], vector<16xf32>,
          %mul3A_536 = arith.constant 128 : i32
          %mul3A_537 = arith.muli %mul3A_390, %mul3A_536 : i32
          %add3A_538 = arith.addi %multiple_of3A, %mul3A_537 : i32
          %add3A_539 = vector.broadcast %add3A_538 : i32 to vector<16xi32>
          %add3A_540 = arith.addi %add3A_539, %add3A_175 : vector<16xi32>
          tpu.vector_store_idx %arg6[%add3A_540], %gather3A_422 : memref<65536xf32, #tpu.memory_space<vmem>>[vector<16xi32>], vector<16xf32>,
          %mul3A_541 = arith.constant 128 : i32
          %mul3A_542 = arith.muli %mul3A_390, %mul3A_541 : i32
          %add3A_543 = arith.addi %multiple_of3A, %mul3A_542 : i32
          %add3A_544 = vector.broadcast %add3A_543 : i32 to vector<16xi32>
          %add3A_545 = arith.addi %add3A_544, %add3A_182 : vector<16xi32>
          tpu.vector_store_idx %arg6[%add3A_545], %gather3A_425 : memref<65536xf32, #tpu.memory_space<vmem>>[vector<16xi32>], vector<16xf32>,
          %mul3A_546 = arith.constant 128 : i32
          %mul3A_547 = arith.muli %mul3A_390, %mul3A_546 : i32
          %add3A_548 = arith.addi %multiple_of3A, %mul3A_547 : i32
          %add3A_549 = vector.broadcast %add3A_548 : i32 to vector<16xi32>
          %add3A_550 = arith.addi %add3A_549, %add3A_189 : vector<16xi32>
          tpu.vector_store_idx %arg6[%add3A_550], %gather3A_428 : memref<65536xf32, #tpu.memory_space<vmem>>[vector<16xi32>], vector<16xf32>,
          %mul3A_551 = arith.constant 128 : i32
          %mul3A_552 = arith.muli %mul3A_390, %mul3A_551 : i32
          %add3A_553 = arith.addi %multiple_of3A, %mul3A_552 : i32
          %add3A_554 = vector.broadcast %add3A_553 : i32 to vector<16xi32>
          %add3A_555 = arith.addi %add3A_554, %add3A_196 : vector<16xi32>
          tpu.vector_store_idx %arg6[%add3A_555], %gather3A_431 : memref<65536xf32, #tpu.memory_space<vmem>>[vector<16xi32>], vector<16xf32>,
          %mul3A_556 = arith.constant 128 : i32
          %mul3A_557 = arith.muli %mul3A_390, %mul3A_556 : i32
          %add3A_558 = arith.addi %multiple_of3A, %mul3A_557 : i32
          %add3A_559 = vector.broadcast %add3A_558 : i32 to vector<16xi32>
          %add3A_560 = arith.addi %add3A_559, %add3A_203 : vector<16xi32>
          tpu.vector_store_idx %arg6[%add3A_560], %gather3A_434 : memref<65536xf32, #tpu.memory_space<vmem>>[vector<16xi32>], vector<16xf32>,
          %mul3A_561 = arith.constant 128 : i32
          %mul3A_562 = arith.muli %mul3A_390, %mul3A_561 : i32
          %add3A_563 = arith.addi %multiple_of3A, %mul3A_562 : i32
          %add3A_564 = vector.broadcast %add3A_563 : i32 to vector<16xi32>
          %add3A_565 = arith.addi %add3A_564, %add3A_210 : vector<16xi32>
          tpu.vector_store_idx %arg6[%add3A_565], %gather3A_437 : memref<65536xf32, #tpu.memory_space<vmem>>[vector<16xi32>], vector<16xf32>,
          %mul3A_566 = arith.constant 128 : i32
          %mul3A_567 = arith.muli %mul3A_390, %mul3A_566 : i32
          %add3A_568 = arith.addi %multiple_of3A, %mul3A_567 : i32
          %add3A_569 = vector.broadcast %add3A_568 : i32 to vector<16xi32>
          %add3A_570 = arith.addi %add3A_569, %add3A_217 : vector<16xi32>
          tpu.vector_store_idx %arg6[%add3A_570], %gather3A_440 : memref<65536xf32, #tpu.memory_space<vmem>>[vector<16xi32>], vector<16xf32>,
          %mul3A_571 = arith.constant 128 : i32
          %mul3A_572 = arith.muli %mul3A_390, %mul3A_571 : i32
          %add3A_573 = arith.addi %multiple_of3A, %mul3A_572 : i32
          %add3A_574 = vector.broadcast %add3A_573 : i32 to vector<16xi32>
          %add3A_575 = arith.addi %add3A_574, %add3A_224 : vector<16xi32>
          tpu.vector_store_idx %arg6[%add3A_575], %gather3A_443 : memref<65536xf32, #tpu.memory_space<vmem>>[vector<16xi32>], vector<16xf32>,
          %mul3A_576 = arith.constant 128 : i32
          %mul3A_577 = arith.muli %mul3A_390, %mul3A_576 : i32
          %add3A_578 = arith.addi %multiple_of3A, %mul3A_577 : i32
          %add3A_579 = vector.broadcast %add3A_578 : i32 to vector<16xi32>
          %add3A_580 = arith.addi %add3A_579, %add3A_231 : vector<16xi32>
          tpu.vector_store_idx %arg6[%add3A_580], %gather3A_446 : memref<65536xf32, #tpu.memory_space<vmem>>[vector<16xi32>], vector<16xf32>,
          %mul3A_581 = arith.constant 128 : i32
          %mul3A_582 = arith.muli %mul3A_390, %mul3A_581 : i32
          %add3A_583 = arith.addi %multiple_of3A, %mul3A_582 : i32
          %add3A_584 = vector.broadcast %add3A_583 : i32 to vector<16xi32>
          %add3A_585 = arith.addi %add3A_584, %add3A_238 : vector<16xi32>
          tpu.vector_store_idx %arg6[%add3A_585], %gather3A_449 : memref<65536xf32, #tpu.memory_space<vmem>>[vector<16xi32>], vector<16xf32>,
          %mul3A_586 = arith.constant 128 : i32
          %mul3A_587 = arith.muli %mul3A_390, %mul3A_586 : i32
          %add3A_588 = arith.addi %multiple_of3A, %mul3A_587 : i32
          %add3A_589 = vector.broadcast %add3A_588 : i32 to vector<16xi32>
          %add3A_590 = arith.addi %add3A_589, %add3A_245 : vector<16xi32>
          tpu.vector_store_idx %arg6[%add3A_590], %gather3A_452 : memref<65536xf32, #tpu.memory_space<vmem>>[vector<16xi32>], vector<16xf32>,
          %mul3A_591 = arith.constant 128 : i32
          %mul3A_592 = arith.muli %mul3A_390, %mul3A_591 : i32
          %add3A_593 = arith.addi %multiple_of3A, %mul3A_592 : i32
          %add3A_594 = vector.broadcast %add3A_593 : i32 to vector<16xi32>
          %add3A_595 = arith.addi %add3A_594, %add3A_252 : vector<16xi32>
          tpu.vector_store_idx %arg6[%add3A_595], %gather3A_455 : memref<65536xf32, #tpu.memory_space<vmem>>[vector<16xi32>], vector<16xf32>,
          %mul3A_596 = arith.constant 128 : i32
          %mul3A_597 = arith.muli %mul3A_390, %mul3A_596 : i32
          %add3A_598 = arith.addi %multiple_of3A, %mul3A_597 : i32
          %add3A_599 = vector.broadcast %add3A_598 : i32 to vector<16xi32>
          %add3A_600 = arith.addi %add3A_599, %add3A_259 : vector<16xi32>
          tpu.vector_store_idx %arg6[%add3A_600], %gather3A_458 : memref<65536xf32, #tpu.memory_space<vmem>>[vector<16xi32>], vector<16xf32>,
          %mul3A_601 = arith.constant 128 : i32
          %mul3A_602 = arith.muli %mul3A_390, %mul3A_601 : i32
          %add3A_603 = arith.addi %multiple_of3A, %mul3A_602 : i32
          %add3A_604 = vector.broadcast %add3A_603 : i32 to vector<16xi32>
          %add3A_605 = arith.addi %add3A_604, %add3A_266 : vector<16xi32>
          tpu.vector_store_idx %arg6[%add3A_605], %gather3A_461 : memref<65536xf32, #tpu.memory_space<vmem>>[vector<16xi32>], vector<16xf32>,
          %mul3A_606 = arith.constant 128 : i32
          %mul3A_607 = arith.muli %mul3A_390, %mul3A_606 : i32
          %add3A_608 = arith.addi %multiple_of3A, %mul3A_607 : i32
          %add3A_609 = vector.broadcast %add3A_608 : i32 to vector<16xi32>
          %add3A_610 = arith.addi %add3A_609, %add3A_273 : vector<16xi32>
          tpu.vector_store_idx %arg6[%add3A_610], %gather3A_464 : memref<65536xf32, #tpu.memory_space<vmem>>[vector<16xi32>], vector<16xf32>,
          %mul3A_611 = arith.constant 128 : i32
          %mul3A_612 = arith.muli %mul3A_390, %mul3A_611 : i32
          %add3A_613 = arith.addi %multiple_of3A, %mul3A_612 : i32
          %add3A_614 = vector.broadcast %add3A_613 : i32 to vector<16xi32>
          %add3A_615 = arith.addi %add3A_614, %add3A_280 : vector<16xi32>
          tpu.vector_store_idx %arg6[%add3A_615], %gather3A_467 : memref<65536xf32, #tpu.memory_space<vmem>>[vector<16xi32>], vector<16xf32>,
          %mul3A_616 = arith.constant 128 : i32
          %mul3A_617 = arith.muli %mul3A_390, %mul3A_616 : i32
          %add3A_618 = arith.addi %multiple_of3A, %mul3A_617 : i32
          %add3A_619 = vector.broadcast %add3A_618 : i32 to vector<16xi32>
          %add3A_620 = arith.addi %add3A_619, %add3A_287 : vector<16xi32>
          tpu.vector_store_idx %arg6[%add3A_620], %gather3A_470 : memref<65536xf32, #tpu.memory_space<vmem>>[vector<16xi32>], vector<16xf32>,
          %mul3A_621 = arith.constant 128 : i32
          %mul3A_622 = arith.muli %mul3A_390, %mul3A_621 : i32
          %add3A_623 = arith.addi %multiple_of3A, %mul3A_622 : i32
          %add3A_624 = vector.broadcast %add3A_623 : i32 to vector<16xi32>
          %add3A_625 = arith.addi %add3A_624, %add3A_294 : vector<16xi32>
          tpu.vector_store_idx %arg6[%add3A_625], %gather3A_473 : memref<65536xf32, #tpu.memory_space<vmem>>[vector<16xi32>], vector<16xf32>,
          %mul3A_626 = arith.constant 128 : i32
          %mul3A_627 = arith.muli %mul3A_390, %mul3A_626 : i32
          %add3A_628 = arith.addi %multiple_of3A, %mul3A_627 : i32
          %add3A_629 = vector.broadcast %add3A_628 : i32 to vector<16xi32>
          %add3A_630 = arith.addi %add3A_629, %add3A_301 : vector<16xi32>
          tpu.vector_store_idx %arg6[%add3A_630], %gather3A_476 : memref<65536xf32, #tpu.memory_space<vmem>>[vector<16xi32>], vector<16xf32>,
          %mul3A_631 = arith.constant 128 : i32
          %mul3A_632 = arith.muli %mul3A_390, %mul3A_631 : i32
          %add3A_633 = arith.addi %multiple_of3A, %mul3A_632 : i32
          %add3A_634 = vector.broadcast %add3A_633 : i32 to vector<16xi32>
          %add3A_635 = arith.addi %add3A_634, %add3A_308 : vector<16xi32>
          tpu.vector_store_idx %arg6[%add3A_635], %gather3A_479 : memref<65536xf32, #tpu.memory_space<vmem>>[vector<16xi32>], vector<16xf32>,
          %mul3A_636 = arith.constant 128 : i32
          %mul3A_637 = arith.muli %mul3A_390, %mul3A_636 : i32
          %add3A_638 = arith.addi %multiple_of3A, %mul3A_637 : i32
          %add3A_639 = vector.broadcast %add3A_638 : i32 to vector<16xi32>
          %add3A_640 = arith.addi %add3A_639, %add3A_315 : vector<16xi32>
          tpu.vector_store_idx %arg6[%add3A_640], %gather3A_482 : memref<65536xf32, #tpu.memory_space<vmem>>[vector<16xi32>], vector<16xf32>,
          %mul3A_641 = arith.constant 128 : i32
          %mul3A_642 = arith.muli %mul3A_390, %mul3A_641 : i32
          %add3A_643 = arith.addi %multiple_of3A, %mul3A_642 : i32
          %add3A_644 = vector.broadcast %add3A_643 : i32 to vector<16xi32>
          %add3A_645 = arith.addi %add3A_644, %add3A_322 : vector<16xi32>
          tpu.vector_store_idx %arg6[%add3A_645], %gather3A_485 : memref<65536xf32, #tpu.memory_space<vmem>>[vector<16xi32>], vector<16xf32>,
        }
        %scan3A_382 = arith.constant 16 : i32
        %mul3A_383 = arith.constant 128 : i32
        %mul3A_384 = arith.muli %mul3A_368, %mul3A_383 : i32
        %dma_start3A = tpu.memref_slice %arg6[%multiple_of3A] : memref<65536xf32, #tpu.memory_space<vmem>> -> memref<32768xf32, #tpu.memory_space<vmem>>
        %dma_start3A_385 = tpu.memref_slice %arg4[%mul3A_384] : memref<128000000xf32, #tpu.memory_space<hbm>> -> memref<32768xf32, #tpu.memory_space<hbm>>
        %dma_start3A_386 = tpu.memref_slice %arg4[%mul3A_384] : memref<128000000xf32, #tpu.memory_space<hbm>> -> memref<32768xf32, #tpu.memory_space<hbm>>
        %dma_start3A_387 = tpu.memref_slice %arg6[%multiple_of3A] : memref<65536xf32, #tpu.memory_space<vmem>> -> memref<32768xf32, #tpu.memory_space<vmem>>
        tpu.enqueue_dma source(%dma_start3A_387 : memref<32768xf32, #tpu.memory_space<vmem>>) target(%dma_start3A_386 : memref<32768xf32, #tpu.memory_space<hbm>>) target_semaphore(%arg8 : memref<!tpu.dma_semaphore, #tpu.memory_space<semaphore_mem>>)
      } else {
      }
    }
    %scan3A_350 = arith.constant 123 : i32
    %scan3A_351 = arith.constant 0 : i32
    %scan3A_352 = arith.constant 0 : i32
    %scan3A_353 = arith.constant 2 : i32
    %scan3A_354 = arith.addi %scan3A_352, %scan3A_353 : i32
    %scan3A_355 = arith.constant 1 : i32
    scf.for %scan3A_359 = %scan3A_352 to %scan3A_354 step %scan3A_355  : i32 {
      %min3A = arith.constant 2 : i32
      %min3A_360 = arith.minsi %select_n3A, %min3A : i32
      %lt3A = arith.cmpi slt, %scan3A_359, %min3A_360 : i32
      %convert_element_type3A_361 = arith.extui %lt3A : i1 to i32
      %cond3A_362 = arith.constant 0 : i32
      %cond3A_363 = arith.cmpi ne, %convert_element_type3A_361, %cond3A_362 : i32
      scf.if %cond3A_363 {
        %dma_wait3A = arith.constant 0 : i32
        %dma_wait3A_364 = tpu.memref_slice %arg6[%dma_wait3A] : memref<65536xf32, #tpu.memory_space<vmem>> -> memref<32768xf32, #tpu.memory_space<vmem>>
        %dma_wait3A_365 = arith.constant 0 : i32
        %dma_wait3A_366 = tpu.memref_slice %arg4[%dma_wait3A_365] : memref<128000000xf32, #tpu.memory_space<hbm>> -> memref<32768xf32, #tpu.memory_space<hbm>>
        %dma_wait3A_367 = arith.constant 0 : i32
        %dma_wait3A_368 = tpu.memref_slice %arg6[%dma_wait3A_367] : memref<65536xf32, #tpu.memory_space<vmem>> -> memref<32768xf32, #tpu.memory_space<vmem>>
        %dma_wait3A_369 = arith.constant 0 : i32
        %dma_wait3A_370 = tpu.memref_slice %arg4[%dma_wait3A_369] : memref<128000000xf32, #tpu.memory_space<hbm>> -> memref<32768xf32, #tpu.memory_space<hbm>>
        tpu.wait_dma2 semaphore(%arg8 : memref<!tpu.dma_semaphore, #tpu.memory_space<semaphore_mem>>) src(%dma_wait3A_370 : memref<32768xf32, #tpu.memory_space<hbm>>) dst(%dma_wait3A_368 : memref<32768xf32, #tpu.memory_space<vmem>>)
      } else {
      }
    }
    %scan3A_356 = arith.constant 2 : i32
    %eq3A = arith.constant 1 : i32
    %eq3A_357 = arith.cmpi eq, %add3A, %eq3A : i32
    %convert_element_type3A = arith.extui %eq3A_357 : i1 to i32
    %cond3A = arith.constant 0 : i32
    %cond3A_358 = arith.cmpi ne, %convert_element_type3A, %cond3A : i32
    scf.if %cond3A_358 {
      "tpu.region"() ({
        %run_scoped3A = tpu.sem_alloc : memref<!tpu.dma_semaphore, #tpu.memory_space<semaphore_mem>>
        tpu.enqueue_dma source(%arg3 : memref<2048xf32, #tpu.memory_space<hbm>>) target(%arg7 : memref<2048xf32, #tpu.memory_space<vmem>>) target_semaphore(%run_scoped3A : memref<!tpu.dma_semaphore, #tpu.memory_space<semaphore_mem>>)
        tpu.wait_dma2 semaphore(%run_scoped3A : memref<!tpu.dma_semaphore, #tpu.memory_space<semaphore_mem>>) src(%arg3 : memref<2048xf32, #tpu.memory_space<hbm>>) dst(%arg7 : memref<2048xf32, #tpu.memory_space<vmem>>)
        tpu.yield
      }) : () -> ()
      %scan3A_359 = arith.constant 0 : i32
      %scan3A_360 = arith.constant 0 : i32
      %scan3A_361 = arith.constant 64 : i32
      %scan3A_362 = arith.addi %scan3A_360, %scan3A_361 : i32
      %scan3A_363 = arith.constant 1 : i32
      scf.for %scan3A_365 = %scan3A_360 to %scan3A_362 step %scan3A_363  : i32 {
        %mul3A_366 = arith.constant 128 : i32
        %mul3A_367 = arith.muli %scan3A_365, %mul3A_366 : i32
        %multiple_of3A = tpu.assume_multiple %mul3A_367, 8 : i32
        %mul3A_368 = arith.constant 32 : i32
        %mul3A_369 = arith.muli %scan3A_365, %mul3A_368 : i32
        %multiple_of3A_370 = tpu.assume_multiple %mul3A_369, 8 : i32
        %get3A = arith.index_cast %multiple_of3A_370 : i32 to index
        %get3A_371 = tpu.vector_load %arg7[%get3A] {strides = array<i32>} : memref<2048xf32, #tpu.memory_space<vmem>>, vector<16xf32>,
        %swap3A = arith.index_cast %multiple_of3A : i32 to index
        %swap3A_372 = tpu.vector_load %arg6[%swap3A] {strides = array<i32>} : memref<65536xf32, #tpu.memory_space<vmem>>, vector<16xf32>,
        tpu.vector_store %arg6[%swap3A], %get3A_371 {strides = array<i32>} : memref<65536xf32, #tpu.memory_space<vmem>>, vector<16xf32>,
        %add3A_373 = arith.constant 16 : i32
        %add3A_374 = arith.addi %multiple_of3A_370, %add3A_373 : i32
        %get3A_375 = arith.index_cast %add3A_374 : i32 to index
        %get3A_376 = tpu.vector_load %arg7[%get3A_375] {strides = array<i32>} : memref<2048xf32, #tpu.memory_space<vmem>>, vector<16xf32>,
        %add3A_377 = arith.constant 16 : i32
        %add3A_378 = arith.addi %multiple_of3A, %add3A_377 : i32
        %swap3A_379 = arith.index_cast %add3A_378 : i32 to index
        %swap3A_380 = tpu.vector_load %arg6[%swap3A_379] {strides = array<i32>} : memref<65536xf32, #tpu.memory_space<vmem>>, vector<16xf32>,
        tpu.vector_store %arg6[%swap3A_379], %get3A_376 {strides = array<i32>} : memref<65536xf32, #tpu.memory_space<vmem>>, vector<16xf32>,
      }
      %scan3A_364 = arith.constant 64 : i32
      "tpu.region"() ({
        %run_scoped3A = tpu.sem_alloc : memref<!tpu.dma_semaphore, #tpu.memory_space<semaphore_mem>>
        %dma_start3A = arith.constant 0 : i32
        %dma_start3A_365 = tpu.memref_slice %arg6[%dma_start3A] : memref<65536xf32, #tpu.memory_space<vmem>> -> memref<8192xf32, #tpu.memory_space<vmem>>
        %dma_start3A_366 = arith.constant 127991808 : i32
        %dma_start3A_367 = tpu.memref_slice %arg4[%dma_start3A_366] : memref<128000000xf32, #tpu.memory_space<hbm>> -> memref<8192xf32, #tpu.memory_space<hbm>>
        %dma_start3A_368 = arith.constant 127991808 : i32
        %dma_start3A_369 = tpu.memref_slice %arg4[%dma_start3A_368] : memref<128000000xf32, #tpu.memory_space<hbm>> -> memref<8192xf32, #tpu.memory_space<hbm>>
        %dma_start3A_370 = arith.constant 0 : i32
        %dma_start3A_371 = tpu.memref_slice %arg6[%dma_start3A_370] : memref<65536xf32, #tpu.memory_space<vmem>> -> memref<8192xf32, #tpu.memory_space<vmem>>
        tpu.enqueue_dma source(%dma_start3A_371 : memref<8192xf32, #tpu.memory_space<vmem>>) target(%dma_start3A_369 : memref<8192xf32, #tpu.memory_space<hbm>>) target_semaphore(%run_scoped3A : memref<!tpu.dma_semaphore, #tpu.memory_space<semaphore_mem>>)
        %dma_wait3A = arith.constant 0 : i32
        %dma_wait3A_372 = tpu.memref_slice %arg6[%dma_wait3A] : memref<65536xf32, #tpu.memory_space<vmem>> -> memref<8192xf32, #tpu.memory_space<vmem>>
        %dma_wait3A_373 = arith.constant 127991808 : i32
        %dma_wait3A_374 = tpu.memref_slice %arg4[%dma_wait3A_373] : memref<128000000xf32, #tpu.memory_space<hbm>> -> memref<8192xf32, #tpu.memory_space<hbm>>
        %dma_wait3A_375 = arith.constant 127991808 : i32
        %dma_wait3A_376 = tpu.memref_slice %arg4[%dma_wait3A_375] : memref<128000000xf32, #tpu.memory_space<hbm>> -> memref<8192xf32, #tpu.memory_space<hbm>>
        %dma_wait3A_377 = arith.constant 0 : i32
        %dma_wait3A_378 = tpu.memref_slice %arg6[%dma_wait3A_377] : memref<65536xf32, #tpu.memory_space<vmem>> -> memref<8192xf32, #tpu.memory_space<vmem>>
        tpu.wait_dma2 semaphore(%run_scoped3A : memref<!tpu.dma_semaphore, #tpu.memory_space<semaphore_mem>>) src(%dma_wait3A_378 : memref<8192xf32, #tpu.memory_space<vmem>>) dst(%dma_wait3A_376 : memref<8192xf32, #tpu.memory_space<hbm>>)
        tpu.yield
      }) : () -> ()
    } else {
    }
    return
  }
}

#map = affine_map<(d0, d1) -> (0, 0)>
#map1 = affine_map<(d0, d1) -> (0)>
module attributes {stable_mosaic.version = 14 : i64} {
  func.func @_scatter_body(%arg0: i32, %arg1: i32, %arg2: memref<4000000x32xf32, #tpu.memory_space<hbm>>, %arg3: memref<16384xi32, #tpu.memory_space<hbm>>, %arg4: memref<16384xi32, #tpu.memory_space<hbm>>, %arg5: memref<32768x32xf32, #tpu.memory_space<hbm>>, %arg6: memref<4000000x32xf32, #tpu.memory_space<hbm>>, %arg7: memref<31258xi32, #tpu.memory_space<vmem>>, %arg8: memref<31274xi32, #tpu.memory_space<vmem>>, %arg9: memref<31274xi32, #tpu.memory_space<vmem>>, %arg10: memref<4096xi32, #tpu.memory_space<vmem>>, %arg11: memref<512x32xf32, #tpu.memory_space<vmem>>, %arg12: memref<512xi32, #tpu.memory_space<vmem>>, %arg13: memref<16xi32, #tpu.memory_space<vmem>>, %arg14: memref<!tpu.dma_semaphore, #tpu.memory_space<semaphore_mem>>) attributes {dimension_semantics = [#tpu.dimension_semantics<core_parallel>, #tpu.dimension_semantics<subcore_parallel>], iteration_bounds = array<i64: 2, 16>, scalar_prefetch = 0 : i64, scratch_operands = 8 : i64, tpu.core_type = #tpu.core_type<sc_vector_subcore>, window_params = [{transform_indices = #map}, {transform_indices = #map1}, {transform_indices = #map1}, {transform_indices = #map}, {transform_indices = #map}]} {
    %mul3A = arith.constant 2 : i32
    %mul3A_0 = arith.muli %arg1, %mul3A : i32
    %add3A = arith.addi %mul3A_0, %arg0 : i32
    %mul3A_1 = arith.constant 31250 : i32
    %mul3A_2 = arith.muli %add3A, %mul3A_1 : i32
    %mul3A_3 = arith.constant 4 : i32
    %mul3A_4 = arith.muli %mul3A_2, %mul3A_3 : i32
    %iota3A = tpu.iota {dimensions = array<i32: 0>} : vector<16xi32>
    %scan3A = arith.constant 0 : i32
    %scan3A_5 = arith.constant 0 : i32
    %scan3A_6 = arith.constant 4 : i32
    %scan3A_7 = arith.addi %scan3A_5, %scan3A_6 : i32
    %scan3A_8 = arith.constant 1 : i32
    scf.for %scan3A_52 = %scan3A_5 to %scan3A_7 step %scan3A_8  : i32 {
      %mul3A_53 = arith.constant 4096 : i32
      %mul3A_54 = arith.muli %scan3A_52, %mul3A_53 : i32
      %mul3A_55 = arith.constant 4096 : i32
      %mul3A_56 = arith.muli %scan3A_52, %mul3A_55 : i32
      "tpu.region"() ({
        %run_scoped3A = tpu.sem_alloc : memref<!tpu.dma_semaphore, #tpu.memory_space<semaphore_mem>>
        %dma_start3A = tpu.memref_slice %arg3[%mul3A_56] : memref<16384xi32, #tpu.memory_space<hbm>> -> memref<4096xi32, #tpu.memory_space<hbm>>
        %dma_start3A_63 = tpu.memref_slice %arg3[%mul3A_56] : memref<16384xi32, #tpu.memory_space<hbm>> -> memref<4096xi32, #tpu.memory_space<hbm>>
        tpu.enqueue_dma source(%dma_start3A_63 : memref<4096xi32, #tpu.memory_space<hbm>>) target(%arg10 : memref<4096xi32, #tpu.memory_space<vmem>>) target_semaphore(%run_scoped3A : memref<!tpu.dma_semaphore, #tpu.memory_space<semaphore_mem>>)
        %dma_wait3A = tpu.memref_slice %arg3[%mul3A_56] : memref<16384xi32, #tpu.memory_space<hbm>> -> memref<4096xi32, #tpu.memory_space<hbm>>
        %dma_wait3A_64 = tpu.memref_slice %arg3[%mul3A_56] : memref<16384xi32, #tpu.memory_space<hbm>> -> memref<4096xi32, #tpu.memory_space<hbm>>
        tpu.wait_dma2 semaphore(%run_scoped3A : memref<!tpu.dma_semaphore, #tpu.memory_space<semaphore_mem>>) src(%dma_wait3A_64 : memref<4096xi32, #tpu.memory_space<hbm>>) dst(%arg10 : memref<4096xi32, #tpu.memory_space<vmem>>)
        tpu.yield
      }) : () -> ()
      %scan3A_57 = arith.constant 0 : i32
      %scan3A_58 = arith.constant 0 : i32
      %scan3A_59 = arith.constant 256 : i32
      %scan3A_60 = arith.addi %scan3A_58, %scan3A_59 : i32
      %scan3A_61 = arith.constant 1 : i32
      scf.for %scan3A_63 = %scan3A_58 to %scan3A_60 step %scan3A_61  : i32 {
        %mul3A_64 = arith.constant 16 : i32
        %mul3A_65 = arith.muli %scan3A_63, %mul3A_64 : i32
        %get3A = arith.index_cast %mul3A_65 : i32 to index
        %get3A_66 = tpu.vector_load %arg10[%get3A] {strides = array<i32>} : memref<4096xi32, #tpu.memory_space<vmem>>, vector<16xi32>,
        %sub3A_67 = vector.broadcast %mul3A_4 : i32 to vector<16xi32>
        %sub3A_68 = arith.subi %get3A_66, %sub3A_67 : vector<16xi32>
        %ge3A_69 = arith.constant 0 : i32
        %ge3A_70 = vector.broadcast %ge3A_69 : i32 to vector<16xi32>
        %ge3A_71 = arith.cmpi sge, %sub3A_68, %ge3A_70 : vector<16xi32>
        %lt3A_72 = arith.constant 125000 : i32
        %lt3A_73 = vector.broadcast %lt3A_72 : i32 to vector<16xi32>
        %lt3A_74 = arith.cmpi slt, %sub3A_68, %lt3A_73 : vector<16xi32>
        %and3A_75 = arith.andi %ge3A_71, %lt3A_74 : vector<16xi1>
        %jit3A = arith.constant 0 : i32
        %broadcast_in_dim3A_76 = vector.broadcast %jit3A : i32 to vector<16xi32>
        %select_n3A = arith.select %and3A_75, %sub3A_68, %broadcast_in_dim3A_76 : vector<16xi1>, vector<16xi32>
        %shift_right_arithmetic3A = arith.constant 2 : i32
        %shift_right_arithmetic3A_77 = vector.broadcast %shift_right_arithmetic3A : i32 to vector<16xi32>
        %shift_right_arithmetic3A_78 = arith.shrsi %select_n3A, %shift_right_arithmetic3A_77 : vector<16xi32>
        %mul3A_79 = arith.constant 16 : i32
        %mul3A_80 = arith.muli %scan3A_63, %mul3A_79 : i32
        %add3A_81 = arith.addi %mul3A_54, %mul3A_80 : i32
        %add3A_82 = vector.broadcast %add3A_81 : i32 to vector<16xi32>
        %add3A_83 = arith.addi %iota3A, %add3A_82 : vector<16xi32>
        tpu.vector_store_idx %arg7[%shift_right_arithmetic3A_78], %add3A_83 masked %and3A_75 : memref<31258xi32, #tpu.memory_space<vmem>>[vector<16xi32>], vector<16xi32>, vector<16xi1>
      }
      %scan3A_62 = arith.constant 256 : i32
    }
    %scan3A_9 = arith.constant 4 : i32
    %scan3A_10 = arith.constant 0 : i32
    %scan3A_11 = arith.constant 0 : i32
    %scan3A_12 = arith.constant 4 : i32
    %scan3A_13 = arith.addi %scan3A_11, %scan3A_12 : i32
    %scan3A_14 = arith.constant 1 : i32
    scf.for %scan3A_52 = %scan3A_11 to %scan3A_13 step %scan3A_14  : i32 {
      %mul3A_53 = arith.constant 4096 : i32
      %mul3A_54 = arith.muli %scan3A_52, %mul3A_53 : i32
      %add3A_55 = arith.constant 16384 : i32
      %add3A_56 = arith.addi %add3A_55, %mul3A_54 : i32
      %mul3A_57 = arith.constant 4096 : i32
      %mul3A_58 = arith.muli %scan3A_52, %mul3A_57 : i32
      "tpu.region"() ({
        %run_scoped3A = tpu.sem_alloc : memref<!tpu.dma_semaphore, #tpu.memory_space<semaphore_mem>>
        %dma_start3A = tpu.memref_slice %arg4[%mul3A_58] : memref<16384xi32, #tpu.memory_space<hbm>> -> memref<4096xi32, #tpu.memory_space<hbm>>
        %dma_start3A_65 = tpu.memref_slice %arg4[%mul3A_58] : memref<16384xi32, #tpu.memory_space<hbm>> -> memref<4096xi32, #tpu.memory_space<hbm>>
        tpu.enqueue_dma source(%dma_start3A_65 : memref<4096xi32, #tpu.memory_space<hbm>>) target(%arg10 : memref<4096xi32, #tpu.memory_space<vmem>>) target_semaphore(%run_scoped3A : memref<!tpu.dma_semaphore, #tpu.memory_space<semaphore_mem>>)
        %dma_wait3A = tpu.memref_slice %arg4[%mul3A_58] : memref<16384xi32, #tpu.memory_space<hbm>> -> memref<4096xi32, #tpu.memory_space<hbm>>
        %dma_wait3A_66 = tpu.memref_slice %arg4[%mul3A_58] : memref<16384xi32, #tpu.memory_space<hbm>> -> memref<4096xi32, #tpu.memory_space<hbm>>
        tpu.wait_dma2 semaphore(%run_scoped3A : memref<!tpu.dma_semaphore, #tpu.memory_space<semaphore_mem>>) src(%dma_wait3A_66 : memref<4096xi32, #tpu.memory_space<hbm>>) dst(%arg10 : memref<4096xi32, #tpu.memory_space<vmem>>)
        tpu.yield
      }) : () -> ()
      %scan3A_59 = arith.constant 0 : i32
      %scan3A_60 = arith.constant 0 : i32
      %scan3A_61 = arith.constant 256 : i32
      %scan3A_62 = arith.addi %scan3A_60, %scan3A_61 : i32
      %scan3A_63 = arith.constant 1 : i32
      scf.for %scan3A_65 = %scan3A_60 to %scan3A_62 step %scan3A_63  : i32 {
        %mul3A_66 = arith.constant 16 : i32
        %mul3A_67 = arith.muli %scan3A_65, %mul3A_66 : i32
        %get3A = arith.index_cast %mul3A_67 : i32 to index
        %get3A_68 = tpu.vector_load %arg10[%get3A] {strides = array<i32>} : memref<4096xi32, #tpu.memory_space<vmem>>, vector<16xi32>,
        %sub3A_69 = vector.broadcast %mul3A_4 : i32 to vector<16xi32>
        %sub3A_70 = arith.subi %get3A_68, %sub3A_69 : vector<16xi32>
        %ge3A_71 = arith.constant 0 : i32
        %ge3A_72 = vector.broadcast %ge3A_71 : i32 to vector<16xi32>
        %ge3A_73 = arith.cmpi sge, %sub3A_70, %ge3A_72 : vector<16xi32>
        %lt3A_74 = arith.constant 125000 : i32
        %lt3A_75 = vector.broadcast %lt3A_74 : i32 to vector<16xi32>
        %lt3A_76 = arith.cmpi slt, %sub3A_70, %lt3A_75 : vector<16xi32>
        %and3A_77 = arith.andi %ge3A_73, %lt3A_76 : vector<16xi1>
        %jit3A = arith.constant 0 : i32
        %broadcast_in_dim3A_78 = vector.broadcast %jit3A : i32 to vector<16xi32>
        %select_n3A = arith.select %and3A_77, %sub3A_70, %broadcast_in_dim3A_78 : vector<16xi1>, vector<16xi32>
        %shift_right_arithmetic3A = arith.constant 2 : i32
        %shift_right_arithmetic3A_79 = vector.broadcast %shift_right_arithmetic3A : i32 to vector<16xi32>
        %shift_right_arithmetic3A_80 = arith.shrsi %select_n3A, %shift_right_arithmetic3A_79 : vector<16xi32>
        %mul3A_81 = arith.constant 16 : i32
        %mul3A_82 = arith.muli %scan3A_65, %mul3A_81 : i32
        %add3A_83 = arith.addi %add3A_56, %mul3A_82 : i32
        %add3A_84 = vector.broadcast %add3A_83 : i32 to vector<16xi32>
        %add3A_85 = arith.addi %iota3A, %add3A_84 : vector<16xi32>
        tpu.vector_store_idx %arg7[%shift_right_arithmetic3A_80], %add3A_85 masked %and3A_77 : memref<31258xi32, #tpu.memory_space<vmem>>[vector<16xi32>], vector<16xi32>, vector<16xi1>
      }
      %scan3A_64 = arith.constant 256 : i32
    }
    %scan3A_15 = arith.constant 4 : i32
    %broadcast_in_dim3A = arith.constant 0 : i32
    %broadcast_in_dim3A_16 = vector.broadcast %broadcast_in_dim3A : i32 to vector<16xi32>
    %scan3A_17 = arith.constant 0 : i32
    %scan3A_18 = arith.constant 4 : i32
    %scan3A_19 = arith.addi %scan3A_17, %scan3A_18 : i32
    %scan3A_20 = arith.constant 1 : i32
    %scan3A_21 = scf.for %scan3A_52 = %scan3A_17 to %scan3A_19 step %scan3A_20 iter_args(%scan3A_53 = %broadcast_in_dim3A_16) -> (vector<16xi32>)  : i32 {
      %mul3A_54 = arith.constant 4096 : i32
      %mul3A_55 = arith.muli %scan3A_52, %mul3A_54 : i32
      %mul3A_56 = arith.constant 4096 : i32
      %mul3A_57 = arith.muli %scan3A_52, %mul3A_56 : i32
      "tpu.region"() ({
        %run_scoped3A = tpu.sem_alloc : memref<!tpu.dma_semaphore, #tpu.memory_space<semaphore_mem>>
        %dma_start3A = tpu.memref_slice %arg3[%mul3A_57] : memref<16384xi32, #tpu.memory_space<hbm>> -> memref<4096xi32, #tpu.memory_space<hbm>>
        %dma_start3A_64 = tpu.memref_slice %arg3[%mul3A_57] : memref<16384xi32, #tpu.memory_space<hbm>> -> memref<4096xi32, #tpu.memory_space<hbm>>
        tpu.enqueue_dma source(%dma_start3A_64 : memref<4096xi32, #tpu.memory_space<hbm>>) target(%arg10 : memref<4096xi32, #tpu.memory_space<vmem>>) target_semaphore(%run_scoped3A : memref<!tpu.dma_semaphore, #tpu.memory_space<semaphore_mem>>)
        %dma_wait3A = tpu.memref_slice %arg3[%mul3A_57] : memref<16384xi32, #tpu.memory_space<hbm>> -> memref<4096xi32, #tpu.memory_space<hbm>>
        %dma_wait3A_65 = tpu.memref_slice %arg3[%mul3A_57] : memref<16384xi32, #tpu.memory_space<hbm>> -> memref<4096xi32, #tpu.memory_space<hbm>>
        tpu.wait_dma2 semaphore(%run_scoped3A : memref<!tpu.dma_semaphore, #tpu.memory_space<semaphore_mem>>) src(%dma_wait3A_65 : memref<4096xi32, #tpu.memory_space<hbm>>) dst(%arg10 : memref<4096xi32, #tpu.memory_space<vmem>>)
        tpu.yield
      }) : () -> ()
      %scan3A_58 = arith.constant 0 : i32
      %scan3A_59 = arith.constant 256 : i32
      %scan3A_60 = arith.addi %scan3A_58, %scan3A_59 : i32
      %scan3A_61 = arith.constant 1 : i32
      %scan3A_62 = scf.for %scan3A_64 = %scan3A_58 to %scan3A_60 step %scan3A_61 iter_args(%scan3A_65 = %scan3A_53) -> (vector<16xi32>)  : i32 {
        %mul3A_66 = arith.constant 16 : i32
        %mul3A_67 = arith.muli %scan3A_64, %mul3A_66 : i32
        %get3A = arith.index_cast %mul3A_67 : i32 to index
        %get3A_68 = tpu.vector_load %arg10[%get3A] {strides = array<i32>} : memref<4096xi32, #tpu.memory_space<vmem>>, vector<16xi32>,
        %sub3A_69 = vector.broadcast %mul3A_4 : i32 to vector<16xi32>
        %sub3A_70 = arith.subi %get3A_68, %sub3A_69 : vector<16xi32>
        %ge3A_71 = arith.constant 0 : i32
        %ge3A_72 = vector.broadcast %ge3A_71 : i32 to vector<16xi32>
        %ge3A_73 = arith.cmpi sge, %sub3A_70, %ge3A_72 : vector<16xi32>
        %lt3A_74 = arith.constant 125000 : i32
        %lt3A_75 = vector.broadcast %lt3A_74 : i32 to vector<16xi32>
        %lt3A_76 = arith.cmpi slt, %sub3A_70, %lt3A_75 : vector<16xi32>
        %and3A_77 = arith.andi %ge3A_73, %lt3A_76 : vector<16xi1>
        %jit3A = arith.constant 0 : i32
        %broadcast_in_dim3A_78 = vector.broadcast %jit3A : i32 to vector<16xi32>
        %select_n3A = arith.select %and3A_77, %sub3A_70, %broadcast_in_dim3A_78 : vector<16xi1>, vector<16xi32>
        %shift_right_arithmetic3A = arith.constant 2 : i32
        %shift_right_arithmetic3A_79 = vector.broadcast %shift_right_arithmetic3A : i32 to vector<16xi32>
        %shift_right_arithmetic3A_80 = arith.shrsi %select_n3A, %shift_right_arithmetic3A_79 : vector<16xi32>
        %mul3A_81 = arith.constant 16 : i32
        %mul3A_82 = arith.muli %scan3A_64, %mul3A_81 : i32
        %add3A_83 = arith.addi %mul3A_55, %mul3A_82 : i32
        %add3A_84 = vector.broadcast %add3A_83 : i32 to vector<16xi32>
        %add3A_85 = arith.addi %iota3A, %add3A_84 : vector<16xi32>
        %gather3A_86 = tpu.vector_load_idx %arg7[%shift_right_arithmetic3A_80] : memref<31258xi32, #tpu.memory_space<vmem>>[vector<16xi32>], vector<16xi32>,
        %eq3A = arith.cmpi eq, %gather3A_86, %add3A_85 : vector<16xi32>
        %and3A_87 = arith.andi %and3A_77, %eq3A : vector<16xi1>
        %convert_element_type3A_88 = arith.extui %and3A_87 : vector<16xi1> to vector<16xi32>
        %broadcast_in_dim3A_89 = arith.constant true
        %broadcast_in_dim3A_90 = vector.broadcast %broadcast_in_dim3A_89 : i1 to vector<16xi1>
        %masked_cumsum3A = tpu.scan <sum>, %convert_element_type3A_88 masked %broadcast_in_dim3A_90 : vector<16xi32>, vector<16xi1> -> vector<16xi32>
        %add3A_91 = arith.addi %scan3A_65, %masked_cumsum3A : vector<16xi32>
        %sub3A_92 = arith.subi %add3A_91, %convert_element_type3A_88 : vector<16xi32>
        tpu.vector_store_idx %arg8[%sub3A_92], %get3A_68 masked %and3A_87 : memref<31274xi32, #tpu.memory_space<vmem>>[vector<16xi32>], vector<16xi32>, vector<16xi1>
        tpu.vector_store_idx %arg9[%sub3A_92], %add3A_85 masked %and3A_87 : memref<31274xi32, #tpu.memory_space<vmem>>[vector<16xi32>], vector<16xi32>, vector<16xi1>
        %all_reduce_population_count3A = tpu.all_reduce %and3A_87 {dim = 0 : i64, kind = #tpu.reduction_kind<sum>} : vector<16xi1> -> vector<16xi32>
        %add3A_93 = arith.addi %scan3A_65, %all_reduce_population_count3A : vector<16xi32>
        scf.yield %add3A_93 : vector<16xi32>
      }
      %scan3A_63 = arith.constant 256 : i32
      scf.yield %scan3A_62 : vector<16xi32>
    }
    %scan3A_22 = arith.constant 4 : i32
    %scan3A_23 = arith.constant 0 : i32
    %scan3A_24 = arith.constant 4 : i32
    %scan3A_25 = arith.addi %scan3A_23, %scan3A_24 : i32
    %scan3A_26 = arith.constant 1 : i32
    %scan3A_27 = scf.for %scan3A_52 = %scan3A_23 to %scan3A_25 step %scan3A_26 iter_args(%scan3A_53 = %scan3A_21) -> (vector<16xi32>)  : i32 {
      %mul3A_54 = arith.constant 4096 : i32
      %mul3A_55 = arith.muli %scan3A_52, %mul3A_54 : i32
      %add3A_56 = arith.constant 16384 : i32
      %add3A_57 = arith.addi %add3A_56, %mul3A_55 : i32
      %mul3A_58 = arith.constant 4096 : i32
      %mul3A_59 = arith.muli %scan3A_52, %mul3A_58 : i32
      "tpu.region"() ({
        %run_scoped3A = tpu.sem_alloc : memref<!tpu.dma_semaphore, #tpu.memory_space<semaphore_mem>>
        %dma_start3A = tpu.memref_slice %arg4[%mul3A_59] : memref<16384xi32, #tpu.memory_space<hbm>> -> memref<4096xi32, #tpu.memory_space<hbm>>
        %dma_start3A_66 = tpu.memref_slice %arg4[%mul3A_59] : memref<16384xi32, #tpu.memory_space<hbm>> -> memref<4096xi32, #tpu.memory_space<hbm>>
        tpu.enqueue_dma source(%dma_start3A_66 : memref<4096xi32, #tpu.memory_space<hbm>>) target(%arg10 : memref<4096xi32, #tpu.memory_space<vmem>>) target_semaphore(%run_scoped3A : memref<!tpu.dma_semaphore, #tpu.memory_space<semaphore_mem>>)
        %dma_wait3A = tpu.memref_slice %arg4[%mul3A_59] : memref<16384xi32, #tpu.memory_space<hbm>> -> memref<4096xi32, #tpu.memory_space<hbm>>
        %dma_wait3A_67 = tpu.memref_slice %arg4[%mul3A_59] : memref<16384xi32, #tpu.memory_space<hbm>> -> memref<4096xi32, #tpu.memory_space<hbm>>
        tpu.wait_dma2 semaphore(%run_scoped3A : memref<!tpu.dma_semaphore, #tpu.memory_space<semaphore_mem>>) src(%dma_wait3A_67 : memref<4096xi32, #tpu.memory_space<hbm>>) dst(%arg10 : memref<4096xi32, #tpu.memory_space<vmem>>)
        tpu.yield
      }) : () -> ()
      %scan3A_60 = arith.constant 0 : i32
      %scan3A_61 = arith.constant 256 : i32
      %scan3A_62 = arith.addi %scan3A_60, %scan3A_61 : i32
      %scan3A_63 = arith.constant 1 : i32
      %scan3A_64 = scf.for %scan3A_66 = %scan3A_60 to %scan3A_62 step %scan3A_63 iter_args(%scan3A_67 = %scan3A_53) -> (vector<16xi32>)  : i32 {
        %mul3A_68 = arith.constant 16 : i32
        %mul3A_69 = arith.muli %scan3A_66, %mul3A_68 : i32
        %get3A = arith.index_cast %mul3A_69 : i32 to index
        %get3A_70 = tpu.vector_load %arg10[%get3A] {strides = array<i32>} : memref<4096xi32, #tpu.memory_space<vmem>>, vector<16xi32>,
        %sub3A_71 = vector.broadcast %mul3A_4 : i32 to vector<16xi32>
        %sub3A_72 = arith.subi %get3A_70, %sub3A_71 : vector<16xi32>
        %ge3A_73 = arith.constant 0 : i32
        %ge3A_74 = vector.broadcast %ge3A_73 : i32 to vector<16xi32>
        %ge3A_75 = arith.cmpi sge, %sub3A_72, %ge3A_74 : vector<16xi32>
        %lt3A_76 = arith.constant 125000 : i32
        %lt3A_77 = vector.broadcast %lt3A_76 : i32 to vector<16xi32>
        %lt3A_78 = arith.cmpi slt, %sub3A_72, %lt3A_77 : vector<16xi32>
        %and3A_79 = arith.andi %ge3A_75, %lt3A_78 : vector<16xi1>
        %jit3A = arith.constant 0 : i32
        %broadcast_in_dim3A_80 = vector.broadcast %jit3A : i32 to vector<16xi32>
        %select_n3A = arith.select %and3A_79, %sub3A_72, %broadcast_in_dim3A_80 : vector<16xi1>, vector<16xi32>
        %shift_right_arithmetic3A = arith.constant 2 : i32
        %shift_right_arithmetic3A_81 = vector.broadcast %shift_right_arithmetic3A : i32 to vector<16xi32>
        %shift_right_arithmetic3A_82 = arith.shrsi %select_n3A, %shift_right_arithmetic3A_81 : vector<16xi32>
        %mul3A_83 = arith.constant 16 : i32
        %mul3A_84 = arith.muli %scan3A_66, %mul3A_83 : i32
        %add3A_85 = arith.addi %add3A_57, %mul3A_84 : i32
        %add3A_86 = vector.broadcast %add3A_85 : i32 to vector<16xi32>
        %add3A_87 = arith.addi %iota3A, %add3A_86 : vector<16xi32>
        %gather3A_88 = tpu.vector_load_idx %arg7[%shift_right_arithmetic3A_82] : memref<31258xi32, #tpu.memory_space<vmem>>[vector<16xi32>], vector<16xi32>,
        %eq3A = arith.cmpi eq, %gather3A_88, %add3A_87 : vector<16xi32>
        %and3A_89 = arith.andi %and3A_79, %eq3A : vector<16xi1>
        %convert_element_type3A_90 = arith.extui %and3A_89 : vector<16xi1> to vector<16xi32>
        %broadcast_in_dim3A_91 = arith.constant true
        %broadcast_in_dim3A_92 = vector.broadcast %broadcast_in_dim3A_91 : i1 to vector<16xi1>
        %masked_cumsum3A = tpu.scan <sum>, %convert_element_type3A_90 masked %broadcast_in_dim3A_92 : vector<16xi32>, vector<16xi1> -> vector<16xi32>
        %add3A_93 = arith.addi %scan3A_67, %masked_cumsum3A : vector<16xi32>
        %sub3A_94 = arith.subi %add3A_93, %convert_element_type3A_90 : vector<16xi32>
        tpu.vector_store_idx %arg8[%sub3A_94], %get3A_70 masked %and3A_89 : memref<31274xi32, #tpu.memory_space<vmem>>[vector<16xi32>], vector<16xi32>, vector<16xi1>
        tpu.vector_store_idx %arg9[%sub3A_94], %add3A_87 masked %and3A_89 : memref<31274xi32, #tpu.memory_space<vmem>>[vector<16xi32>], vector<16xi32>, vector<16xi1>
        %all_reduce_population_count3A = tpu.all_reduce %and3A_89 {dim = 0 : i64, kind = #tpu.reduction_kind<sum>} : vector<16xi1> -> vector<16xi32>
        %add3A_95 = arith.addi %scan3A_67, %all_reduce_population_count3A : vector<16xi32>
        scf.yield %add3A_95 : vector<16xi32>
      }
      %scan3A_65 = arith.constant 256 : i32
      scf.yield %scan3A_64 : vector<16xi32>
    }
    %scan3A_28 = arith.constant 4 : i32
    %sub3A = arith.constant 1 : i32
    %sub3A_29 = vector.broadcast %sub3A : i32 to vector<16xi32>
    %sub3A_30 = arith.subi %scan3A_27, %sub3A_29 : vector<16xi32>
    %max3A = arith.constant 0 : i32
    %max3A_31 = vector.broadcast %max3A : i32 to vector<16xi32>
    %max3A_32 = arith.maxsi %sub3A_30, %max3A_31 : vector<16xi32>
    %gather3A = tpu.vector_load_idx %arg8[%max3A_32] : memref<31274xi32, #tpu.memory_space<vmem>>[vector<16xi32>], vector<16xi32>,
    %gather3A_33 = tpu.vector_load_idx %arg9[%max3A_32] : memref<31274xi32, #tpu.memory_space<vmem>>[vector<16xi32>], vector<16xi32>,
    %add3A_34 = arith.constant 15 : i32
    %add3A_35 = vector.broadcast %add3A_34 : i32 to vector<16xi32>
    %add3A_36 = arith.addi %scan3A_27, %add3A_35 : vector<16xi32>
    %and3A = arith.constant -16 : i32
    %and3A_37 = vector.broadcast %and3A : i32 to vector<16xi32>
    %and3A_38 = arith.andi %add3A_36, %and3A_37 : vector<16xi32>
    %sub3A_39 = arith.subi %and3A_38, %scan3A_27 : vector<16xi32>
    %lt3A = arith.cmpi slt, %iota3A, %sub3A_39 : vector<16xi32>
    %add3A_40 = arith.addi %scan3A_27, %iota3A : vector<16xi32>
    tpu.vector_store_idx %arg8[%add3A_40], %gather3A masked %lt3A : memref<31274xi32, #tpu.memory_space<vmem>>[vector<16xi32>], vector<16xi32>, vector<16xi1>
    %add3A_41 = arith.addi %scan3A_27, %iota3A : vector<16xi32>
    tpu.vector_store_idx %arg9[%add3A_41], %gather3A_33 masked %lt3A : memref<31274xi32, #tpu.memory_space<vmem>>[vector<16xi32>], vector<16xi32>, vector<16xi1>
    %slice3A = vector.extract_strided_slice %and3A_38 {offsets = [0], sizes = [1], strides = [1]} : vector<16xi32> to vector<1xi32>
    %squeeze3A = vector.extract %slice3A[0] : i32 from vector<1xi32>
    %ge3A = arith.constant 512 : i32
    %ge3A_42 = arith.cmpi sge, %squeeze3A, %ge3A : i32
    %convert_element_type3A = arith.extui %ge3A_42 : i1 to i32
    %cond3A = arith.constant 0 : i32
    %cond3A_43 = arith.cmpi ne, %convert_element_type3A, %cond3A : i32
    scf.if %cond3A_43 {
      %add3A_52 = arith.constant 512 : i32
      %add3A_53 = arith.addi %squeeze3A, %add3A_52 : i32
      %sub3A_54 = arith.constant 1 : i32
      %sub3A_55 = arith.subi %add3A_53, %sub3A_54 : i32
      %jit3A = arith.constant 512 : i32
      %div3A = arith.divsi %sub3A_55, %jit3A : i32
      %sign3A = arith.constant 0 : i32
      %sign3A_56 = arith.cmpi sgt, %sub3A_55, %sign3A : i32
      %sign3A_57 = arith.extui %sign3A_56 : i1 to i32
      %sign3A_58 = arith.constant 0 : i32
      %sign3A_59 = arith.cmpi slt, %sub3A_55, %sign3A_58 : i32
      %sign3A_60 = arith.extui %sign3A_59 : i1 to i32
      %sign3A_61 = arith.subi %sign3A_57, %sign3A_60 : i32
      %sign3A_62 = arith.constant 0 : i32
      %sign3A_63 = arith.cmpi sgt, %jit3A, %sign3A_62 : i32
      %sign3A_64 = arith.extui %sign3A_63 : i1 to i32
      %sign3A_65 = arith.constant 0 : i32
      %sign3A_66 = arith.cmpi slt, %jit3A, %sign3A_65 : i32
      %sign3A_67 = arith.extui %sign3A_66 : i1 to i32
      %sign3A_68 = arith.subi %sign3A_64, %sign3A_67 : i32
      %ne3A = arith.cmpi ne, %sign3A_61, %sign3A_68 : i32
      %rem3A = arith.remsi %sub3A_55, %jit3A : i32
      %ne3A_69 = arith.constant 0 : i32
      %ne3A_70 = arith.cmpi ne, %rem3A, %ne3A_69 : i32
      %and3A_71 = arith.andi %ne3A, %ne3A_70 : i1
      %sub3A_72 = arith.constant 1 : i32
      %sub3A_73 = arith.subi %div3A, %sub3A_72 : i32
      %select_n3A = arith.select %and3A_71, %sub3A_73, %div3A : i32
      %while3A = arith.constant 0 : i32
      %while3A_74 = arith.constant 0 : i32
      %while3A_75 = arith.subi %select_n3A, %while3A_74 : i32
      %while3A_76 = arith.addi %while3A_74, %while3A_75 : i32
      %while3A_77 = arith.constant 1 : i32
      %while3A_78 = arith.divsi %while3A_75, %while3A_77 : i32
      %while3A_79 = arith.muli %while3A_78, %while3A_77 : i32
      %while3A_80 = arith.addi %while3A_74, %while3A_79 : i32
      %while3A_81 = arith.constant 1 : i32
      scf.for %while3A_83 = %while3A_74 to %while3A_80 step %while3A_81  : i32 {
        %mul3A_84 = arith.constant 512 : i32
        %mul3A_85 = arith.muli %while3A_83, %mul3A_84 : i32
        %sub3A_86 = arith.constant 512 : i32
        %sub3A_87 = arith.subi %squeeze3A, %sub3A_86 : i32
        %min3A = arith.minsi %mul3A_85, %sub3A_87 : i32
        %multiple_of3A = tpu.assume_multiple %min3A, 16 : i32
        %scan3A_88 = arith.constant 0 : i32
        %scan3A_89 = arith.constant 0 : i32
        %scan3A_90 = arith.constant 32 : i32
        %scan3A_91 = arith.addi %scan3A_89, %scan3A_90 : i32
        %scan3A_92 = arith.constant 1 : i32
        scf.for %scan3A_106 = %scan3A_89 to %scan3A_91 step %scan3A_92  : i32 {
          %mul3A_107 = arith.constant 16 : i32
          %mul3A_108 = arith.muli %scan3A_106, %mul3A_107 : i32
          %add3A_109 = arith.addi %multiple_of3A, %mul3A_108 : i32
          %multiple_of3A_110 = tpu.assume_multiple %add3A_109, 16 : i32
          %get3A = arith.index_cast %multiple_of3A_110 : i32 to index
          %get3A_111 = tpu.vector_load %arg8[%get3A] {strides = array<i32>} : memref<31274xi32, #tpu.memory_space<vmem>>, vector<16xi32>,
          %mul3A_112 = arith.constant 16 : i32
          %mul3A_113 = arith.muli %scan3A_106, %mul3A_112 : i32
          %swap3A = arith.index_cast %mul3A_113 : i32 to index
          %swap3A_114 = tpu.vector_load %arg12[%swap3A] {strides = array<i32>} : memref<512xi32, #tpu.memory_space<vmem>>, vector<16xi32>,
          tpu.vector_store %arg12[%swap3A], %get3A_111 {strides = array<i32>} : memref<512xi32, #tpu.memory_space<vmem>>, vector<16xi32>,
        }
        %scan3A_93 = arith.constant 32 : i32
        %dma_start3A = tpu.memref_slice %arg9[%multiple_of3A] : memref<31274xi32, #tpu.memory_space<vmem>> -> memref<512xi32, #tpu.memory_space<vmem>>
        %dma_start3A_94 = arith.constant 0 : i32
        %dma_start3A_95 = arith.constant 0 : i32
        %dma_start3A_96 = tpu.memref_slice %arg5[%dma_start3A_94, %dma_start3A_95] : memref<32768x32xf32, #tpu.memory_space<hbm>> -> memref<32768x32xf32, #tpu.memory_space<hbm>>
        tpu.enqueue_indirect_dma source(%dma_start3A_96 : memref<32768x32xf32, #tpu.memory_space<hbm>>) target(%arg11 : memref<512x32xf32, #tpu.memory_space<vmem>>) offsets(%dma_start3A : memref<512xi32, #tpu.memory_space<vmem>>) semaphore(%arg14 : memref<!tpu.dma_semaphore, #tpu.memory_space<semaphore_mem>>)
        %dma_wait3A = tpu.memref_slice %arg9[%multiple_of3A] : memref<31274xi32, #tpu.memory_space<vmem>> -> memref<512xi32, #tpu.memory_space<vmem>>
        %dma_wait3A_97 = arith.constant 0 : i32
        %dma_wait3A_98 = arith.constant 0 : i32
        %dma_wait3A_99 = tpu.memref_slice %arg5[%dma_wait3A_97, %dma_wait3A_98] : memref<32768x32xf32, #tpu.memory_space<hbm>> -> memref<32768x32xf32, #tpu.memory_space<hbm>>
        tpu.wait_indirect_dma semaphore(%arg14 : memref<!tpu.dma_semaphore, #tpu.memory_space<semaphore_mem>>) src(%dma_wait3A_99 : memref<32768x32xf32, #tpu.memory_space<hbm>>) dst(%arg11 : memref<512x32xf32, #tpu.memory_space<vmem>>)
        %dma_start3A_100 = arith.constant 0 : i32
        %dma_start3A_101 = arith.constant 0 : i32
        %dma_start3A_102 = tpu.memref_slice %arg6[%dma_start3A_100, %dma_start3A_101] : memref<4000000x32xf32, #tpu.memory_space<hbm>> -> memref<4000000x32xf32, #tpu.memory_space<hbm>>
        tpu.enqueue_indirect_dma source(%arg11 : memref<512x32xf32, #tpu.memory_space<vmem>>) target(%dma_start3A_102 : memref<4000000x32xf32, #tpu.memory_space<hbm>>) offsets(%arg12 : memref<512xi32, #tpu.memory_space<vmem>>) semaphore(%arg14 : memref<!tpu.dma_semaphore, #tpu.memory_space<semaphore_mem>>)
        %dma_wait3A_103 = arith.constant 0 : i32
        %dma_wait3A_104 = arith.constant 0 : i32
        %dma_wait3A_105 = tpu.memref_slice %arg6[%dma_wait3A_103, %dma_wait3A_104] : memref<4000000x32xf32, #tpu.memory_space<hbm>> -> memref<4000000x32xf32, #tpu.memory_space<hbm>>
        tpu.wait_indirect_dma semaphore(%arg14 : memref<!tpu.dma_semaphore, #tpu.memory_space<semaphore_mem>>) src(%arg11 : memref<512x32xf32, #tpu.memory_space<vmem>>) dst(%dma_wait3A_105 : memref<4000000x32xf32, #tpu.memory_space<hbm>>)
      }
      %while3A_82 = arith.constant 1 : i32
      scf.for %while3A_83 = %while3A_80 to %while3A_76 step %while3A_82  : i32 {
        %mul3A_84 = arith.constant 512 : i32
        %mul3A_85 = arith.muli %while3A_83, %mul3A_84 : i32
        %sub3A_86 = arith.constant 512 : i32
        %sub3A_87 = arith.subi %squeeze3A, %sub3A_86 : i32
        %min3A = arith.minsi %mul3A_85, %sub3A_87 : i32
        %multiple_of3A = tpu.assume_multiple %min3A, 16 : i32
        %scan3A_88 = arith.constant 0 : i32
        %scan3A_89 = arith.constant 0 : i32
        %scan3A_90 = arith.constant 32 : i32
        %scan3A_91 = arith.addi %scan3A_89, %scan3A_90 : i32
        %scan3A_92 = arith.constant 1 : i32
        scf.for %scan3A_106 = %scan3A_89 to %scan3A_91 step %scan3A_92  : i32 {
          %mul3A_107 = arith.constant 16 : i32
          %mul3A_108 = arith.muli %scan3A_106, %mul3A_107 : i32
          %add3A_109 = arith.addi %multiple_of3A, %mul3A_108 : i32
          %multiple_of3A_110 = tpu.assume_multiple %add3A_109, 16 : i32
          %get3A = arith.index_cast %multiple_of3A_110 : i32 to index
          %get3A_111 = tpu.vector_load %arg8[%get3A] {strides = array<i32>} : memref<31274xi32, #tpu.memory_space<vmem>>, vector<16xi32>,
          %mul3A_112 = arith.constant 16 : i32
          %mul3A_113 = arith.muli %scan3A_106, %mul3A_112 : i32
          %swap3A = arith.index_cast %mul3A_113 : i32 to index
          %swap3A_114 = tpu.vector_load %arg12[%swap3A] {strides = array<i32>} : memref<512xi32, #tpu.memory_space<vmem>>, vector<16xi32>,
          tpu.vector_store %arg12[%swap3A], %get3A_111 {strides = array<i32>} : memref<512xi32, #tpu.memory_space<vmem>>, vector<16xi32>,
        }
        %scan3A_93 = arith.constant 32 : i32
        %dma_start3A = tpu.memref_slice %arg9[%multiple_of3A] : memref<31274xi32, #tpu.memory_space<vmem>> -> memref<512xi32, #tpu.memory_space<vmem>>
        %dma_start3A_94 = arith.constant 0 : i32
        %dma_start3A_95 = arith.constant 0 : i32
        %dma_start3A_96 = tpu.memref_slice %arg5[%dma_start3A_94, %dma_start3A_95] : memref<32768x32xf32, #tpu.memory_space<hbm>> -> memref<32768x32xf32, #tpu.memory_space<hbm>>
        tpu.enqueue_indirect_dma source(%dma_start3A_96 : memref<32768x32xf32, #tpu.memory_space<hbm>>) target(%arg11 : memref<512x32xf32, #tpu.memory_space<vmem>>) offsets(%dma_start3A : memref<512xi32, #tpu.memory_space<vmem>>) semaphore(%arg14 : memref<!tpu.dma_semaphore, #tpu.memory_space<semaphore_mem>>)
        %dma_wait3A = tpu.memref_slice %arg9[%multiple_of3A] : memref<31274xi32, #tpu.memory_space<vmem>> -> memref<512xi32, #tpu.memory_space<vmem>>
        %dma_wait3A_97 = arith.constant 0 : i32
        %dma_wait3A_98 = arith.constant 0 : i32
        %dma_wait3A_99 = tpu.memref_slice %arg5[%dma_wait3A_97, %dma_wait3A_98] : memref<32768x32xf32, #tpu.memory_space<hbm>> -> memref<32768x32xf32, #tpu.memory_space<hbm>>
        tpu.wait_indirect_dma semaphore(%arg14 : memref<!tpu.dma_semaphore, #tpu.memory_space<semaphore_mem>>) src(%dma_wait3A_99 : memref<32768x32xf32, #tpu.memory_space<hbm>>) dst(%arg11 : memref<512x32xf32, #tpu.memory_space<vmem>>)
        %dma_start3A_100 = arith.constant 0 : i32
        %dma_start3A_101 = arith.constant 0 : i32
        %dma_start3A_102 = tpu.memref_slice %arg6[%dma_start3A_100, %dma_start3A_101] : memref<4000000x32xf32, #tpu.memory_space<hbm>> -> memref<4000000x32xf32, #tpu.memory_space<hbm>>
        tpu.enqueue_indirect_dma source(%arg11 : memref<512x32xf32, #tpu.memory_space<vmem>>) target(%dma_start3A_102 : memref<4000000x32xf32, #tpu.memory_space<hbm>>) offsets(%arg12 : memref<512xi32, #tpu.memory_space<vmem>>) semaphore(%arg14 : memref<!tpu.dma_semaphore, #tpu.memory_space<semaphore_mem>>)
        %dma_wait3A_103 = arith.constant 0 : i32
        %dma_wait3A_104 = arith.constant 0 : i32
        %dma_wait3A_105 = tpu.memref_slice %arg6[%dma_wait3A_103, %dma_wait3A_104] : memref<4000000x32xf32, #tpu.memory_space<hbm>> -> memref<4000000x32xf32, #tpu.memory_space<hbm>>
        tpu.wait_indirect_dma semaphore(%arg14 : memref<!tpu.dma_semaphore, #tpu.memory_space<semaphore_mem>>) src(%arg11 : memref<512x32xf32, #tpu.memory_space<vmem>>) dst(%dma_wait3A_105 : memref<4000000x32xf32, #tpu.memory_space<hbm>>)
      }
    } else {
    }
    %lt3A_44 = arith.constant 512 : i32
    %lt3A_45 = arith.cmpi slt, %squeeze3A, %lt3A_44 : i32
    %ge3A_46 = arith.constant 16 : i32
    %ge3A_47 = arith.cmpi sge, %squeeze3A, %ge3A_46 : i32
    %and3A_48 = arith.andi %lt3A_45, %ge3A_47 : i1
    %convert_element_type3A_49 = arith.extui %and3A_48 : i1 to i32
    %cond3A_50 = arith.constant 0 : i32
    %cond3A_51 = arith.cmpi ne, %convert_element_type3A_49, %cond3A_50 : i32
    scf.if %cond3A_51 {
      %jit3A = arith.constant 16 : i32
      %div3A = arith.divsi %squeeze3A, %jit3A : i32
      %sign3A = arith.constant 0 : i32
      %sign3A_52 = arith.cmpi sgt, %squeeze3A, %sign3A : i32
      %sign3A_53 = arith.extui %sign3A_52 : i1 to i32
      %sign3A_54 = arith.constant 0 : i32
      %sign3A_55 = arith.cmpi slt, %squeeze3A, %sign3A_54 : i32
      %sign3A_56 = arith.extui %sign3A_55 : i1 to i32
      %sign3A_57 = arith.subi %sign3A_53, %sign3A_56 : i32
      %sign3A_58 = arith.constant 0 : i32
      %sign3A_59 = arith.cmpi sgt, %jit3A, %sign3A_58 : i32
      %sign3A_60 = arith.extui %sign3A_59 : i1 to i32
      %sign3A_61 = arith.constant 0 : i32
      %sign3A_62 = arith.cmpi slt, %jit3A, %sign3A_61 : i32
      %sign3A_63 = arith.extui %sign3A_62 : i1 to i32
      %sign3A_64 = arith.subi %sign3A_60, %sign3A_63 : i32
      %ne3A = arith.cmpi ne, %sign3A_57, %sign3A_64 : i32
      %rem3A = arith.remsi %squeeze3A, %jit3A : i32
      %ne3A_65 = arith.constant 0 : i32
      %ne3A_66 = arith.cmpi ne, %rem3A, %ne3A_65 : i32
      %and3A_67 = arith.andi %ne3A, %ne3A_66 : i1
      %sub3A_68 = arith.constant 1 : i32
      %sub3A_69 = arith.subi %div3A, %sub3A_68 : i32
      %select_n3A = arith.select %and3A_67, %sub3A_69, %div3A : i32
      %while3A = arith.constant 0 : i32
      %while3A_70 = arith.constant 0 : i32
      %while3A_71 = arith.subi %select_n3A, %while3A_70 : i32
      %while3A_72 = arith.addi %while3A_70, %while3A_71 : i32
      %while3A_73 = arith.constant 1 : i32
      %while3A_74 = arith.divsi %while3A_71, %while3A_73 : i32
      %while3A_75 = arith.muli %while3A_74, %while3A_73 : i32
      %while3A_76 = arith.addi %while3A_70, %while3A_75 : i32
      %while3A_77 = arith.constant 1 : i32
      scf.for %while3A_79 = %while3A_70 to %while3A_76 step %while3A_77  : i32 {
        %mul3A_80 = arith.constant 16 : i32
        %mul3A_81 = arith.muli %while3A_79, %mul3A_80 : i32
        %multiple_of3A = tpu.assume_multiple %mul3A_81, 16 : i32
        %get3A = arith.index_cast %multiple_of3A : i32 to index
        %get3A_82 = tpu.vector_load %arg8[%get3A] {strides = array<i32>} : memref<31274xi32, #tpu.memory_space<vmem>>, vector<16xi32>,
        %swap3A = arith.constant 0 : index
        %swap3A_83 = tpu.vector_load %arg13[%swap3A] {strides = array<i32>} : memref<16xi32, #tpu.memory_space<vmem>>, vector<16xi32>,
        tpu.vector_store %arg13[%swap3A], %get3A_82 {strides = array<i32>} : memref<16xi32, #tpu.memory_space<vmem>>, vector<16xi32>,
        %dma_start3A = arith.constant 0 : i32
        %dma_start3A_84 = arith.constant 0 : i32
        %dma_start3A_85 = tpu.memref_slice %arg11[%dma_start3A, %dma_start3A_84] : memref<512x32xf32, #tpu.memory_space<vmem>> -> memref<16x32xf32, #tpu.memory_space<vmem>>
        %dma_start3A_86 = tpu.memref_slice %arg9[%multiple_of3A] : memref<31274xi32, #tpu.memory_space<vmem>> -> memref<16xi32, #tpu.memory_space<vmem>>
        %dma_start3A_87 = arith.constant 0 : i32
        %dma_start3A_88 = arith.constant 0 : i32
        %dma_start3A_89 = tpu.memref_slice %arg5[%dma_start3A_87, %dma_start3A_88] : memref<32768x32xf32, #tpu.memory_space<hbm>> -> memref<32768x32xf32, #tpu.memory_space<hbm>>
        tpu.enqueue_indirect_dma source(%dma_start3A_89 : memref<32768x32xf32, #tpu.memory_space<hbm>>) target(%dma_start3A_85 : memref<16x32xf32, #tpu.memory_space<vmem>>) offsets(%dma_start3A_86 : memref<16xi32, #tpu.memory_space<vmem>>) semaphore(%arg14 : memref<!tpu.dma_semaphore, #tpu.memory_space<semaphore_mem>>)
        %dma_wait3A = arith.constant 0 : i32
        %dma_wait3A_90 = arith.constant 0 : i32
        %dma_wait3A_91 = tpu.memref_slice %arg11[%dma_wait3A, %dma_wait3A_90] : memref<512x32xf32, #tpu.memory_space<vmem>> -> memref<16x32xf32, #tpu.memory_space<vmem>>
        %dma_wait3A_92 = tpu.memref_slice %arg9[%multiple_of3A] : memref<31274xi32, #tpu.memory_space<vmem>> -> memref<16xi32, #tpu.memory_space<vmem>>
        %dma_wait3A_93 = arith.constant 0 : i32
        %dma_wait3A_94 = arith.constant 0 : i32
        %dma_wait3A_95 = tpu.memref_slice %arg5[%dma_wait3A_93, %dma_wait3A_94] : memref<32768x32xf32, #tpu.memory_space<hbm>> -> memref<32768x32xf32, #tpu.memory_space<hbm>>
        tpu.wait_indirect_dma semaphore(%arg14 : memref<!tpu.dma_semaphore, #tpu.memory_space<semaphore_mem>>) src(%dma_wait3A_95 : memref<32768x32xf32, #tpu.memory_space<hbm>>) dst(%dma_wait3A_91 : memref<16x32xf32, #tpu.memory_space<vmem>>)
        %dma_start3A_96 = arith.constant 0 : i32
        %dma_start3A_97 = arith.constant 0 : i32
        %dma_start3A_98 = tpu.memref_slice %arg11[%dma_start3A_96, %dma_start3A_97] : memref<512x32xf32, #tpu.memory_space<vmem>> -> memref<16x32xf32, #tpu.memory_space<vmem>>
        %dma_start3A_99 = arith.constant 0 : i32
        %dma_start3A_100 = arith.constant 0 : i32
        %dma_start3A_101 = tpu.memref_slice %arg6[%dma_start3A_99, %dma_start3A_100] : memref<4000000x32xf32, #tpu.memory_space<hbm>> -> memref<4000000x32xf32, #tpu.memory_space<hbm>>
        tpu.enqueue_indirect_dma source(%dma_start3A_98 : memref<16x32xf32, #tpu.memory_space<vmem>>) target(%dma_start3A_101 : memref<4000000x32xf32, #tpu.memory_space<hbm>>) offsets(%arg13 : memref<16xi32, #tpu.memory_space<vmem>>) semaphore(%arg14 : memref<!tpu.dma_semaphore, #tpu.memory_space<semaphore_mem>>)
        %dma_wait3A_102 = arith.constant 0 : i32
        %dma_wait3A_103 = arith.constant 0 : i32
        %dma_wait3A_104 = tpu.memref_slice %arg11[%dma_wait3A_102, %dma_wait3A_103] : memref<512x32xf32, #tpu.memory_space<vmem>> -> memref<16x32xf32, #tpu.memory_space<vmem>>
        %dma_wait3A_105 = arith.constant 0 : i32
        %dma_wait3A_106 = arith.constant 0 : i32
        %dma_wait3A_107 = tpu.memref_slice %arg6[%dma_wait3A_105, %dma_wait3A_106] : memref<4000000x32xf32, #tpu.memory_space<hbm>> -> memref<4000000x32xf32, #tpu.memory_space<hbm>>
        tpu.wait_indirect_dma semaphore(%arg14 : memref<!tpu.dma_semaphore, #tpu.memory_space<semaphore_mem>>) src(%dma_wait3A_104 : memref<16x32xf32, #tpu.memory_space<vmem>>) dst(%dma_wait3A_107 : memref<4000000x32xf32, #tpu.memory_space<hbm>>)
      }
      %while3A_78 = arith.constant 1 : i32
      scf.for %while3A_79 = %while3A_76 to %while3A_72 step %while3A_78  : i32 {
        %mul3A_80 = arith.constant 16 : i32
        %mul3A_81 = arith.muli %while3A_79, %mul3A_80 : i32
        %multiple_of3A = tpu.assume_multiple %mul3A_81, 16 : i32
        %get3A = arith.index_cast %multiple_of3A : i32 to index
        %get3A_82 = tpu.vector_load %arg8[%get3A] {strides = array<i32>} : memref<31274xi32, #tpu.memory_space<vmem>>, vector<16xi32>,
        %swap3A = arith.constant 0 : index
        %swap3A_83 = tpu.vector_load %arg13[%swap3A] {strides = array<i32>} : memref<16xi32, #tpu.memory_space<vmem>>, vector<16xi32>,
        tpu.vector_store %arg13[%swap3A], %get3A_82 {strides = array<i32>} : memref<16xi32, #tpu.memory_space<vmem>>, vector<16xi32>,
        %dma_start3A = arith.constant 0 : i32
        %dma_start3A_84 = arith.constant 0 : i32
        %dma_start3A_85 = tpu.memref_slice %arg11[%dma_start3A, %dma_start3A_84] : memref<512x32xf32, #tpu.memory_space<vmem>> -> memref<16x32xf32, #tpu.memory_space<vmem>>
        %dma_start3A_86 = tpu.memref_slice %arg9[%multiple_of3A] : memref<31274xi32, #tpu.memory_space<vmem>> -> memref<16xi32, #tpu.memory_space<vmem>>
        %dma_start3A_87 = arith.constant 0 : i32
        %dma_start3A_88 = arith.constant 0 : i32
        %dma_start3A_89 = tpu.memref_slice %arg5[%dma_start3A_87, %dma_start3A_88] : memref<32768x32xf32, #tpu.memory_space<hbm>> -> memref<32768x32xf32, #tpu.memory_space<hbm>>
        tpu.enqueue_indirect_dma source(%dma_start3A_89 : memref<32768x32xf32, #tpu.memory_space<hbm>>) target(%dma_start3A_85 : memref<16x32xf32, #tpu.memory_space<vmem>>) offsets(%dma_start3A_86 : memref<16xi32, #tpu.memory_space<vmem>>) semaphore(%arg14 : memref<!tpu.dma_semaphore, #tpu.memory_space<semaphore_mem>>)
        %dma_wait3A = arith.constant 0 : i32
        %dma_wait3A_90 = arith.constant 0 : i32
        %dma_wait3A_91 = tpu.memref_slice %arg11[%dma_wait3A, %dma_wait3A_90] : memref<512x32xf32, #tpu.memory_space<vmem>> -> memref<16x32xf32, #tpu.memory_space<vmem>>
        %dma_wait3A_92 = tpu.memref_slice %arg9[%multiple_of3A] : memref<31274xi32, #tpu.memory_space<vmem>> -> memref<16xi32, #tpu.memory_space<vmem>>
        %dma_wait3A_93 = arith.constant 0 : i32
        %dma_wait3A_94 = arith.constant 0 : i32
        %dma_wait3A_95 = tpu.memref_slice %arg5[%dma_wait3A_93, %dma_wait3A_94] : memref<32768x32xf32, #tpu.memory_space<hbm>> -> memref<32768x32xf32, #tpu.memory_space<hbm>>
        tpu.wait_indirect_dma semaphore(%arg14 : memref<!tpu.dma_semaphore, #tpu.memory_space<semaphore_mem>>) src(%dma_wait3A_95 : memref<32768x32xf32, #tpu.memory_space<hbm>>) dst(%dma_wait3A_91 : memref<16x32xf32, #tpu.memory_space<vmem>>)
        %dma_start3A_96 = arith.constant 0 : i32
        %dma_start3A_97 = arith.constant 0 : i32
        %dma_start3A_98 = tpu.memref_slice %arg11[%dma_start3A_96, %dma_start3A_97] : memref<512x32xf32, #tpu.memory_space<vmem>> -> memref<16x32xf32, #tpu.memory_space<vmem>>
        %dma_start3A_99 = arith.constant 0 : i32
        %dma_start3A_100 = arith.constant 0 : i32
        %dma_start3A_101 = tpu.memref_slice %arg6[%dma_start3A_99, %dma_start3A_100] : memref<4000000x32xf32, #tpu.memory_space<hbm>> -> memref<4000000x32xf32, #tpu.memory_space<hbm>>
        tpu.enqueue_indirect_dma source(%dma_start3A_98 : memref<16x32xf32, #tpu.memory_space<vmem>>) target(%dma_start3A_101 : memref<4000000x32xf32, #tpu.memory_space<hbm>>) offsets(%arg13 : memref<16xi32, #tpu.memory_space<vmem>>) semaphore(%arg14 : memref<!tpu.dma_semaphore, #tpu.memory_space<semaphore_mem>>)
        %dma_wait3A_102 = arith.constant 0 : i32
        %dma_wait3A_103 = arith.constant 0 : i32
        %dma_wait3A_104 = tpu.memref_slice %arg11[%dma_wait3A_102, %dma_wait3A_103] : memref<512x32xf32, #tpu.memory_space<vmem>> -> memref<16x32xf32, #tpu.memory_space<vmem>>
        %dma_wait3A_105 = arith.constant 0 : i32
        %dma_wait3A_106 = arith.constant 0 : i32
        %dma_wait3A_107 = tpu.memref_slice %arg6[%dma_wait3A_105, %dma_wait3A_106] : memref<4000000x32xf32, #tpu.memory_space<hbm>> -> memref<4000000x32xf32, #tpu.memory_space<hbm>>
        tpu.wait_indirect_dma semaphore(%arg14 : memref<!tpu.dma_semaphore, #tpu.memory_space<semaphore_mem>>) src(%dma_wait3A_104 : memref<16x32xf32, #tpu.memory_space<vmem>>) dst(%dma_wait3A_107 : memref<4000000x32xf32, #tpu.memory_space<hbm>>)
      }
    } else {
    }
    return
  }
}

module attributes {stable_mosaic.version = 14 : i64} {
  func.func @_dense_body(%arg0: i32, %arg1: memref<2048x32xf32, #tpu.memory_space<vmem>>, %arg2: memref<2048x32xf32, #tpu.memory_space<vmem>>, %arg3: memref<2048x4xf32, #tpu.memory_space<vmem>>, %arg4: memref<32x32xf32, #tpu.memory_space<vmem>>, %arg5: memref<1x32xf32, #tpu.memory_space<vmem>>, %arg6: memref<32x32xf32, #tpu.memory_space<vmem>>, %arg7: memref<1x32xf32, #tpu.memory_space<vmem>>, %arg8: memref<32x32xf32, #tpu.memory_space<vmem>>, %arg9: memref<1x32xf32, #tpu.memory_space<vmem>>, %arg10: memref<4x32xf32, #tpu.memory_space<vmem>>, %arg11: memref<1x32xf32, #tpu.memory_space<vmem>>, %arg12: memref<2048x32xf32, #tpu.memory_space<vmem>>) attributes {dimension_semantics = [#tpu.dimension_semantics<arbitrary>], iteration_bounds = array<i64: 16>, scalar_prefetch = 0 : i64, scratch_operands = 0 : i64, tpu.core_type = #tpu.core_type<tc>, window_params = [{transform_indices = @transform_0, window_bounds = array<i64: 2048, 32>}, {transform_indices = @transform_1, window_bounds = array<i64: 2048, 32>}, {transform_indices = @transform_2, window_bounds = array<i64: 2048, 4>}, {pipeline_mode = #tpu.pipeline_mode<synchronous>, transform_indices = @transform_3, window_bounds = array<i64: 32, 32>}, {pipeline_mode = #tpu.pipeline_mode<synchronous>, transform_indices = @transform_4, window_bounds = array<i64: 1, 32>}, {pipeline_mode = #tpu.pipeline_mode<synchronous>, transform_indices = @transform_5, window_bounds = array<i64: 32, 32>}, {pipeline_mode = #tpu.pipeline_mode<synchronous>, transform_indices = @transform_6, window_bounds = array<i64: 1, 32>}, {pipeline_mode = #tpu.pipeline_mode<synchronous>, transform_indices = @transform_7, window_bounds = array<i64: 32, 32>}, {pipeline_mode = #tpu.pipeline_mode<synchronous>, transform_indices = @transform_8, window_bounds = array<i64: 1, 32>}, {pipeline_mode = #tpu.pipeline_mode<synchronous>, transform_indices = @transform_9, window_bounds = array<i64: 4, 32>}, {pipeline_mode = #tpu.pipeline_mode<synchronous>, transform_indices = @transform_10, window_bounds = array<i64: 1, 32>}, {transform_indices = @transform_11, window_bounds = array<i64: 2048, 32>}]} {
    %get3A = arith.constant 0 : index
    %get3A_0 = arith.constant 0 : index
    %get3A_1 = vector.load %arg4[%get3A, %get3A_0] : memref<32x32xf32, #tpu.memory_space<vmem>>, vector<32x32xf32>
    %get3A_2 = arith.constant 0 : index
    %get3A_3 = arith.constant 0 : index
    %get3A_4 = vector.load %arg6[%get3A_2, %get3A_3] : memref<32x32xf32, #tpu.memory_space<vmem>>, vector<32x32xf32>
    %dot_general3A = arith.constant dense<0.000000e+00> : vector<32x32xf32>
    %dot_general3A_5 = tpu.matmul %get3A_1, %get3A_4, %dot_general3A {dimension_numbers = #tpu.dot_dimension_numbers<[1], [0], [0], [1], [0, 0, 1, 1], [], []>, transpose_lhs_hint = false} : vector<32x32xf32>, vector<32x32xf32>, vector<32x32xf32> -> vector<32x32xf32>
    %get3A_6 = arith.constant 0 : index
    %get3A_7 = arith.constant 0 : index
    %get3A_8 = vector.load %arg5[%get3A_6, %get3A_7] : memref<1x32xf32, #tpu.memory_space<vmem>>, vector<1x32xf32>
    %get3A_9 = arith.constant 0 : index
    %get3A_10 = arith.constant 0 : index
    %get3A_11 = vector.load %arg6[%get3A_9, %get3A_10] : memref<32x32xf32, #tpu.memory_space<vmem>>, vector<32x32xf32>
    %dot_general3A_12 = arith.constant dense<0.000000e+00> : vector<1x32xf32>
    %dot_general3A_13 = tpu.matmul %get3A_8, %get3A_11, %dot_general3A_12 {dimension_numbers = #tpu.dot_dimension_numbers<[1], [0], [0], [1], [0, 0, 1, 1], [], []>, transpose_lhs_hint = false} : vector<1x32xf32>, vector<32x32xf32>, vector<1x32xf32> -> vector<1x32xf32>
    %get3A_14 = arith.constant 0 : index
    %get3A_15 = arith.constant 0 : index
    %get3A_16 = vector.load %arg7[%get3A_14, %get3A_15] : memref<1x32xf32, #tpu.memory_space<vmem>>, vector<1x32xf32>
    %add3A = arith.addf %dot_general3A_13, %get3A_16 : vector<1x32xf32>
    %get3A_17 = arith.constant 0 : index
    %get3A_18 = arith.constant 0 : index
    %get3A_19 = vector.load %arg9[%get3A_17, %get3A_18] : memref<1x32xf32, #tpu.memory_space<vmem>>, vector<1x32xf32>
    %add3A_20 = arith.addf %add3A, %get3A_19 : vector<1x32xf32>
    %get3A_21 = arith.constant 0 : index
    %get3A_22 = arith.constant 0 : index
    %get3A_23 = vector.load %arg11[%get3A_21, %get3A_22] : memref<1x32xf32, #tpu.memory_space<vmem>>, vector<1x32xf32>
    %add3A_24 = arith.addf %add3A_20, %get3A_23 : vector<1x32xf32>
    %get3A_25 = arith.constant 0 : index
    %get3A_26 = arith.constant 0 : index
    %get3A_27 = vector.load %arg2[%get3A_25, %get3A_26] : memref<2048x32xf32, #tpu.memory_space<vmem>>, vector<2048x32xf32>
    %mul3A = arith.constant 6.250000e-02 : f32
    %mul3A_28 = vector.broadcast %mul3A : f32 to vector<2048x32xf32>
    %mul3A_29 = arith.mulf %get3A_27, %mul3A_28 : vector<2048x32xf32>
    %dot_general3A_30 = arith.constant dense<0.000000e+00> : vector<2048x32xf32>
    %dot_general3A_31 = tpu.matmul %mul3A_29, %dot_general3A_5, %dot_general3A_30 {dimension_numbers = #tpu.dot_dimension_numbers<[1], [0], [0], [1], [0, 0, 1, 1], [], []>, transpose_lhs_hint = false} : vector<2048x32xf32>, vector<32x32xf32>, vector<2048x32xf32> -> vector<2048x32xf32>
    %get3A_32 = arith.constant 0 : index
    %get3A_33 = arith.constant 0 : index
    %get3A_34 = vector.load %arg1[%get3A_32, %get3A_33] : memref<2048x32xf32, #tpu.memory_space<vmem>>, vector<2048x32xf32>
    %get3A_35 = arith.constant 0 : index
    %get3A_36 = arith.constant 0 : index
    %get3A_37 = vector.load %arg8[%get3A_35, %get3A_36] : memref<32x32xf32, #tpu.memory_space<vmem>>, vector<32x32xf32>
    %dot_general3A_38 = arith.constant dense<0.000000e+00> : vector<2048x32xf32>
    %dot_general3A_39 = tpu.matmul %get3A_34, %get3A_37, %dot_general3A_38 {dimension_numbers = #tpu.dot_dimension_numbers<[1], [0], [0], [1], [0, 0, 1, 1], [], []>, transpose_lhs_hint = false} : vector<2048x32xf32>, vector<32x32xf32>, vector<2048x32xf32> -> vector<2048x32xf32>
    %add3A_40 = arith.addf %dot_general3A_31, %dot_general3A_39 : vector<2048x32xf32>
    %get3A_41 = arith.constant 0 : index
    %get3A_42 = arith.constant 0 : index
    %get3A_43 = vector.load %arg3[%get3A_41, %get3A_42] : memref<2048x4xf32, #tpu.memory_space<vmem>>, vector<2048x4xf32>
    %get3A_44 = arith.constant 0 : index
    %get3A_45 = arith.constant 0 : index
    %get3A_46 = vector.load %arg10[%get3A_44, %get3A_45] : memref<4x32xf32, #tpu.memory_space<vmem>>, vector<4x32xf32>
    %dot_general3A_47 = arith.constant dense<0.000000e+00> : vector<2048x32xf32>
    %dot_general3A_48 = tpu.matmul %get3A_43, %get3A_46, %dot_general3A_47 {dimension_numbers = #tpu.dot_dimension_numbers<[1], [0], [0], [1], [0, 0, 1, 1], [], []>, transpose_lhs_hint = false} : vector<2048x4xf32>, vector<4x32xf32>, vector<2048x32xf32> -> vector<2048x32xf32>
    %add3A_49 = arith.addf %add3A_40, %dot_general3A_48 : vector<2048x32xf32>
    %add3A_50 = vector.broadcast %add3A_24 : vector<1x32xf32> to vector<2048x32xf32>
    %add3A_51 = arith.addf %add3A_49, %add3A_50 : vector<2048x32xf32>
    %logistic3A = arith.negf %add3A_51 : vector<2048x32xf32>
    %logistic3A_52 = math.exp %logistic3A : vector<2048x32xf32>
    %logistic3A_53 = arith.constant 1.000000e+00 : f32
    %logistic3A_54 = vector.broadcast %logistic3A_53 : f32 to vector<2048x32xf32>
    %logistic3A_55 = arith.addf %logistic3A_54, %logistic3A_52 : vector<2048x32xf32>
    %logistic3A_56 = arith.divf %logistic3A_54, %logistic3A_55 : vector<2048x32xf32>
    %swap3A = arith.constant 0 : index
    %swap3A_57 = arith.constant 0 : index
    %swap3A_58 = vector.load %arg12[%swap3A, %swap3A_57] : memref<2048x32xf32, #tpu.memory_space<vmem>>, vector<2048x32xf32>
    tpu.vector_store %arg12[%swap3A, %swap3A_57], %logistic3A_56 {strides = array<i32>} : memref<2048x32xf32, #tpu.memory_space<vmem>>, vector<2048x32xf32>,
    return
  }
  func.func @transform_0(%arg0: i32) -> (i32, i32) {
    %c0_i32 = arith.constant 0 : i32
    %c0_i32_0 = arith.constant 0 : i32
    return %arg0, %c0_i32 : i32, i32
  }
  func.func @transform_1(%arg0: i32) -> (i32, i32) {
    %c0_i32 = arith.constant 0 : i32
    %c0_i32_0 = arith.constant 0 : i32
    return %arg0, %c0_i32 : i32, i32
  }
  func.func @transform_2(%arg0: i32) -> (i32, i32) {
    %jit3A = arith.constant 8 : i32
    %eq3A = arith.constant 0 : i32
    %eq3A_0 = arith.cmpi eq, %jit3A, %eq3A : i32
    %jit3A_1 = arith.constant 1 : i32
    %select_n3A = arith.select %eq3A_0, %jit3A_1, %jit3A : i32
    %rem3A = arith.remsi %arg0, %select_n3A : i32
    %ne3A = arith.constant 0 : i32
    %ne3A_2 = arith.cmpi ne, %rem3A, %ne3A : i32
    %lt3A = arith.constant 0 : i32
    %lt3A_3 = arith.cmpi slt, %rem3A, %lt3A : i32
    %lt3A_4 = arith.constant 0 : i32
    %lt3A_5 = arith.cmpi slt, %select_n3A, %lt3A_4 : i32
    %ne3A_6 = arith.xori %lt3A_3, %lt3A_5 : i1
    %and3A = arith.andi %ne3A_6, %ne3A_2 : i1
    %add3A = arith.addi %rem3A, %select_n3A : i32
    %select_n3A_7 = arith.select %and3A, %add3A, %rem3A : i32
    %c0_i32 = arith.constant 0 : i32
    %c0_i32_8 = arith.constant 0 : i32
    return %select_n3A_7, %c0_i32 : i32, i32
  }
  func.func @transform_3(%arg0: i32) -> (i32, i32) {
    %c0_i32 = arith.constant 0 : i32
    %c0_i32_0 = arith.constant 0 : i32
    %c0_i32_1 = arith.constant 0 : i32
    return %c0_i32, %c0_i32_0 : i32, i32
  }
  func.func @transform_4(%arg0: i32) -> (i32, i32) {
    %c0_i32 = arith.constant 0 : i32
    %c0_i32_0 = arith.constant 0 : i32
    %c0_i32_1 = arith.constant 0 : i32
    return %c0_i32, %c0_i32_0 : i32, i32
  }
  func.func @transform_5(%arg0: i32) -> (i32, i32) {
    %c0_i32 = arith.constant 0 : i32
    %c0_i32_0 = arith.constant 0 : i32
    %c0_i32_1 = arith.constant 0 : i32
    return %c0_i32, %c0_i32_0 : i32, i32
  }
  func.func @transform_6(%arg0: i32) -> (i32, i32) {
    %c0_i32 = arith.constant 0 : i32
    %c0_i32_0 = arith.constant 0 : i32
    %c0_i32_1 = arith.constant 0 : i32
    return %c0_i32, %c0_i32_0 : i32, i32
  }
  func.func @transform_7(%arg0: i32) -> (i32, i32) {
    %c0_i32 = arith.constant 0 : i32
    %c0_i32_0 = arith.constant 0 : i32
    %c0_i32_1 = arith.constant 0 : i32
    return %c0_i32, %c0_i32_0 : i32, i32
  }
  func.func @transform_8(%arg0: i32) -> (i32, i32) {
    %c0_i32 = arith.constant 0 : i32
    %c0_i32_0 = arith.constant 0 : i32
    %c0_i32_1 = arith.constant 0 : i32
    return %c0_i32, %c0_i32_0 : i32, i32
  }
  func.func @transform_9(%arg0: i32) -> (i32, i32) {
    %c0_i32 = arith.constant 0 : i32
    %c0_i32_0 = arith.constant 0 : i32
    %c0_i32_1 = arith.constant 0 : i32
    return %c0_i32, %c0_i32_0 : i32, i32
  }
  func.func @transform_10(%arg0: i32) -> (i32, i32) {
    %c0_i32 = arith.constant 0 : i32
    %c0_i32_0 = arith.constant 0 : i32
    %c0_i32_1 = arith.constant 0 : i32
    return %c0_i32, %c0_i32_0 : i32, i32
  }
  func.func @transform_11(%arg0: i32) -> (i32, i32) {
    %c0_i32 = arith.constant 0 : i32
    %c0_i32_0 = arith.constant 0 : i32
    return %arg0, %c0_i32 : i32, i32
  }
}

</mosaic_0001>

<sc_bundles>
// kernel: kernel.12.cloned.1.call-start
scs
__scs_entry_jumppad:
0x0: {  	(pc) =	sbr.rel $0x88, $3  }
0x1: {  	(tag) =	ssettag $0x0;
	lr =	simm.s32 $0x1  }
0x2: {  	[smem:$0x3F93] =	sst lr;
	_ =	strace $0xD0000000  }
0x3: {  	_ = 	snop  }
0x4: {  	_ = 	snop  }
0x5: {  	_ = 	snop  }
0x6: {  	_ = 	snop  }
0x7: {  	_ = 	snop  }
__scs_overlays_trampoline_lowered:
0x8: {  	[smem:$0x3FA2] =	sst s0  }
0x9: {  	[smem:$0x3FA3] =	sst s1  }
0xa: {  	[smem:$0x3FA4] =	sst s2  }
0xb: {  	[smem:$0x3FA5] =	sst s3  }
0xc: {  	[smem:$0x3FA6] =	sst s4  }
0xd: {  	[smem:$0x3FA7] =	sst s5  }
0xe: {  	[smem:$0x3FA8] =	sst s6  }
0xf: {  	[smem:$0x3FA9] =	sst s7  }
0x10: {  	[smem:$0x3FAA] =	sst s8  }
0x11: {  	[smem:$0x3FAB] =	sst s9;
	s0 =	simm.s32 @!p0 $0x0  }
0x12: {  	s1 =	sld [smem:$0x3F91];
	s0 =	simm.s32 @p0 $0x1  }
0x13: {  	[smem:$0x3FAC] =	sst s0;
	s0 =	simm.s32 @!p1 $0x0  }
0x14: {  	s2 =	sld [smem:$0x3F90];
	s0 =	simm.s32 @p1 $0x1  }
0x15: {  	[smem:$0x3FAD] =	sst s0;
	s0 =	simm.s32 @!p2 $0x0  }
0x16: {  	s3 =	sld [smem:$0x3FDB];
	s0 =	simm.s32 @p2 $0x1  }
0x17: {  	s4 =	simm.s32 $0x1BF5;
	[smem:$0x3FAF] =	sst s0  }
0x18: {  	s0 =	sld [smem:$0x3F92];
	_ =	swait.ge [sflag:s4], $0x0  }
0x19: {  	s7 =	sld [smem:$0x3F93]  }
0x1a: {  	s8 =	sadd.s32 $0xFFFFE003, lr  }
0x1b: {  	s9 =	sadd.s32 $0xFFFFFEF7, lr;
	s5 =	simm.s32 $0xFFFFFFFF;
	p2 =	slt.u32 s8, $0xFFFFF086  }
0x1c: {  	p1 =	slt.u32 s9, $0xF7A;
	s5 =	simm.s32 @!p2 $0x0  }
0x1d: {  	s5 =	simm.s32 @p1 $0x1;
	p0 =	seq.s32 s7, s2  }
0x1e: {  	s7 =	smul.u32 @!p0 $0xF7A, s2;
	p2 =	seq.s32 @!p0 s5, $0x0  }
0x1f: {  	s9 =	smul.u32 $0xF7A, s1;
	s8 =	simm.s32 @!p0 $0x1BF5;
	p2 =	por !p2, p0  }
0x20: {  	[sflag:s8] =	ssyncset.s32 @!p0 $0xFFFFF086;
	s6 =	sadd.s32 @!p0 s3, s7;
	s7 =	simm.s32 @!p0 $0x108  }
0x21: {  	s3 =	sadd.s32 s3, s9;
	s6 =	sadd.s32 @!p0 $0x88, s6;
	s7 =	simm.s32 @p2 $0x1082  }
0x22: {  	[simem:s7], [sflag:s8] =	dma.local @!p0 [hbm:s6], $0xF7A  }
0x23: {  	s9 =	sor.u32 $0xD0000000, s2;
	s6 =	simm.s32 $0x108;
	_ =	swait.ge @!p0 [sflag:s8], $0x0  }
0x24: {  	s3 =	sadd.s32 $0x88, s3;
	s6 =	simm.s32 @!p1 $0x1082;
	[sflag:s4] =	ssyncset.s32 $0xFFFFF086  }
0x25: {  	[simem:s6], [sflag:s4] =	dma.local [hbm:s3], $0xF7A  }
0x26: {  	[smem:$0x3F93] =	sst s1;
	(tag) =	ssettag s2;
	_ =	strace s9  }
0x27: {  	s1 =	sld [smem:$0x3FA3]  }
0x28: {  	s2 =	sld [smem:$0x3FA4]  }
0x29: {  	s4 =	sld [smem:$0x3FA6]  }
0x2a: {  	p0 =	seq.s32 s5, $0x0;
	s5 =	sld [smem:$0x3FA7]  }
0x2b: {  	s6 =	sld [smem:$0x3FA8]  }
0x2c: {  	s7 =	sld [smem:$0x3FA9]  }
0x2d: {  	s3 =	simm.s32 $0x108;
	s8 =	sld [smem:$0x3FAA]  }
0x2e: {  	s3 =	simm.s32 @!p0 $0x1082;
	s9 =	sld [smem:$0x3FAB]  }
0x2f: {  	lr =	sadd.s32 s0, s3;
	s0 =	sld [smem:$0x3FA2]  }
0x30: {  	s3 =	sld [smem:$0x3FA5]  }
0x31: {  	[smem:$0x3FAE] =	sst s10  }
0x32: {  	s10 =	sld [smem:$0x3FAC];
	_ =	sdelay $0x3  }
0x33: {  	p0 =	seq.s32 s10, $0x1;
	s10 =	sld [smem:$0x3FAE];
	_ =	sdelay $0x3  }
0x34: {  	[smem:$0x3FAE] =	sst s10  }
0x35: {  	s10 =	sld [smem:$0x3FAD];
	_ =	sdelay $0x3  }
0x36: {  	p1 =	seq.s32 s10, $0x1;
	s10 =	sld [smem:$0x3FAE];
	_ =	sdelay $0x3  }
0x37: {  	[smem:$0x3FAE] =	sst s10  }
0x38: {  	s10 =	sld [smem:$0x3FAF]  }
0x39: {  	_ = 	snop;
	(pc) =	sbr.ind lr, $3  }
0x3a: {  	_ = 	snop  }
0x3b: {  	_ = 	snop  }
0x3c: {  	p2 =	seq.s32 s10, $0x1;
	s10 =	sld [smem:$0x3FAE]  }
0x3d: {  	_ =	shalt  }
0x3e: {  	_ =	shalt  }
0x3f: {  	_ =	shalt  }
0x40: {  	_ =	shalt  }
0x41: {  	_ =	shalt  }
0x42: {  	_ =	shalt  }
0x43: {  	_ =	shalt  }
0x44: {  	_ =	shalt  }
0x45: {  	_ =	shalt  }
0x46: {  	_ =	shalt  }
0x47: {  	_ =	shalt  }
0x48: {  	_ =	shalt  }
0x49: {  	_ =	shalt  }
0x4a: {  	_ =	shalt  }
0x4b: {  	_ =	shalt  }
0x4c: {  	_ =	shalt  }
0x4d: {  	_ =	shalt  }
0x4e: {  	_ =	shalt  }
0x4f: {  	_ =	shalt  }
0x50: {  	_ =	shalt  }
0x51: {  	_ =	shalt  }
0x52: {  	_ =	shalt  }
0x53: {  	_ =	shalt  }
0x54: {  	_ =	shalt  }
0x55: {  	_ =	shalt  }
0x56: {  	_ =	shalt  }
0x57: {  	_ =	shalt  }
0x58: {  	_ =	shalt  }
0x59: {  	_ =	shalt  }
0x5a: {  	_ =	shalt  }
0x5b: {  	_ =	shalt  }
0x5c: {  	_ =	shalt  }
0x5d: {  	_ =	shalt  }
0x5e: {  	_ =	shalt  }
0x5f: {  	_ =	shalt  }
0x60: {  	_ =	shalt  }
0x61: {  	_ =	shalt  }
0x62: {  	_ =	shalt  }
0x63: {  	_ =	shalt  }
0x64: {  	_ =	shalt  }
0x65: {  	_ =	shalt  }
0x66: {  	_ =	shalt  }
0x67: {  	_ =	shalt  }
0x68: {  	_ =	shalt  }
0x69: {  	_ =	shalt  }
0x6a: {  	_ =	shalt  }
0x6b: {  	_ =	shalt  }
0x6c: {  	_ =	shalt  }
0x6d: {  	_ =	shalt  }
0x6e: {  	_ =	shalt  }
0x6f: {  	_ =	shalt  }
0x70: {  	_ =	shalt  }
0x71: {  	_ =	shalt  }
0x72: {  	_ =	shalt  }
0x73: {  	_ =	shalt  }
0x74: {  	_ =	shalt  }
0x75: {  	_ =	shalt  }
0x76: {  	_ =	shalt  }
0x77: {  	_ =	shalt  }
0x78: {  	_ =	shalt  }
0x79: {  	_ =	shalt  }
0x7a: {  	_ =	shalt  }
0x7b: {  	_ =	shalt  }
0x7c: {  	_ =	shalt  }
0x7d: {  	_ =	shalt  }
0x7e: {  	_ =	shalt  }
0x7f: {  	_ =	shalt  }
0x80: {  	_ =	shalt  }
0x81: {  	_ =	shalt  }
0x82: {  	_ =	shalt  }
0x83: {  	_ =	shalt  }
0x84: {  	_ =	shalt  }
0x85: {  	_ =	shalt  }
0x86: {  	_ =	shalt  }
0x87: {  	_ =	shalt  }
.Lfunc_end0:
.L_simem_size_0:
called_computation.3_lowered:
.L_overlay_start_0:
0x88: {  	s2 =	sld [smem:$0x3FD9]  }
0x89: {  	s3 =	sld [smem:$0x3FFE];
	_ =	sdelay $0x1  }
0x8a: {  	s1 =	srdreg.scid  }
0x8b: {  	s0 =	sand.u32 $0x1, s1  }
0x8c: {  	s17 =	sshll.u32 s0, $0xA;
	s2 =	sadd.s32 s3, s2  }
0x8d: {  	s2 =	sadd.s32 s2, s17  }
0x8e: {  	[smem:$0x3FBA] =	sst s2  }
0x8f: {  	_ = 	snop  }
0x90: {  	s2 =	sld [smem:$0x3FD0];
	(tm) =	ssettm $0x1  }
0x91: {  	s18 =	sld [smem:$0x3FFB];
	_ =	sdelay $0x3  }
0x92: {  	_ =	strace s18  }
0x93: {  	s3 =	sld [smem:$0x3FFC];
	_ =	sdelay $0x3  }
0x94: {  	_ =	strace s3  }
0x95: {  	s3 =	sld [smem:$0x3FFD];
	_ =	sdelay $0x3  }
0x96: {  	_ =	strace s3  }
0x97: {  	_ =	strace $0x8FFFFFFF  }
0x98: {  	s19 =	sld [smem:$0x3FDB];
	_ =	sdelay $0x1  }
0x99: {  	s4 =	simm.s32 $_scs_section_size  }
0x9a: {  	s5 =	simm.s32 $_size__tile_overlayer_lowered;
	s6 =	simm.s32 $_tile_overlayer_lowered  }
0x9b: {  	s22 =	simm.s32 $0x1BFF;
	s21 =	sshll.u32 s6, $0x1;
	s3 =	sadd.s32 s4, s19  }
0x9c: {  	s7 =	simm.s32 $0x0;
	s20 =	sshll.u32 s5, $0x1;
	s5 =	sadd.s32 s21, s3  }
0x9d: {  	[timem:s7], [sflag:s22] =	dma.local [hbm:s5], s20  }
0x9e: {  	_ =	swait.ge [sflag:s22], s20  }
0x9f: {  	s4 =	ssub.s32 $0x0, s20;
	[sflag:s22] =	ssyncset.done $0x0  }
0xa0: {  	[sflag:s22] =	ssyncadd.s32 s4;
	_ =	sdelay $0x1  }
0xa1: {  	s23 =	simm.s32 $0x1B8B  }
0xa2: {  	_ =	swait.ge [sflag:s23], $0x1  }
0xa3: {  	[sflag:s23] =	ssyncset.done $0x0  }
0xa4: {  	s25 =	simm.s32 $0x1B8E;
	s24 =	sld [smem:$0x3FFE];
	[sflag:s23] =	ssyncadd.s32 $0xFFFFFFFF  }
0xa5: {  	s26 =	simm.s32 $execute0_lowered;
	[smem:$0x3FD2] =	sst s25  }
0xa6: {  	s5 =	sshll.u32 s26, $0x1;
	_ =	strace $0x8000004C;
	[dreg:$0x1] =	wrdreg $0xFFFFFFFF  }
0xa7: {  	s28 =	simm.s32 $_size_execute0_lowered;
	s3 =	sadd.s32 s3, s5;
	[dreg:$0x0] =	wrdreg $0x0  }
0xa8: {  	s5 =	sshll.u32 s28, $0x1;
	[dreg:$0x2] =	wrdreg s3  }
0xa9: {  	[dreg:$0x3] =	wrdreg s5  }
0xaa: {  	[dreg:$0x4] =	wrdreg $0xC0  }
0xab: {  	_ =	task [dreg:s7], $0x5FFFF  }
0xac: {  	[dreg:$0x1] =	wrdreg $0xFFFFFFFF  }
0xad: {  	[dreg:$0x0] =	wrdreg $0x60  }
0xae: {  	[dreg:$0x2] =	wrdreg s24  }
0xaf: {  	[dreg:$0x3] =	wrdreg s2  }
0xb0: {  	[dreg:$0x4] =	wrdreg $0x9  }
0xb1: {  	_ =	task.clear_ibuf [dreg:s7], $0x5FFFF;
	_ =	strace $0x9000004C  }
0xb2: {  	s29 =	simm.s32 $0x9;
	_ =	strace $0x8000004E  }
0xb3: {  	_ =	swait.ge [sflag:s29], $0x1  }
0xb4: {  	[sflag:s29] =	ssyncadd.s32 $0xFFFFFFFF  }
0xb5: {  	_ =	strace $0x9000004E  }
0xb6: {  	_ =	sfence  }
0xb7: {  	s30 =	sld [smem:$0x0];
	_ =	sdelay $0x2  }
0xb8: {  	s31 =	sshll.u32 s1, $0xD;
	s1 =	sshrl.u32 s1, $0x2  }
0xb9: {  	s3 =	sand.u32 $0x4000, s31;
	s1 =	sadd.s32 s1, s30  }
0xba: {  	s0 =	sor.u32 s3, s0;
	s1 =	sshll.u32 s1, $0x11  }
0xbb: {  	s0 =	sor.u32 s1, s0  }
0xbc: {  	s0 =	sadd.s32 $0x8F2B, s0  }
0xbd: {  	[sflag:s0] =	ssyncadd.remote.s32 $0x1  }
0xbe: {  	_ =	sfence.sel $0xFFFF  }
0xbf: {  	[dreg:$0x0] =	wrdreg $0xFFFFFFFF;
	(pc) =	sbr.abs _section_cstart, $3  }
0xc0: {  	[dreg:$0x1] =	wrdreg $0xFFFFFFFF  }
0xc1: {  	_ =	task.clear_ibuf [dreg:s7], $0x2FFFF;
	_ =	strace $0x9FFFFFFF  }
0xc2: {  	(tm) =	ssettm $0x7FFFFFFF  }
0xc3: {  	_ =	shalt  }
tec
execute0_lowered:
.L_overlay_start_1:
0x0: {  	(tag) =	ssettag $0x1  }
0x1: {  	s6 =	rddreg [dreg:$0x0]  }
0x2: {  	s1 =	rddreg [dreg:$0x1]  }
0x3: {  	s0 =	rddreg [dreg:$0x2];
	s3 =	simm.s32 $0x0  }
0x4: {  	s4 =	srdreg.scid;
	s2 =	stileid.u32;
	s11 =	simm.s32 $0xF450  }
0x5: {  	s12 =	simm.s32 $0x200;
	s13 =	simm.s32 $0x17E80;
	s14 =	simm.s32 $0x1  }
0x6: {  	s15 =	simm.s32 $0x1BE80;
	s17 =	simm.s32 $0x1C080;
	s18 =	simm.s32 $0x0  }
0x7: {  	[smem:$0x7FF] =	sst s3;
	s7 =	sand.u32 $0x1, s4;
	s4 =	sadd.s32 $0xF55400, s6  }
.Ltmp0:
0x8: {  	s9 =	sshll.u32 s2, $0x1;
	s5 =	sadd.s32 $0xF55C00, s6;
	(pc) =	sbr.rel .LBB2_1-.Ltmp0, $4  }
0x9: {  	s6 =	sadd.s32 $0x3000, s6;
	s8 =	ssub.s32 $0x2, s7;
	s7 =	sor.u32 s7, s9  }
0xa: {  	_ =	strace $0x8000004D;
	s10 =	sshrl.u32 s8, $0x1;
	s16 =	smul.u32 $0x1E848, s7  }
0xb: {  	s9 =	simm.s32 $0x2;
	s8 =	ssub.s32 s8, s10;
	s10 =	simm.s32 $0x7A20  }
0xc: {  	v1 =	vlaneseq.u32;
	v2 =	vimm.s32 $0x0;
	s7 =	smax.u32 s8, $0x1;
	s8 =	simm.s32 $0x16E80;
	v0 =	vmov s16;
	s16 =	simm.s32 $0x10  }
.LBB2_26:
0xd: {  	[sflag:s14] =	ssyncadd.s32 $0xFFFFFE00  }
.LBB2_27:
0xe: {  	s18 =	sadd.s32 $0x1, s18  }
0xf: {  	p0 =	sne.s32 s18, s7  }
.Ltmp1:
0x10: {  	_ = 	snop;
	(pc) =	sbr.rel @!p0 .LBB2_28-.Ltmp1, $1  }
0x11: {  	_ =	sdelay $0x3  }
.LBB2_1:
0x12: {  	s19 =	simm.s32 $0x0;
	s20 =	simm.s32 $0x0  }
.LBB2_2:
0x13: {  	s21 =	sshll.u32 s20, $0x9  }
0x14: {  	s22 =	simm.s32 $0x0;
	s21 =	sadd.s32 s4, s21  }
0x15: {  	[tilespmem:s8], [sflag:$0x2] =	stream.linear.gather [hbm4b:s21+s22], $0x1000, $0x38;
	[tilespmem:$0x1C090] =	vst v63  }
0x16: {  	_ =	swait.ge [sflag:s9], $0x1000  }
0x17: {  	[sflag:s9] =	ssyncset.done $0x0  }
0x18: {  	s31 =	simm.s32 $0x0;
	[sflag:s9] =	ssyncadd.s32 $0xFFFFF000  }
0x19: {  	v3 =	vld [tilespmem:s31+$0x16E80];
	_ =	sdelay $0x4  }
0x1a: {  	v3 =	vsub.s32 v3, v0  }
0x1b: {  	vm0 =	vlt.u32 v3, $0x1E848;
	v3 =	vshra.s32 v3, $0x2  }
0x1c: {  	v3 =	vnsel vm0, $0x0, v3;
	_ =	sdelay $0x3  }
0x1d: {  	v4 =	vor.u32 s19, v1  }
0x1e: {  	s23 =	simm.s32 $0x10;
	s22 =	simm.s32 $0x80;
	s21 =	smov.u32 s19;
	[tilespmem:v3+s3+$0x0] =	vst.idx.msk vm0, v4  }
.LBB2_3:
0x1f: {  	p0 =	sne.s32 s22, $0x3FC0;
	v3 =	vld [tilespmem:s23+$0x16E80];
	_ =	sdelay $0x4  }
0x20: {  	v3 =	vsub.s32 v3, v0  }
0x21: {  	vm0 =	vlt.u32 v3, $0x1E848;
	v3 =	vshra.s32 v3, $0x2  }
0x22: {  	v3 =	vnsel vm0, $0x0, v3  }
.Ltmp2:
0x23: {  	(pc) =	sbr.rel @p0 .LBB2_3-.Ltmp2, $4  }
0x24: {  	_ = 	snop  }
0x25: {  	s21 =	sadd.s32 $0x10, s21  }
0x26: {  	v4 =	vor.u32 s21, v1  }
0x27: {  	s23 =	sshra.s32 s22, $0x2;
	s22 =	sadd.s32 $0x40, s22;
	[tilespmem:v3+s3+$0x0] =	vst.idx.msk vm0, v4  }
0x28: {  	v3 =	vld [tilespmem:s23+$0x16E80];
	_ =	sdelay $0x4  }
0x29: {  	v3 =	vsub.s32 v3, v0  }
0x2a: {  	s20 =	sadd.s32 $0x1, s20;
	vm0 =	vlt.u32 v3, $0x1E848;
	v3 =	vshra.s32 v3, $0x2  }
0x2b: {  	p0 =	sne.s32 s20, $0x4;
	v3 =	vnsel vm0, $0x0, v3  }
.Ltmp3:
0x2c: {  	_ = 	snop;
	(pc) =	sbr.rel @p0 .LBB2_2-.Ltmp3, $4  }
0x2d: {  	_ = 	snop  }
0x2e: {  	s21 =	sadd.s32 $0x10, s21  }
0x2f: {  	v4 =	vor.u32 s21, v1  }
0x30: {  	s19 =	sadd.s32 $0x1000, s19;
	[tilespmem:v3+s3+$0x0] =	vst.idx.msk vm0, v4  }
0x31: {  	s19 =	simm.s32 $0x0;
	s20 =	simm.s32 $0x4000;
	s21 =	simm.s32 $0x0  }
.LBB2_6:
0x32: {  	s22 =	sshll.u32 s21, $0x9  }
0x33: {  	s22 =	sadd.s32 s5, s22  }
0x34: {  	[tilespmem:s8], [sflag:$0x2] =	stream.linear.gather [hbm4b:s22+s19], $0x1000, $0x38;
	[tilespmem:$0x1C090] =	vst v63  }
0x35: {  	_ =	swait.ge [sflag:s9], $0x1000  }
0x36: {  	[sflag:s9] =	ssyncset.done $0x0  }
0x37: {  	s31 =	simm.s32 $0x0;
	[sflag:s9] =	ssyncadd.s32 $0xFFFFF000  }
0x38: {  	v3 =	vld [tilespmem:s31+$0x16E80];
	_ =	sdelay $0x4  }
0x39: {  	v3 =	vsub.s32 v3, v0  }
0x3a: {  	vm0 =	vlt.u32 v3, $0x1E848;
	v3 =	vshra.s32 v3, $0x2  }
0x3b: {  	v3 =	vnsel vm0, $0x0, v3;
	_ =	sdelay $0x3  }
0x3c: {  	v4 =	vor.u32 s20, v1  }
0x3d: {  	s24 =	simm.s32 $0x10;
	s23 =	simm.s32 $0x80;
	s22 =	smov.u32 s20;
	[tilespmem:v3+s3+$0x0] =	vst.idx.msk vm0, v4  }
.LBB2_7:
0x3e: {  	p0 =	sne.s32 s23, $0x3FC0;
	v3 =	vld [tilespmem:s24+$0x16E80];
	_ =	sdelay $0x4  }
0x3f: {  	v3 =	vsub.s32 v3, v0  }
0x40: {  	vm0 =	vlt.u32 v3, $0x1E848;
	v3 =	vshra.s32 v3, $0x2  }
0x41: {  	v3 =	vnsel vm0, $0x0, v3  }
.Ltmp4:
0x42: {  	(pc) =	sbr.rel @p0 .LBB2_7-.Ltmp4, $4  }
0x43: {  	_ = 	snop  }
0x44: {  	s22 =	sadd.s32 $0x10, s22  }
0x45: {  	v4 =	vor.u32 s22, v1  }
0x46: {  	s24 =	sshra.s32 s23, $0x2;
	s23 =	sadd.s32 $0x40, s23;
	[tilespmem:v3+s3+$0x0] =	vst.idx.msk vm0, v4  }
0x47: {  	v3 =	vld [tilespmem:s24+$0x16E80];
	_ =	sdelay $0x4  }
0x48: {  	v3 =	vsub.s32 v3, v0  }
0x49: {  	s21 =	sadd.s32 $0x1, s21;
	vm0 =	vlt.u32 v3, $0x1E848;
	v3 =	vshra.s32 v3, $0x2  }
0x4a: {  	p0 =	sne.s32 s21, $0x4;
	v3 =	vnsel vm0, $0x0, v3  }
.Ltmp5:
0x4b: {  	_ = 	snop;
	(pc) =	sbr.rel @p0 .LBB2_6-.Ltmp5, $4  }
0x4c: {  	_ = 	snop  }
0x4d: {  	s22 =	sadd.s32 $0x10, s22  }
0x4e: {  	v4 =	vor.u32 s22, v1  }
0x4f: {  	s20 =	sadd.s32 $0x1000, s20;
	[tilespmem:v3+s3+$0x0] =	vst.idx.msk vm0, v4  }
0x50: {  	v3 =	vimm.s32 $0x0;
	s19 =	simm.s32 $0x0;
	s20 =	simm.s32 $0x0;
	s21 =	simm.s32 $0x0  }
.LBB2_10:
0x51: {  	s22 =	sshll.u32 s21, $0x9  }
0x52: {  	s22 =	sadd.s32 s4, s22  }
0x53: {  	[tilespmem:s8], [sflag:$0x2] =	stream.linear.gather [hbm4b:s22+s19], $0x1000, $0x38;
	[tilespmem:$0x1C090] =	vst v63  }
0x54: {  	_ =	swait.ge [sflag:s9], $0x1000  }
0x55: {  	[sflag:s9] =	ssyncset.done $0x0  }
0x56: {  	s23 =	simm.s32 $0x0;
	s22 =	smov.u32 s20;
	[sflag:s9] =	ssyncadd.s32 $0xFFFFF000  }
.LBB2_11:
0x57: {  	s24 =	sshra.s32 s23, $0x2  }
0x58: {  	v4 =	vld [tilespmem:s24+$0x16E80];
	_ =	sdelay $0x4  }
0x59: {  	v5 =	vsub.s32 v4, v0  }
0x5a: {  	vm0 =	vlt.u32 v5, $0x1E848;
	v5 =	vshra.s32 v5, $0x2  }
0x5b: {  	v5 =	vnsel vm0, $0x0, v5;
	_ =	sdelay $0x4  }
0x5c: {  	v5 =	vld.idx.msk [tilespmem:v5+s3+$0x0], $0xffff;
	_ =	sdelay $0x3  }
0x5d: {  	v6 =	vor.u32 s22, v1  }
0x5e: {  	vm1 =	veq.s32 v5, v6  }
0x5f: {  	vm0 =	vmand vm0, vm1  }
0x60: {  	v5 =	vsel vm0, $0x1, v2  }
0x61: {  	(xrf0) =	vadd.scan.msk.s32 $0xffff, v5;
	_ =	sdelay $0x4  }
0x62: {  	v5 =	vsel vm0, $0xFFFFFFFF, v2  }
0x63: {  	v5 =	vadd.s32 v5, v3;
	v7, _, _ =	vpop (xrf0)  }
0x64: {  	v5 =	vadd.s32 v7, v5  }
0x65: {  	p0 =	sne.s32 s23, $0x3FC0  }
.Ltmp6:
0x66: {  	_ = 	snop;
	(pc) =	sbr.rel @p0 .LBB2_11-.Ltmp6, $4  }
0x67: {  	_ = 	snop  }
0x68: {  	v63 =	vmpcnt.ones.xlane vm0  }
0x69: {  	[tilespmem:v5+s10+$0x0] =	vst.idx.msk vm0, v4  }
0x6a: {  	s22 =	sadd.s32 $0x10, s22;
	s23 =	sadd.s32 $0x40, s23;
	v3 =	vadd.s32 v3, v63;
	[tilespmem:v5+s11+$0x0] =	vst.idx.msk vm0, v6  }
0x6b: {  	s21 =	sadd.s32 $0x1, s21  }
0x6c: {  	p0 =	sne.s32 s21, $0x4  }
.Ltmp7:
0x6d: {  	_ = 	snop;
	(pc) =	sbr.rel @p0 .LBB2_10-.Ltmp7, $2  }
0x6e: {  	_ =	sdelay $0x2  }
0x6f: {  	s20 =	sadd.s32 $0x1000, s20  }
0x70: {  	s19 =	simm.s32 $0x0;
	s20 =	simm.s32 $0x4000;
	s21 =	simm.s32 $0x0  }
.LBB2_14:
0x71: {  	s22 =	sshll.u32 s21, $0x9  }
0x72: {  	s22 =	sadd.s32 s5, s22  }
0x73: {  	[tilespmem:s8], [sflag:$0x2] =	stream.linear.gather [hbm4b:s22+s19], $0x1000, $0x38;
	[tilespmem:$0x1C090] =	vst v63  }
0x74: {  	_ =	swait.ge [sflag:s9], $0x1000  }
0x75: {  	[sflag:s9] =	ssyncset.done $0x0  }
0x76: {  	s23 =	simm.s32 $0x0;
	s22 =	smov.u32 s20;
	[sflag:s9] =	ssyncadd.s32 $0xFFFFF000  }
.LBB2_15:
0x77: {  	s24 =	sshra.s32 s23, $0x2  }
0x78: {  	v4 =	vld [tilespmem:s24+$0x16E80];
	_ =	sdelay $0x4  }
0x79: {  	v5 =	vsub.s32 v4, v0  }
0x7a: {  	vm0 =	vlt.u32 v5, $0x1E848;
	v5 =	vshra.s32 v5, $0x2  }
0x7b: {  	v5 =	vnsel vm0, $0x0, v5;
	_ =	sdelay $0x4  }
0x7c: {  	v5 =	vld.idx.msk [tilespmem:v5+s3+$0x0], $0xffff;
	_ =	sdelay $0x3  }
0x7d: {  	v6 =	vor.u32 s22, v1  }
0x7e: {  	vm1 =	veq.s32 v5, v6  }
0x7f: {  	vm0 =	vmand vm0, vm1  }
0x80: {  	v5 =	vsel vm0, $0x1, v2  }
0x81: {  	(xrf0) =	vadd.scan.msk.s32 $0xffff, v5;
	_ =	sdelay $0x4  }
0x82: {  	v5 =	vsel vm0, $0xFFFFFFFF, v2  }
0x83: {  	v5 =	vadd.s32 v5, v3;
	v7, _, _ =	vpop (xrf0)  }
0x84: {  	v5 =	vadd.s32 v7, v5  }
0x85: {  	p0 =	sne.s32 s23, $0x3FC0  }
.Ltmp8:
0x86: {  	_ = 	snop;
	(pc) =	sbr.rel @p0 .LBB2_15-.Ltmp8, $4  }
0x87: {  	_ = 	snop  }
0x88: {  	v63 =	vmpcnt.ones.xlane vm0  }
0x89: {  	[tilespmem:v5+s10+$0x0] =	vst.idx.msk vm0, v4  }
0x8a: {  	s22 =	sadd.s32 $0x10, s22;
	s23 =	sadd.s32 $0x40, s23;
	v3 =	vadd.s32 v3, v63;
	[tilespmem:v5+s11+$0x0] =	vst.idx.msk vm0, v6  }
0x8b: {  	s21 =	sadd.s32 $0x1, s21  }
0x8c: {  	p0 =	sne.s32 s21, $0x4  }
.Ltmp9:
0x8d: {  	_ = 	snop;
	(pc) =	sbr.rel @p0 .LBB2_14-.Ltmp9, $2  }
0x8e: {  	_ =	sdelay $0x2  }
0x8f: {  	s20 =	sadd.s32 $0x1000, s20  }
0x90: {  	v4 =	vadd.s32 $0xF, v3  }
0x91: {  	v4 =	vand.u32 $0xFFFFFFF0, v4  }
0x92: {  	(v2sf) =	vpush v4, $0x0;
	_ =	sdelay $0x7  }
0x93: {  	v5 =	vadd.s32 $0xFFFFFFFF, v3  }
0x94: {  	vm0 =	vgt.s32 v5, $0x0  }
0x95: {  	v5 =	vnsel vm0, $0x0, v5;
	_ =	sdelay $0x2  }
0x96: {  	v4 =	vsub.s32 v4, v3  }
0x97: {  	vm15 =	vgt.s32 v4, v1  }
0x98: {  	v3 =	vadd.s32 v1, v3;
	v63 =	vld.idx.msk [tilespmem:v5+s10+$0x0], $0xffff;
	s19 =	spop (v2sf)  }
0x99: {  	v5 =	vld.idx.msk [tilespmem:v5+s11+$0x0], $0xffff;
	p0 =	slt.s32 s19, $0x200  }
.Ltmp10:
0x9a: {  	_ = 	snop;
	(pc) =	sbr.rel @p0 .LBB2_23-.Ltmp10, $3  }
0x9b: {  	_ =	sdelay $0x1  }
0x9c: {  	[tilespmem:v3+s10+$0x0] =	vst.idx.msk vm15, v63  }
0x9d: {  	[tilespmem:v3+s11+$0x0] =	vst.idx.msk vm15, v5  }
0x9e: {  	s20 =	sadd.s32 $0x1FF, s19  }
0x9f: {  	s21 =	sshra.s32 s20, $0x1F  }
0xa0: {  	s22 =	sshrl.u32 s21, $0x17  }
0xa1: {  	s20 =	sadd.s32 s22, s20  }
0xa2: {  	s20 =	sshra.s32 s20, $0x9  }
0xa3: {  	s20 =	sadd.s32 s21, s20  }
0xa4: {  	p0 =	slt.s32 s20, $0x1  }
.Ltmp11:
0xa5: {  	_ = 	snop;
	(pc) =	sbr.rel @p0 .LBB2_27-.Ltmp11, $1  }
0xa6: {  	_ =	sdelay $0x3  }
0xa7: {  	s21 =	sadd.s32 $0xFFFFFE00, s19;
	s22 =	simm.s32 $0x0;
	s23 =	simm.s32 $0x0  }
.LBB2_20:
0xa8: {  	p0 =	slt.s32 s22, s21;
	s24 =	smov.u32 s21  }
0xa9: {  	s24 =	smov.u32 @p0 s22  }
0xaa: {  	s24 =	sshll.u32 s24, $0x2  }
0xab: {  	s24 =	sshra.s32 s24, $0x2  }
0xac: {  	s26 =	sadd.s32 $0x7A20, s24  }
0xad: {  	v3 =	vmov s26;
	_ =	sdelay $0x1  }
0xae: {  	s25 =	sshll.u32 s23, $0x9  }
0xaf: {  	p0 =	slt.s32 s25, s21;
	s24 =	smov.u32 s21  }
0xb0: {  	s24 =	smov.u32 @p0 s25;
	s25 =	simm.s32 $0x0;
	s26 =	simm.s32 $0x40  }
.LBB2_21:
0xb1: {  	p0 =	sne.s32 s26, $0x7C0;
	v4 =	vld.idx.msk [tilespmem:v3+s25+$0x0 ss:$0x1], $0xffff;
	_ =	sdelay $0x1  }
.Ltmp12:
0xb2: {  	(pc) =	sbr.rel @p0 .LBB2_21-.Ltmp12, $2  }
0xb3: {  	_ =	sdelay $0x2  }
0xb4: {  	[tilespmem:s25+$0x1BE80] =	vst v4;
	s25 =	sshra.s32 s26, $0x2;
	s26 =	sadd.s32 $0x40, s26  }
0xb5: {  	_ =	sdelay $0x3  }
0xb6: {  	v3 =	vld.idx.msk [tilespmem:v3+s25+$0x0 ss:$0x1], $0xffff;
	_ =	sdelay $0x4  }
0xb7: {  	s24 =	sadd.s32 $0xF450, s24;
	[tilespmem:s25+$0x1BE80] =	vst v3  }
0xb8: {  	[tilespmem:s13], [sflag:$0x1] =	stream.indirect.gather [hbm4b:s1+s12], $0x20, s24, s12, $0xb8;
	[tilespmem:$0x1C090] =	vst v63  }
0xb9: {  	s23 =	sadd.s32 $0x1, s23;
	_ =	swait.ge [sflag:s14], $0x4000  }
0xba: {  	p0 =	sne.s32 s23, s20;
	[sflag:s14] =	ssyncset.done $0x0  }
.Ltmp13:
0xbb: {  	[sflag:s14] =	ssyncadd.s32 $0xFFFFC000;
	(pc) =	sbr.rel @p0 .LBB2_20-.Ltmp13, $4  }
0xbc: {  	[hbm4b:s6+s12] =	stream.indirect.scatter [tilespmem:s13], [sflag:$0x1], $0x20, s15, s12, $0xb8;
	[tilespmem:$0x1C090] =	vst v63  }
0xbd: {  	_ =	swait.ge [sflag:s14], $0x4000  }
0xbe: {  	[sflag:s14] =	ssyncset.done $0x0  }
0xbf: {  	s22 =	sadd.s32 $0x200, s22;
	[sflag:s14] =	ssyncadd.s32 $0xFFFFC000  }
.LBB2_23:
0xc0: {  	s20 =	sadd.s32 $0xFFFFFFF0, s19  }
0xc1: {  	p0 =	sgt.u32 s20, $0x1EF  }
.Ltmp14:
0xc2: {  	_ = 	snop;
	(pc) =	sbr.rel @p0 .LBB2_27-.Ltmp14, $1  }
0xc3: {  	_ =	sdelay $0x3  }
0xc4: {  	s20 =	simm.s32 $0x7A20  }
0xc5: {  	v3 =	vld [tilespmem:s20+$0x0];
	_ =	sdelay $0x4  }
0xc6: {  	s21 =	simm.s32 $0xF450;
	s19 =	sshrl.u32 s19, $0x4;
	[tilespmem:$0x1C080] =	vst v3  }
0xc7: {  	[tilespmem:s13], [sflag:$0x1] =	stream.indirect.gather [hbm4b:s1+s16], $0x20, s21, s16, $0xb8;
	[tilespmem:$0x1C090] =	vst v63  }
0xc8: {  	p0 =	sne.s32 s19, $0x1;
	_ =	swait.ge [sflag:s14], $0x200  }
.Ltmp15:
0xc9: {  	[sflag:s14] =	ssyncset.done $0x0;
	(pc) =	sbr.rel @!p0 .LBB2_26-.Ltmp15, $4  }
0xca: {  	[sflag:s14] =	ssyncadd.s32 $0xFFFFFE00  }
0xcb: {  	[hbm4b:s6+s16] =	stream.indirect.scatter [tilespmem:s13], [sflag:$0x1], $0x20, s17, s16, $0xb8;
	[tilespmem:$0x1C090] =	vst v63  }
0xcc: {  	_ =	swait.ge [sflag:s14], $0x200  }
0xcd: {  	s19 =	sadd.s32 $0xFFFFFFFF, s19;
	[sflag:s14] =	ssyncset.done $0x0  }
.LBB2_25:
0xce: {  	[sflag:s14] =	ssyncadd.s32 $0xFFFFFE00;
	s20 =	sadd.s32 $0x10, s20;
	s21 =	sadd.s32 $0x10, s21  }
0xcf: {  	p0 =	sne.s32 s19, $0x1;
	s19 =	sadd.s32 $0xFFFFFFFF, s19;
	v3 =	vld [tilespmem:s20+$0x0];
	_ =	sdelay $0x4  }
0xd0: {  	[tilespmem:$0x1C080] =	vst v3  }
0xd1: {  	[tilespmem:s13], [sflag:$0x1] =	stream.indirect.gather [hbm4b:s1+s16], $0x20, s21, s16, $0xb8;
	[tilespmem:$0x1C090] =	vst v63  }
0xd2: {  	_ =	swait.ge [sflag:s14], $0x200  }
.Ltmp16:
0xd3: {  	[sflag:s14] =	ssyncset.done $0x0;
	(pc) =	sbr.rel @p0 .LBB2_25-.Ltmp16, $4  }
0xd4: {  	[sflag:s14] =	ssyncadd.s32 $0xFFFFFE00  }
0xd5: {  	[hbm4b:s6+s16] =	stream.indirect.scatter [tilespmem:s13], [sflag:$0x1], $0x20, s17, s16, $0xb8;
	[tilespmem:$0x1C090] =	vst v63  }
0xd6: {  	_ =	swait.ge [sflag:s14], $0x200  }
0xd7: {  	[sflag:s14] =	ssyncset.done $0x0  }
.Ltmp17:
0xd8: {  	_ = 	snop;
	(pc) =	sbr.rel .LBB2_26-.Ltmp17, $1  }
0xd9: {  	_ =	sdelay $0x3  }
.LBB2_28:
0xda: {  	_ =	sfence.sel $0x180000  }
0xdb: {  	[bflag:$0x0] =	sbarrier.arrive $0xFFFF  }
0xdc: {  	p0 =	sne.s32 s2, $0x0;
	_ =	strace $0x9000004D  }
0xdd: {  	s0 =	sadd.s32 @!p0 $0x100000, s0;
	[bflag:$0x2] =	sbarrier.arrive $0xFFFF  }
0xde: {  	[sflag:s0] =	ssyncadd.tile.s32 @!p0 $0x1;
	_ =	shalt  }
.Lfunc_end2:
_tile_overlayer_lowered:
.L_overlay_start_2:
0xdf: {  	(tag) =	ssettag $0x2  }
0xe0: {  	s0 =	rddreg [dreg:$0x0];
	s2 =	stileid.u32  }
0xe1: {  	s1 =	rddreg [dreg:$0x1];
	p0 =	sne.s32 s2, $0x0  }
0xe2: {  	s3 =	rddreg [dreg:$0x2];
	[bflag:$0x3] =	sbarrier.arrive $0xFFFF;
	s2 =	simm.s32 @!p0 $0x1C02  }
0xe3: {  	[timem:s3], [sflag:s2] =	dma.local @!p0 [hbm:s0], s1  }
0xe4: {  	s0 =	simm.s32 @!p0 $0x2  }
0xe5: {  	_ =	swait.ge @!p0 [sflag:s0], s1  }
0xe6: {  	s1 =	ssub.s32 @!p0 $0x0, s1;
	[sflag:s0] =	ssyncset.done @!p0 $0x0  }
0xe7: {  	[sflag:s0] =	ssyncadd.s32 @!p0 s1  }
0xe8: {  	[bflag:$0x3] =	sbarrier.arrive $0xFFFF  }
0xe9: {  	_ =	shalt  }

// kernel: kernel.6.cloned.1.call-start
scs
__scs_entry_jumppad:
0x0: {  	(pc) =	sbr.rel $0x88, $3  }
0x1: {  	(tag) =	ssettag $0x0;
	lr =	simm.s32 $0x1  }
0x2: {  	[smem:$0x3F93] =	sst lr;
	_ =	strace $0xD0000000  }
0x3: {  	_ = 	snop  }
0x4: {  	_ = 	snop  }
0x5: {  	_ = 	snop  }
0x6: {  	_ = 	snop  }
0x7: {  	_ = 	snop  }
__scs_overlays_trampoline_lowered:
0x8: {  	[smem:$0x3FA2] =	sst s0  }
0x9: {  	[smem:$0x3FA3] =	sst s1  }
0xa: {  	[smem:$0x3FA4] =	sst s2  }
0xb: {  	[smem:$0x3FA5] =	sst s3  }
0xc: {  	[smem:$0x3FA6] =	sst s4  }
0xd: {  	[smem:$0x3FA7] =	sst s5  }
0xe: {  	[smem:$0x3FA8] =	sst s6  }
0xf: {  	[smem:$0x3FA9] =	sst s7  }
0x10: {  	[smem:$0x3FAA] =	sst s8  }
0x11: {  	[smem:$0x3FAB] =	sst s9;
	s0 =	simm.s32 @!p0 $0x0  }
0x12: {  	s1 =	sld [smem:$0x3F91];
	s0 =	simm.s32 @p0 $0x1  }
0x13: {  	[smem:$0x3FAC] =	sst s0;
	s0 =	simm.s32 @!p1 $0x0  }
0x14: {  	s2 =	sld [smem:$0x3F90];
	s0 =	simm.s32 @p1 $0x1  }
0x15: {  	[smem:$0x3FAD] =	sst s0;
	s0 =	simm.s32 @!p2 $0x0  }
0x16: {  	s3 =	sld [smem:$0x3FDB];
	s0 =	simm.s32 @p2 $0x1  }
0x17: {  	s4 =	simm.s32 $0x1BF5;
	[smem:$0x3FAF] =	sst s0  }
0x18: {  	s0 =	sld [smem:$0x3F92];
	_ =	swait.ge [sflag:s4], $0x0  }
0x19: {  	s7 =	sld [smem:$0x3F93]  }
0x1a: {  	s8 =	sadd.s32 $0xFFFFE003, lr  }
0x1b: {  	s9 =	sadd.s32 $0xFFFFFEF7, lr;
	s5 =	simm.s32 $0xFFFFFFFF;
	p2 =	slt.u32 s8, $0xFFFFF086  }
0x1c: {  	p1 =	slt.u32 s9, $0xF7A;
	s5 =	simm.s32 @!p2 $0x0  }
0x1d: {  	s5 =	simm.s32 @p1 $0x1;
	p0 =	seq.s32 s7, s2  }
0x1e: {  	s7 =	smul.u32 @!p0 $0xF7A, s2;
	p2 =	seq.s32 @!p0 s5, $0x0  }
0x1f: {  	s9 =	smul.u32 $0xF7A, s1;
	s8 =	simm.s32 @!p0 $0x1BF5;
	p2 =	por !p2, p0  }
0x20: {  	[sflag:s8] =	ssyncset.s32 @!p0 $0xFFFFF086;
	s6 =	sadd.s32 @!p0 s3, s7;
	s7 =	simm.s32 @!p0 $0x108  }
0x21: {  	s3 =	sadd.s32 s3, s9;
	s6 =	sadd.s32 @!p0 $0x88, s6;
	s7 =	simm.s32 @p2 $0x1082  }
0x22: {  	[simem:s7], [sflag:s8] =	dma.local @!p0 [hbm:s6], $0xF7A  }
0x23: {  	s9 =	sor.u32 $0xD0000000, s2;
	s6 =	simm.s32 $0x108;
	_ =	swait.ge @!p0 [sflag:s8], $0x0  }
0x24: {  	s3 =	sadd.s32 $0x88, s3;
	s6 =	simm.s32 @!p1 $0x1082;
	[sflag:s4] =	ssyncset.s32 $0xFFFFF086  }
0x25: {  	[simem:s6], [sflag:s4] =	dma.local [hbm:s3], $0xF7A  }
0x26: {  	[smem:$0x3F93] =	sst s1;
	(tag) =	ssettag s2;
	_ =	strace s9  }
0x27: {  	s1 =	sld [smem:$0x3FA3]  }
0x28: {  	s2 =	sld [smem:$0x3FA4]  }
0x29: {  	s4 =	sld [smem:$0x3FA6]  }
0x2a: {  	p0 =	seq.s32 s5, $0x0;
	s5 =	sld [smem:$0x3FA7]  }
0x2b: {  	s6 =	sld [smem:$0x3FA8]  }
0x2c: {  	s7 =	sld [smem:$0x3FA9]  }
0x2d: {  	s3 =	simm.s32 $0x108;
	s8 =	sld [smem:$0x3FAA]  }
0x2e: {  	s3 =	simm.s32 @!p0 $0x1082;
	s9 =	sld [smem:$0x3FAB]  }
0x2f: {  	lr =	sadd.s32 s0, s3;
	s0 =	sld [smem:$0x3FA2]  }
0x30: {  	s3 =	sld [smem:$0x3FA5]  }
0x31: {  	[smem:$0x3FAE] =	sst s10  }
0x32: {  	s10 =	sld [smem:$0x3FAC];
	_ =	sdelay $0x3  }
0x33: {  	p0 =	seq.s32 s10, $0x1;
	s10 =	sld [smem:$0x3FAE];
	_ =	sdelay $0x3  }
0x34: {  	[smem:$0x3FAE] =	sst s10  }
0x35: {  	s10 =	sld [smem:$0x3FAD];
	_ =	sdelay $0x3  }
0x36: {  	p1 =	seq.s32 s10, $0x1;
	s10 =	sld [smem:$0x3FAE];
	_ =	sdelay $0x3  }
0x37: {  	[smem:$0x3FAE] =	sst s10  }
0x38: {  	s10 =	sld [smem:$0x3FAF]  }
0x39: {  	_ = 	snop;
	(pc) =	sbr.ind lr, $3  }
0x3a: {  	_ = 	snop  }
0x3b: {  	_ = 	snop  }
0x3c: {  	p2 =	seq.s32 s10, $0x1;
	s10 =	sld [smem:$0x3FAE]  }
0x3d: {  	_ =	shalt  }
0x3e: {  	_ =	shalt  }
0x3f: {  	_ =	shalt  }
0x40: {  	_ =	shalt  }
0x41: {  	_ =	shalt  }
0x42: {  	_ =	shalt  }
0x43: {  	_ =	shalt  }
0x44: {  	_ =	shalt  }
0x45: {  	_ =	shalt  }
0x46: {  	_ =	shalt  }
0x47: {  	_ =	shalt  }
0x48: {  	_ =	shalt  }
0x49: {  	_ =	shalt  }
0x4a: {  	_ =	shalt  }
0x4b: {  	_ =	shalt  }
0x4c: {  	_ =	shalt  }
0x4d: {  	_ =	shalt  }
0x4e: {  	_ =	shalt  }
0x4f: {  	_ =	shalt  }
0x50: {  	_ =	shalt  }
0x51: {  	_ =	shalt  }
0x52: {  	_ =	shalt  }
0x53: {  	_ =	shalt  }
0x54: {  	_ =	shalt  }
0x55: {  	_ =	shalt  }
0x56: {  	_ =	shalt  }
0x57: {  	_ =	shalt  }
0x58: {  	_ =	shalt  }
0x59: {  	_ =	shalt  }
0x5a: {  	_ =	shalt  }
0x5b: {  	_ =	shalt  }
0x5c: {  	_ =	shalt  }
0x5d: {  	_ =	shalt  }
0x5e: {  	_ =	shalt  }
0x5f: {  	_ =	shalt  }
0x60: {  	_ =	shalt  }
0x61: {  	_ =	shalt  }
0x62: {  	_ =	shalt  }
0x63: {  	_ =	shalt  }
0x64: {  	_ =	shalt  }
0x65: {  	_ =	shalt  }
0x66: {  	_ =	shalt  }
0x67: {  	_ =	shalt  }
0x68: {  	_ =	shalt  }
0x69: {  	_ =	shalt  }
0x6a: {  	_ =	shalt  }
0x6b: {  	_ =	shalt  }
0x6c: {  	_ =	shalt  }
0x6d: {  	_ =	shalt  }
0x6e: {  	_ =	shalt  }
0x6f: {  	_ =	shalt  }
0x70: {  	_ =	shalt  }
0x71: {  	_ =	shalt  }
0x72: {  	_ =	shalt  }
0x73: {  	_ =	shalt  }
0x74: {  	_ =	shalt  }
0x75: {  	_ =	shalt  }
0x76: {  	_ =	shalt  }
0x77: {  	_ =	shalt  }
0x78: {  	_ =	shalt  }
0x79: {  	_ =	shalt  }
0x7a: {  	_ =	shalt  }
0x7b: {  	_ =	shalt  }
0x7c: {  	_ =	shalt  }
0x7d: {  	_ =	shalt  }
0x7e: {  	_ =	shalt  }
0x7f: {  	_ =	shalt  }
0x80: {  	_ =	shalt  }
0x81: {  	_ =	shalt  }
0x82: {  	_ =	shalt  }
0x83: {  	_ =	shalt  }
0x84: {  	_ =	shalt  }
0x85: {  	_ =	shalt  }
0x86: {  	_ =	shalt  }
0x87: {  	_ =	shalt  }
.Lfunc_end0:
.L_simem_size_0:
called_computation.1_lowered:
.L_overlay_start_0:
0x88: {  	s2 =	sld [smem:$0x3FD9]  }
0x89: {  	s3 =	sld [smem:$0x3FFE];
	_ =	sdelay $0x1  }
0x8a: {  	s1 =	srdreg.scid  }
0x8b: {  	s0 =	sand.u32 $0x1, s1  }
0x8c: {  	s17 =	sshll.u32 s0, $0xA;
	s2 =	sadd.s32 s3, s2  }
0x8d: {  	s2 =	sadd.s32 s2, s17  }
0x8e: {  	[smem:$0x3FBA] =	sst s2  }
0x8f: {  	_ = 	snop  }
0x90: {  	s2 =	sld [smem:$0x3FC9]  }
0x91: {  	s18 =	sld [smem:$0x3FD0];
	(tm) =	ssettm $0x1  }
0x92: {  	s4 =	sld [smem:$0x3FFB];
	_ =	sdelay $0x3  }
0x93: {  	_ =	strace s4  }
0x94: {  	s4 =	sld [smem:$0x3FFC];
	_ =	sdelay $0x3  }
0x95: {  	_ =	strace s4  }
0x96: {  	s4 =	sld [smem:$0x3FFD];
	_ =	sdelay $0x3  }
0x97: {  	_ =	strace s4  }
0x98: {  	_ =	strace $0x8FFFFFFF  }
0x99: {  	s19 =	sld [smem:$0x3FDB];
	_ =	sdelay $0x1  }
0x9a: {  	s5 =	simm.s32 $_scs_section_size  }
0x9b: {  	s6 =	simm.s32 $_size__tile_overlayer_lowered;
	s7 =	simm.s32 $_tile_overlayer_lowered  }
0x9c: {  	s22 =	simm.s32 $0x1BFF;
	s21 =	sshll.u32 s7, $0x1;
	s4 =	sadd.s32 s5, s19  }
0x9d: {  	s8 =	simm.s32 $0x0;
	s20 =	sshll.u32 s6, $0x1;
	s6 =	sadd.s32 s21, s4  }
0x9e: {  	[timem:s8], [sflag:s22] =	dma.local [hbm:s6], s20  }
0x9f: {  	_ =	swait.ge [sflag:s22], s20  }
0xa0: {  	s5 =	ssub.s32 $0x0, s20;
	[sflag:s22] =	ssyncset.done $0x0  }
0xa1: {  	[sflag:s22] =	ssyncadd.s32 s5;
	_ =	sdelay $0x1  }
0xa2: {  	s23 =	simm.s32 $0x1B8B  }
0xa3: {  	_ =	swait.ge [sflag:s23], $0x1  }
0xa4: {  	[sflag:s23] =	ssyncset.done $0x0  }
0xa5: {  	s25 =	simm.s32 $0x1B8E;
	s24 =	sld [smem:$0x3FFE];
	[sflag:s23] =	ssyncadd.s32 $0xFFFFFFFF  }
0xa6: {  	s26 =	simm.s32 $execute0_lowered;
	[smem:$0x3FD2] =	sst s25  }
0xa7: {  	s6 =	sshll.u32 s26, $0x1;
	_ =	strace $0x80000046;
	[dreg:$0x1] =	wrdreg $0xFFFFFFFF  }
0xa8: {  	s28 =	simm.s32 $_size_execute0_lowered;
	s4 =	sadd.s32 s4, s6;
	[dreg:$0x0] =	wrdreg $0x0  }
0xa9: {  	s6 =	sshll.u32 s28, $0x1;
	[dreg:$0x2] =	wrdreg s4  }
0xaa: {  	[dreg:$0x3] =	wrdreg s6  }
0xab: {  	[dreg:$0x4] =	wrdreg $0xC0  }
0xac: {  	_ =	task [dreg:s8], $0x5FFFF  }
0xad: {  	[dreg:$0x1] =	wrdreg $0xFFFFFFFF  }
0xae: {  	[dreg:$0x0] =	wrdreg $0x60  }
0xaf: {  	[dreg:$0x2] =	wrdreg s2  }
0xb0: {  	[dreg:$0x3] =	wrdreg s18  }
0xb1: {  	[dreg:$0x4] =	wrdreg s24  }
0xb2: {  	[dreg:$0x5] =	wrdreg $0x9  }
0xb3: {  	_ =	task.clear_ibuf [dreg:s8], $0x6FFFF;
	_ =	strace $0x90000046  }
0xb4: {  	s29 =	simm.s32 $0x9;
	_ =	strace $0x80000048  }
0xb5: {  	_ =	swait.ge [sflag:s29], $0x1  }
0xb6: {  	[sflag:s29] =	ssyncadd.s32 $0xFFFFFFFF  }
0xb7: {  	_ =	strace $0x90000048  }
0xb8: {  	_ =	sfence  }
0xb9: {  	s30 =	sld [smem:$0x0];
	_ =	sdelay $0x2  }
0xba: {  	s31 =	sshll.u32 s1, $0xD;
	s1 =	sshrl.u32 s1, $0x2  }
0xbb: {  	s3 =	sand.u32 $0x4000, s31;
	s1 =	sadd.s32 s1, s30  }
0xbc: {  	s0 =	sor.u32 s3, s0;
	s1 =	sshll.u32 s1, $0x11  }
0xbd: {  	s0 =	sor.u32 s1, s0  }
0xbe: {  	s0 =	sadd.s32 $0x8F2B, s0  }
0xbf: {  	[sflag:s0] =	ssyncadd.remote.s32 $0x1  }
0xc0: {  	_ =	sfence.sel $0xFFFF  }
0xc1: {  	[dreg:$0x0] =	wrdreg $0xFFFFFFFF;
	(pc) =	sbr.abs _section_cstart, $3  }
0xc2: {  	[dreg:$0x1] =	wrdreg $0xFFFFFFFF  }
0xc3: {  	_ =	task.clear_ibuf [dreg:s8], $0x2FFFF;
	_ =	strace $0x9FFFFFFF  }
0xc4: {  	(tm) =	ssettm $0x7FFFFFFF  }
0xc5: {  	_ =	shalt  }
tec
execute0_lowered:
.L_overlay_start_1:
0x0: {  	(tag) =	ssettag $0x1  }
0x1: {  	v0 =	vimm.s32 $0xB80;
	vm14 =	vcmask $0x300;
	vm13 =	vcmask $0x704  }
0x2: {  	vm12 =	vcmask $0xB08;
	vm11 =	vcmask $0xF0C;
	vm10 =	vcmask $0x1310  }
0x3: {  	vm9 =	vcmask $0x1714;
	vm8 =	vcmask $0x1B18;
	vm7 =	vcmask $0x1F1C  }
0x4: {  	vm6 =	vcmask $0x2320;
	vm5 =	vcmask $0x2724;
	vm4 =	vcmask $0x2B28  }
0x5: {  	vm2 =	vcmask $0x2F2C;
	v1 =	vimm.s32 $0xFEDCBA9;
	v2 =	vimm.s32 $0x87654321  }
0x6: {  	vm1 =	vcmask $0x3330;
	vm0 =	vcmask $0x3734;
	v4 =	vimm.s32 $0x10FEDCBA  }
0x7: {  	v5 =	vimm.s32 $0x98765432;
	vm3 =	vcmask $0x3B38;
	v36 =	vlaneseq.u32  }
0x8: {  	v46 =	vimm.s32 $0x210FEDCB;
	v47 =	vimm.s32 $0xA9876543;
	v6 =	vimm.s32 $0x3210FEDC  }
0x9: {  	v7 =	vimm.s32 $0xBA987654;
	v9 =	vimm.s32 $0x43210FED;
	v10 =	vimm.s32 $0xCBA98765  }
0xa: {  	v12 =	vimm.s32 $0x543210FE;
	v13 =	vimm.s32 $0xDCBA9876;
	v51 =	vimm.s32 $0x6543210F  }
0xb: {  	v14 =	vimm.s32 $0xEDCBA987;
	v53 =	vimm.s32 $0x1B80;
	v16 =	vimm.s32 $0xFEDCBA98  }
0xc: {  	v17 =	vimm.s32 $0x76543210;
	v19 =	vimm.s32 $0x48F;
	v0 =	vsel vm14, $0x0, v0  }
0xd: {  	v1 =	vunpack.c.l.s4.s8 v1;
	v2 =	vunpack.c.l.s4.s8 v2;
	v4 =	vunpack.c.l.s4.s8 v4  }
0xe: {  	v5 =	vunpack.c.l.s4.s8 v5;
	v6 =	vunpack.c.l.s4.s8 v6;
	v7 =	vunpack.c.l.s4.s8 v7  }
0xf: {  	v9 =	vunpack.c.l.s4.s8 v9;
	v10 =	vunpack.c.l.s4.s8 v10;
	v12 =	vunpack.c.l.s4.s8 v12  }
0x10: {  	v49 =	vunpack.c.l.s4.s8 v13;
	v13 =	vunpack.c.l.s4.s8 v51;
	v52 =	vunpack.c.l.s4.s8 v14  }
0x11: {  	v14 =	vsel vm14, $0x1000, v53;
	v16 =	vunpack.c.l.s4.s8 v16;
	v17 =	vunpack.c.l.s4.s8 v17  }
0x12: {  	v23 =	vmul.u32 $0x81, v36;
	v0 =	vsel vm13, $0x80, v0;
	v14 =	vsel vm13, $0x1080, v14  }
0x13: {  	v0 =	vsel vm12, $0x100, v0;
	v1 =	vunpack.c.0.s8.s32 v1;
	v2 =	vunpack.c.0.s8.s32 v2  }
0x14: {  	v34 =	vunpack.c.0.s8.s32 v4;
	v35 =	vunpack.c.0.s8.s32 v5;
	v4 =	vunpack.c.l.s4.s8 v46  }
0x15: {  	v5 =	vunpack.c.l.s4.s8 v47;
	v6 =	vunpack.c.0.s8.s32 v6;
	v7 =	vunpack.c.0.s8.s32 v7  }
0x16: {  	v9 =	vunpack.c.0.s8.s32 v9;
	v10 =	vunpack.c.0.s8.s32 v10;
	v12 =	vunpack.c.0.s8.s32 v12  }
0x17: {  	v13 =	vunpack.c.0.s8.s32 v13;
	v14 =	vsel vm12, $0x1100, v14;
	v54 =	vunpack.c.0.s8.s32 v16  }
0x18: {  	v55 =	vunpack.c.0.s8.s32 v17;
	v16 =	vimm.s32 $0x40F;
	v0 =	vsel vm11, $0x180, v0  }
0x19: {  	v46 =	vimm.s32 $0x50F;
	v14 =	vsel vm11, $0x1180, v14;
	v0 =	vsel vm10, $0x200, v0  }
0x1a: {  	v3 =	vcombine.low v2, v1;
	v8 =	vcombine.low v35, v34;
	v4 =	vunpack.c.0.s8.s32 v4  }
0x1b: {  	v5 =	vunpack.c.0.s8.s32 v5;
	v11 =	vcombine.low v7, v6;
	v50 =	vcombine.low v10, v9  }
0x1c: {  	v14 =	vsel vm10, $0x1200, v14;
	v1 =	vcombine.low v1, v2;
	v60 =	vcombine.low v6, v7  }
0x1d: {  	v61 =	vcombine.low v9, v10;
	v6 =	vimm.s32 $0x10F;
	v9 =	vimm.s32 $0x18F  }
0x1e: {  	v10 =	vimm.s32 $0x20F;
	v0 =	vsel vm9, $0x280, v0;
	v14 =	vsel vm9, $0x1280, v14  }
0x1f: {  	v0 =	vsel vm8, $0x300, v0;
	v38 =	vand.u32 $0xF, v3;
	v39 =	vand.u32 $0xF, v8  }
0x20: {  	v48 =	vcombine.low v5, v4;
	v41 =	vand.u32 $0xF, v11;
	v8 =	vunpack.c.0.s8.s32 v49  }
0x21: {  	v42 =	vand.u32 $0xF, v50;
	v11 =	vunpack.c.0.s8.s32 v52;
	v56 =	vsel vm8, $0x1300, v14  }
0x22: {  	v57 =	vcombine.low v4, v5;
	v45 =	vand.u32 $0xF, v1;
	v50 =	vand.u32 $0xF, v61  }
0x23: {  	v4 =	vimm.s32 $0xF;
	v5 =	vimm.s32 $0x8F;
	v14 =	vimm.s32 $0x30F  }
0x24: {  	v49 =	vimm.s32 $0x58F;
	v61 =	vimm.s32 $0x9F;
	v0 =	vsel vm7, $0x380, v0  }
0x25: {  	v2 =	vsel vm7, $0x1380, v56;
	v1 =	vsel vm14, $0x100, v5;
	v56 =	vimm.s32 $0x68F  }
0x26: {  	v0 =	vsel vm6, $0x800, v0;
	v40 =	vand.u32 $0xF, v48;
	v15 =	vcombine.low v8, v12  }
0x27: {  	v18 =	vcombine.low v11, v13;
	v58 =	vsel vm6, $0x1800, v2;
	v62 =	vcombine.low v12, v8  }
0x28: {  	v63 =	vcombine.low v13, v11;
	v48 =	vand.u32 $0xF, v60;
	v2 =	vsel vm14, $0x180, v6  }
0x29: {  	v1 =	vsel vm13, $0x181, v1;
	v11 =	vimm.s32 $0x28F;
	v60 =	vimm.s32 $0x1F  }
0x2a: {  	v0 =	vsel vm5, $0x880, v0;
	v59 =	vsel vm5, $0x1880, v58;
	v2 =	vsel vm13, $0x201, v2  }
0x2b: {  	v1 =	vsel vm12, $0x202, v1;
	v0 =	vsel vm4, $0x900, v0;
	v43 =	vand.u32 $0xF, v15  }
0x2c: {  	v44 =	vand.u32 $0xF, v18;
	v15 =	vand.u32 $0xF, v54;
	v51 =	vand.u32 $0xF, v62  }
0x2d: {  	v2 =	vsel vm12, $0x282, v2;
	v1 =	vsel vm11, $0x283, v1;
	v62 =	vimm.s32 $0x11F  }
0x2e: {  	v0 =	vsel vm2, $0x980, v0;
	v33 =	vcombine.low v15, v55;
	v2 =	vsel vm11, $0x303, v2  }
0x2f: {  	v1 =	vsel vm10, $0x304, v1;
	v15 =	vimm.s32 $0x38F;
	v55 =	vimm.s32 $0x60F  }
0x30: {  	v0 =	vsel vm1, $0xA00, v0;
	v2 =	vsel vm10, $0x384, v2;
	v1 =	vsel vm9, $0x385, v1  }
0x31: {  	v0 =	vsel vm0, $0xA80, v0;
	v2 =	vsel vm9, $0x405, v2;
	v1 =	vsel vm8, $0x406, v1  }
0x32: {  	v37 =	vsel vm3, $0xB00, v0;
	v0 =	vcombine.low v34, v35;
	v34 =	vand.u32 $0xF, v57  }
0x33: {  	v35 =	vand.u32 $0xF, v63;
	v2 =	vsel vm8, $0x486, v2;
	v1 =	vsel vm7, $0x487, v1  }
0x34: {  	v57 =	vimm.s32 $0x70F;
	v63 =	vimm.s32 $0x19F;
	v2 =	vsel vm7, $0x507, v2  }
0x35: {  	v1 =	vsel vm6, $0x508, v1;
	v47 =	vand.u32 $0xF, v0;
	v0 =	vsel vm4, $0x1900, v59  }
0x36: {  	v2 =	vsel vm6, $0x588, v2;
	v1 =	vsel vm5, $0x589, v1;
	v0 =	vsel vm2, $0x1980, v0  }
0x37: {  	v2 =	vsel vm5, $0x609, v2;
	v1 =	vsel vm4, $0x60A, v1;
	v0 =	vsel vm1, $0x1A00, v0  }
0x38: {  	v2 =	vsel vm4, $0x68A, v2;
	v1 =	vsel vm2, $0x68B, v1;
	v0 =	vsel vm0, $0x1A80, v0  }
0x39: {  	v2 =	vsel vm2, $0x70B, v2;
	v1 =	vsel vm1, $0x70C, v1;
	v52 =	vsel vm3, $0x1B00, v0  }
0x3a: {  	v0 =	vsel vm14, $0x80, v4;
	v2 =	vsel vm1, $0x78C, v2;
	v7 =	vsel vm0, $0x78D, v1  }
0x3b: {  	v1 =	vsel vm14, $0x280, v10;
	v4 =	vimm.s32 $0x21F;
	v0 =	vsel vm13, $0x101, v0  }
0x3c: {  	v8 =	vsel vm0, $0xD, v2;
	v25 =	vsel vm3, $0xE, v7;
	v2 =	vsel vm14, $0x300, v11  }
0x3d: {  	v1 =	vsel vm13, $0x301, v1;
	v7 =	vimm.s32 $0x29F;
	v0 =	vsel vm12, $0x182, v0  }
0x3e: {  	v26 =	vsel vm3, $0x8E, v8;
	v2 =	vsel vm13, $0x381, v2;
	v1 =	vsel vm12, $0x382, v1  }
0x3f: {  	v0 =	vsel vm11, $0x203, v0;
	v2 =	vsel vm12, $0x402, v2;
	v1 =	vsel vm11, $0x403, v1  }
0x40: {  	v0 =	vsel vm10, $0x284, v0;
	v2 =	vsel vm11, $0x483, v2;
	v1 =	vsel vm10, $0x484, v1  }
0x41: {  	v0 =	vsel vm9, $0x305, v0;
	v2 =	vsel vm10, $0x504, v2;
	v1 =	vsel vm9, $0x505, v1  }
0x42: {  	v0 =	vsel vm8, $0x386, v0;
	v2 =	vsel vm9, $0x585, v2;
	v1 =	vsel vm8, $0x586, v1  }
0x43: {  	v0 =	vsel vm7, $0x407, v0;
	v2 =	vsel vm8, $0x606, v2;
	v1 =	vsel vm7, $0x607, v1  }
0x44: {  	v0 =	vsel vm6, $0x488, v0;
	v2 =	vsel vm7, $0x687, v2;
	v1 =	vsel vm6, $0x688, v1  }
0x45: {  	v0 =	vsel vm5, $0x509, v0;
	v2 =	vsel vm6, $0x708, v2;
	v1 =	vsel vm5, $0x709, v1  }
0x46: {  	v0 =	vsel vm4, $0x58A, v0;
	v2 =	vsel vm5, $0x789, v2;
	v1 =	vsel vm4, $0x78A, v1  }
0x47: {  	v0 =	vsel vm2, $0x60B, v0;
	v2 =	vsel vm4, $0xA, v2;
	v1 =	vsel vm2, $0xB, v1  }
0x48: {  	v0 =	vsel vm1, $0x68C, v0;
	v2 =	vsel vm2, $0x8B, v2;
	v1 =	vsel vm1, $0x8C, v1  }
0x49: {  	v0 =	vsel vm0, $0x70D, v0;
	v2 =	vsel vm1, $0x10C, v2;
	v12 =	vsel vm0, $0x10D, v1  }
0x4a: {  	v1 =	vsel vm14, $0x400, v15;
	v24 =	vsel vm3, $0x78E, v0;
	v0 =	vsel vm14, $0x200, v9  }
0x4b: {  	v13 =	vsel vm0, $0x18D, v2;
	v28 =	vsel vm3, $0x18E, v12;
	v2 =	vsel vm14, $0x480, v16  }
0x4c: {  	v1 =	vsel vm13, $0x481, v1;
	v9 =	vadd.s32 $0x10, v23;
	v0 =	vsel vm13, $0x281, v0  }
0x4d: {  	v29 =	vsel vm3, $0x20E, v13;
	v2 =	vsel vm13, $0x501, v2;
	v1 =	vsel vm12, $0x502, v1  }
0x4e: {  	v0 =	vsel vm12, $0x302, v0;
	v2 =	vsel vm12, $0x582, v2;
	v1 =	vsel vm11, $0x583, v1  }
0x4f: {  	v0 =	vsel vm11, $0x383, v0;
	v2 =	vsel vm11, $0x603, v2;
	v1 =	vsel vm10, $0x604, v1  }
0x50: {  	v0 =	vsel vm10, $0x404, v0;
	v2 =	vsel vm10, $0x684, v2;
	v1 =	vsel vm9, $0x685, v1  }
0x51: {  	v0 =	vsel vm9, $0x485, v0;
	v2 =	vsel vm9, $0x705, v2;
	v1 =	vsel vm8, $0x706, v1  }
0x52: {  	v0 =	vsel vm8, $0x506, v0;
	v2 =	vsel vm8, $0x786, v2;
	v1 =	vsel vm7, $0x787, v1  }
0x53: {  	v0 =	vsel vm7, $0x587, v0;
	v2 =	vsel vm7, $0x7, v2;
	v1 =	vsel vm6, $0x8, v1  }
0x54: {  	v0 =	vsel vm6, $0x608, v0;
	v2 =	vsel vm6, $0x88, v2;
	v1 =	vsel vm5, $0x89, v1  }
0x55: {  	v0 =	vsel vm5, $0x689, v0;
	v2 =	vsel vm5, $0x109, v2;
	v1 =	vsel vm4, $0x10A, v1  }
0x56: {  	v0 =	vsel vm4, $0x70A, v0;
	v2 =	vsel vm4, $0x18A, v2;
	v1 =	vsel vm2, $0x18B, v1  }
0x57: {  	v0 =	vsel vm2, $0x78B, v0;
	v2 =	vsel vm2, $0x20B, v2;
	v1 =	vsel vm1, $0x20C, v1  }
0x58: {  	v0 =	vsel vm1, $0xC, v0;
	v2 =	vsel vm1, $0x28C, v2;
	v17 =	vsel vm0, $0x28D, v1  }
0x59: {  	v1 =	vsel vm14, $0x580, v46;
	v0 =	vsel vm0, $0x8D, v0;
	v18 =	vsel vm0, $0x30D, v2  }
0x5a: {  	v31 =	vsel vm3, $0x30E, v17;
	v2 =	vsel vm14, $0x600, v49;
	v1 =	vsel vm13, $0x601, v1  }
0x5b: {  	v17 =	vimm.s32 $0x39F;
	v27 =	vsel vm3, $0x10E, v0;
	v0 =	vsel vm14, $0x380, v14  }
0x5c: {  	v32 =	vsel vm3, $0x38E, v18;
	v2 =	vsel vm13, $0x681, v2;
	v1 =	vsel vm12, $0x682, v1  }
0x5d: {  	v14 =	vimm.s32 $0x31F;
	v18 =	vimm.s32 $0x41F;
	v0 =	vsel vm13, $0x401, v0  }
0x5e: {  	v2 =	vsel vm12, $0x702, v2;
	v1 =	vsel vm11, $0x703, v1;
	v0 =	vsel vm12, $0x482, v0  }
0x5f: {  	v2 =	vsel vm11, $0x783, v2;
	v1 =	vsel vm10, $0x784, v1;
	v0 =	vsel vm11, $0x503, v0  }
0x60: {  	v2 =	vsel vm10, $0x4, v2;
	v1 =	vsel vm9, $0x5, v1;
	v0 =	vsel vm10, $0x584, v0  }
0x61: {  	v2 =	vsel vm9, $0x85, v2;
	v1 =	vsel vm8, $0x86, v1;
	v0 =	vsel vm9, $0x605, v0  }
0x62: {  	v2 =	vsel vm8, $0x106, v2;
	v1 =	vsel vm7, $0x107, v1;
	v0 =	vsel vm8, $0x686, v0  }
0x63: {  	v2 =	vsel vm7, $0x187, v2;
	v1 =	vsel vm6, $0x188, v1;
	v0 =	vsel vm7, $0x707, v0  }
0x64: {  	v2 =	vsel vm6, $0x208, v2;
	v1 =	vsel vm5, $0x209, v1;
	v0 =	vsel vm6, $0x788, v0  }
0x65: {  	v2 =	vsel vm5, $0x289, v2;
	v1 =	vsel vm4, $0x28A, v1;
	v0 =	vsel vm5, $0x9, v0  }
0x66: {  	v2 =	vsel vm4, $0x30A, v2;
	v1 =	vsel vm2, $0x30B, v1;
	v0 =	vsel vm4, $0x8A, v0  }
0x67: {  	v2 =	vsel vm2, $0x38B, v2;
	v1 =	vsel vm1, $0x38C, v1;
	v0 =	vsel vm2, $0x10B, v0  }
0x68: {  	v2 =	vsel vm1, $0x40C, v2;
	v53 =	vsel vm0, $0x40D, v1;
	v0 =	vsel vm1, $0x18C, v0  }
0x69: {  	v1 =	vsel vm14, $0x700, v56;
	v54 =	vsel vm0, $0x48D, v2;
	v0 =	vsel vm0, $0x20D, v0  }
0x6a: {  	v49 =	vsel vm3, $0x48E, v53;
	v30 =	vsel vm3, $0x28E, v0;
	v0 =	vsel vm14, $0x500, v19  }
0x6b: {  	v2 =	vsel vm14, $0x780, v57;
	v1 =	vsel vm13, $0x781, v1;
	v0 =	vsel vm13, $0x581, v0  }
0x6c: {  	v53 =	vimm.s32 $0x51F;
	v8 =	vsel vm3, $0x50E, v54;
	v0 =	vsel vm12, $0x602, v0  }
0x6d: {  	v2 =	vsel vm13, $0x1, v2;
	v1 =	vsel vm12, $0x2, v1;
	v0 =	vsel vm11, $0x683, v0  }
0x6e: {  	v54 =	vimm.s32 $0x59F;
	v2 =	vsel vm12, $0x82, v2;
	v0 =	vsel vm10, $0x704, v0  }
0x6f: {  	v1 =	vsel vm11, $0x83, v1;
	v19 =	vimm.s32 $0x49F;
	v0 =	vsel vm9, $0x785, v0  }
0x70: {  	v2 =	vsel vm11, $0x103, v2;
	v1 =	vsel vm10, $0x104, v1;
	v0 =	vsel vm8, $0x6, v0  }
0x71: {  	v2 =	vsel vm10, $0x184, v2;
	v1 =	vsel vm9, $0x185, v1;
	v0 =	vsel vm7, $0x87, v0  }
0x72: {  	v2 =	vsel vm9, $0x205, v2;
	v1 =	vsel vm8, $0x206, v1;
	v0 =	vsel vm6, $0x108, v0  }
0x73: {  	v2 =	vsel vm8, $0x286, v2;
	v1 =	vsel vm7, $0x287, v1;
	v0 =	vsel vm5, $0x189, v0  }
0x74: {  	v2 =	vsel vm7, $0x307, v2;
	v1 =	vsel vm6, $0x308, v1;
	v0 =	vsel vm4, $0x20A, v0  }
0x75: {  	v2 =	vsel vm6, $0x388, v2;
	v1 =	vsel vm5, $0x389, v1;
	v0 =	vsel vm2, $0x28B, v0  }
0x76: {  	v2 =	vsel vm5, $0x409, v2;
	v1 =	vsel vm4, $0x40A, v1;
	v0 =	vsel vm1, $0x30C, v0  }
0x77: {  	v2 =	vsel vm4, $0x48A, v2;
	v1 =	vsel vm2, $0x48B, v1;
	v0 =	vsel vm0, $0x38D, v0  }
0x78: {  	v2 =	vsel vm2, $0x50B, v2;
	v46 =	vsel vm3, $0x40E, v0;
	v0 =	vsel vm14, $0x680, v55  }
0x79: {  	v1 =	vsel vm1, $0x50C, v1;
	v2 =	vsel vm1, $0x58C, v2;
	v0 =	vsel vm13, $0x701, v0  }
0x7a: {  	v58 =	vsel vm0, $0x58D, v1;
	v1 =	vsel vm14, $0x110, v61;
	v0 =	vsel vm12, $0x782, v0  }
0x7b: {  	v61 =	vimm.s32 $0x61F;
	v59 =	vsel vm0, $0x60D, v2;
	v0 =	vsel vm11, $0x3, v0  }
0x7c: {  	v11 =	vsel vm3, $0x60E, v58;
	v2 =	vsel vm14, $0x190, v62;
	v0 =	vsel vm10, $0x84, v0  }
0x7d: {  	v1 =	vsel vm13, $0x191, v1;
	v62 =	vimm.s32 $0x69F;
	v0 =	vsel vm9, $0x105, v0  }
0x7e: {  	v6 =	vsel vm3, $0x68E, v59;
	v2 =	vsel vm13, $0x211, v2;
	v0 =	vsel vm8, $0x186, v0  }
0x7f: {  	v1 =	vsel vm12, $0x212, v1;
	v2 =	vsel vm12, $0x292, v2;
	v0 =	vsel vm7, $0x207, v0  }
0x80: {  	v1 =	vsel vm11, $0x293, v1;
	v2 =	vsel vm11, $0x313, v2;
	v0 =	vsel vm6, $0x288, v0  }
0x81: {  	v1 =	vsel vm10, $0x314, v1;
	v2 =	vsel vm10, $0x394, v2;
	v0 =	vsel vm5, $0x309, v0  }
0x82: {  	v1 =	vsel vm9, $0x395, v1;
	v2 =	vsel vm9, $0x415, v2;
	v0 =	vsel vm4, $0x38A, v0  }
0x83: {  	v1 =	vsel vm8, $0x416, v1;
	v2 =	vsel vm8, $0x496, v2;
	v0 =	vsel vm2, $0x40B, v0  }
0x84: {  	v1 =	vsel vm7, $0x497, v1;
	v2 =	vsel vm7, $0x517, v2;
	v0 =	vsel vm1, $0x48C, v0  }
0x85: {  	v1 =	vsel vm6, $0x518, v1;
	v2 =	vsel vm6, $0x598, v2;
	v0 =	vsel vm0, $0x50D, v0  }
0x86: {  	v1 =	vsel vm5, $0x599, v1;
	v5 =	vsel vm3, $0x58E, v0;
	v0 =	vsel vm14, $0x90, v60  }
0x87: {  	v2 =	vsel vm5, $0x619, v2;
	v1 =	vsel vm4, $0x61A, v1;
	v0 =	vsel vm13, $0x111, v0  }
0x88: {  	v2 =	vsel vm4, $0x69A, v2;
	v1 =	vsel vm2, $0x69B, v1;
	v0 =	vsel vm12, $0x192, v0  }
0x89: {  	v2 =	vsel vm2, $0x71B, v2;
	v1 =	vsel vm1, $0x71C, v1;
	v0 =	vsel vm11, $0x213, v0  }
0x8a: {  	v2 =	vsel vm1, $0x79C, v2;
	v1 =	vsel vm0, $0x79D, v1;
	v0 =	vsel vm10, $0x294, v0  }
0x8b: {  	v2 =	vsel vm0, $0x1D, v2;
	v12 =	vsel vm3, $0x1E, v1;
	v0 =	vsel vm9, $0x315, v0  }
0x8c: {  	v1 =	vsel vm14, $0x290, v4;
	v13 =	vsel vm3, $0x9E, v2;
	v0 =	vsel vm8, $0x396, v0  }
0x8d: {  	v2 =	vsel vm14, $0x310, v7;
	v1 =	vsel vm13, $0x311, v1;
	v0 =	vsel vm7, $0x417, v0  }
0x8e: {  	v2 =	vsel vm13, $0x391, v2;
	v1 =	vsel vm12, $0x392, v1;
	v0 =	vsel vm6, $0x498, v0  }
0x8f: {  	v2 =	vsel vm12, $0x412, v2;
	v1 =	vsel vm11, $0x413, v1;
	v0 =	vsel vm5, $0x519, v0  }
0x90: {  	v2 =	vsel vm11, $0x493, v2;
	v1 =	vsel vm10, $0x494, v1;
	v0 =	vsel vm4, $0x59A, v0  }
0x91: {  	v2 =	vsel vm10, $0x514, v2;
	v1 =	vsel vm9, $0x515, v1;
	v0 =	vsel vm2, $0x61B, v0  }
0x92: {  	v2 =	vsel vm9, $0x595, v2;
	v1 =	vsel vm8, $0x596, v1;
	v0 =	vsel vm1, $0x69C, v0  }
0x93: {  	v2 =	vsel vm8, $0x616, v2;
	v1 =	vsel vm7, $0x617, v1;
	v0 =	vsel vm0, $0x71D, v0  }
0x94: {  	v2 =	vsel vm7, $0x697, v2;
	v10 =	vsel vm3, $0x79E, v0;
	v0 =	vsel vm14, $0x210, v63  }
0x95: {  	v1 =	vsel vm6, $0x698, v1;
	v2 =	vsel vm6, $0x718, v2;
	v0 =	vsel vm13, $0x291, v0  }
0x96: {  	v1 =	vsel vm5, $0x719, v1;
	v2 =	vsel vm5, $0x799, v2;
	v0 =	vsel vm12, $0x312, v0  }
0x97: {  	v1 =	vsel vm4, $0x79A, v1;
	v2 =	vsel vm4, $0x1A, v2;
	v0 =	vsel vm11, $0x393, v0  }
0x98: {  	v1 =	vsel vm2, $0x1B, v1;
	v2 =	vsel vm2, $0x9B, v2;
	v0 =	vsel vm10, $0x414, v0  }
0x99: {  	v1 =	vsel vm1, $0x9C, v1;
	v2 =	vsel vm1, $0x11C, v2;
	v0 =	vsel vm9, $0x495, v0  }
0x9a: {  	v1 =	vsel vm0, $0x11D, v1;
	v2 =	vsel vm0, $0x19D, v2;
	v0 =	vsel vm8, $0x516, v0  }
0x9b: {  	v16 =	vsel vm3, $0x19E, v1;
	v1 =	vsel vm14, $0x410, v17;
	v0 =	vsel vm7, $0x597, v0  }
0x9c: {  	v3 =	vsel vm3, $0x21E, v2;
	v2 =	vsel vm14, $0x490, v18;
	v0 =	vsel vm6, $0x618, v0  }
0x9d: {  	v1 =	vsel vm13, $0x491, v1;
	v2 =	vsel vm13, $0x511, v2;
	v0 =	vsel vm5, $0x699, v0  }
0x9e: {  	v1 =	vsel vm12, $0x512, v1;
	v2 =	vsel vm12, $0x592, v2;
	v0 =	vsel vm4, $0x71A, v0  }
0x9f: {  	v1 =	vsel vm11, $0x593, v1;
	v2 =	vsel vm11, $0x613, v2;
	v0 =	vsel vm2, $0x79B, v0  }
0xa0: {  	v1 =	vsel vm10, $0x614, v1;
	v63 =	vimm.s32 $0x71F;
	v0 =	vsel vm1, $0x1C, v0  }
0xa1: {  	v2 =	vsel vm10, $0x694, v2;
	v1 =	vsel vm9, $0x695, v1;
	v0 =	vsel vm0, $0x9D, v0  }
0xa2: {  	v1 =	vsel vm8, $0x716, v1;
	v15 =	vsel vm3, $0x11E, v0;
	v0 =	vsel vm14, $0x390, v14  }
0xa3: {  	v2 =	vsel vm9, $0x715, v2;
	v1 =	vsel vm7, $0x797, v1;
	v0 =	vsel vm13, $0x411, v0  }
0xa4: {  	v2 =	vsel vm8, $0x796, v2;
	v1 =	vsel vm6, $0x18, v1;
	v0 =	vsel vm12, $0x492, v0  }
0xa5: {  	v2 =	vsel vm7, $0x17, v2;
	v1 =	vsel vm5, $0x99, v1;
	v0 =	vsel vm11, $0x513, v0  }
0xa6: {  	v2 =	vsel vm6, $0x98, v2;
	v1 =	vsel vm4, $0x11A, v1;
	v0 =	vsel vm10, $0x594, v0  }
0xa7: {  	v2 =	vsel vm5, $0x119, v2;
	v1 =	vsel vm2, $0x19B, v1;
	v0 =	vsel vm9, $0x615, v0  }
0xa8: {  	v2 =	vsel vm4, $0x19A, v2;
	v1 =	vsel vm1, $0x21C, v1;
	v0 =	vsel vm8, $0x696, v0  }
0xa9: {  	v2 =	vsel vm2, $0x21B, v2;
	v1 =	vsel vm0, $0x29D, v1;
	v0 =	vsel vm7, $0x717, v0  }
0xaa: {  	v7 =	vsel vm3, $0x31E, v1;
	v1 =	vsel vm14, $0x590, v53;
	v0 =	vsel vm6, $0x798, v0  }
0xab: {  	s0 =	rddreg [dreg:$0x0];
	v2 =	vsel vm1, $0x29C, v2;
	v1 =	vsel vm13, $0x611, v1;
	v0 =	vsel vm5, $0x19, v0  }
0xac: {  	s1 =	rddreg [dreg:$0x1];
	v2 =	vsel vm0, $0x31D, v2;
	v1 =	vsel vm12, $0x692, v1;
	v0 =	vsel vm4, $0x9A, v0  }
0xad: {  	s7 =	rddreg [dreg:$0x2];
	s3 =	simm.s32 $0x0;
	v1 =	vsel vm11, $0x713, v1;
	v14 =	vsel vm3, $0x39E, v2;
	v0 =	vsel vm2, $0x11B, v0  }
0xae: {  	[smem:$0x7FF] =	sst s3;
	v2 =	vsel vm14, $0x610, v54;
	v1 =	vsel vm10, $0x794, v1;
	v0 =	vsel vm1, $0x19C, v0  }
0xaf: {  	s2 =	rddreg [dreg:$0x3];
	_ =	strace $0x80000047;
	[tilespmem:$0x1FE10] =	vst v23;
	v2 =	vsel vm13, $0x691, v2;
	v1 =	vsel vm9, $0x15, v1;
	v0 =	vsel vm0, $0x21D, v0  }
0xb0: {  	[tilespmem:$0x1FE30] =	vst v25;
	v2 =	vsel vm12, $0x712, v2;
	v4 =	vsel vm3, $0x29E, v0;
	v0 =	vsel vm14, $0x510, v19  }
0xb1: {  	[tilespmem:$0x1FE40] =	vst v26;
	v1 =	vsel vm8, $0x96, v1;
	v2 =	vsel vm11, $0x793, v2;
	v0 =	vsel vm13, $0x591, v0  }
0xb2: {  	[tilespmem:$0x1FE20] =	vst v24;
	v1 =	vsel vm7, $0x117, v1;
	v2 =	vsel vm10, $0x14, v2;
	v0 =	vsel vm12, $0x612, v0  }
0xb3: {  	[tilespmem:$0x1FE60] =	vst v28;
	v1 =	vsel vm6, $0x198, v1;
	v2 =	vsel vm9, $0x95, v2;
	v0 =	vsel vm11, $0x693, v0  }
0xb4: {  	[tilespmem:$0x1FF10] =	vst v9;
	v1 =	vsel vm5, $0x219, v1;
	v2 =	vsel vm8, $0x116, v2;
	v0 =	vsel vm10, $0x714, v0  }
0xb5: {  	[tilespmem:$0x1FE70] =	vst v29;
	v1 =	vsel vm4, $0x29A, v1;
	v2 =	vsel vm7, $0x197, v2;
	v0 =	vsel vm9, $0x795, v0  }
0xb6: {  	[tilespmem:$0x1FE90] =	vst v31;
	v1 =	vsel vm2, $0x31B, v1;
	v2 =	vsel vm6, $0x218, v2;
	v0 =	vsel vm8, $0x16, v0  }
0xb7: {  	[tilespmem:$0x1FE50] =	vst v27;
	v1 =	vsel vm1, $0x39C, v1;
	v2 =	vsel vm5, $0x299, v2;
	v0 =	vsel vm7, $0x97, v0  }
0xb8: {  	[tilespmem:$0x1FEB0] =	vst v49;
	v1 =	vsel vm0, $0x41D, v1;
	v2 =	vsel vm4, $0x31A, v2;
	v0 =	vsel vm6, $0x118, v0  }
0xb9: {  	[tilespmem:$0x1FF90] =	vst v8;
	v60 =	vsel vm3, $0x49E, v1;
	v1 =	vsel vm14, $0x710, v62;
	v0 =	vsel vm5, $0x199, v0  }
0xba: {  	[tilespmem:$0x1FE80] =	vst v30;
	v2 =	vsel vm2, $0x39B, v2;
	v1 =	vsel vm13, $0x791, v1;
	v0 =	vsel vm4, $0x21A, v0  }
0xbb: {  	[tilespmem:$0x1FF50] =	vst v11;
	v2 =	vsel vm1, $0x41C, v2;
	v1 =	vsel vm12, $0x12, v1;
	v0 =	vsel vm2, $0x29B, v0  }
0xbc: {  	[tilespmem:$0x1FF30] =	vst v6;
	v2 =	vsel vm0, $0x49D, v2;
	v1 =	vsel vm11, $0x93, v1;
	v0 =	vsel vm1, $0x31C, v0  }
0xbd: {  	[tilespmem:$0x1FEA0] =	vst v46;
	v22 =	vsel vm3, $0x51E, v2;
	v2 =	vsel vm14, $0x790, v63;
	v0 =	vsel vm0, $0x39D, v0  }
0xbe: {  	[tilespmem:$0x1FF00] =	vst v12;
	v2 =	vsel vm13, $0x11, v2;
	v55 =	vsel vm3, $0x41E, v0;
	v0 =	vsel vm14, $0x690, v61  }
0xbf: {  	[tilespmem:$0x1FF60] =	vst v13;
	v1 =	vsel vm10, $0x114, v1;
	v2 =	vsel vm12, $0x92, v2;
	v0 =	vsel vm13, $0x711, v0  }
0xc0: {  	[tilespmem:$0x1FF20] =	vst v5;
	v1 =	vsel vm9, $0x195, v1;
	v2 =	vsel vm11, $0x113, v2;
	v0 =	vsel vm12, $0x792, v0  }
0xc1: {  	[tilespmem:$0x1FF80] =	vst v16;
	v1 =	vsel vm8, $0x216, v1;
	v2 =	vsel vm10, $0x194, v2;
	v0 =	vsel vm11, $0x13, v0  }
0xc2: {  	[tilespmem:$0x1FEC0] =	vst v3;
	v1 =	vsel vm7, $0x297, v1;
	v2 =	vsel vm9, $0x215, v2;
	v0 =	vsel vm10, $0x94, v0  }
0xc3: {  	[tilespmem:$0x1FF40] =	vst v10;
	v1 =	vsel vm6, $0x318, v1;
	v2 =	vsel vm8, $0x296, v2;
	v0 =	vsel vm9, $0x115, v0  }
0xc4: {  	[tilespmem:$0x1FEE0] =	vst v7;
	v1 =	vsel vm5, $0x399, v1;
	v2 =	vsel vm7, $0x317, v2;
	v0 =	vsel vm8, $0x196, v0  }
0xc5: {  	[tilespmem:$0x1FEF0] =	vst v14;
	v1 =	vsel vm4, $0x41A, v1;
	v2 =	vsel vm6, $0x398, v2;
	v0 =	vsel vm7, $0x217, v0  }
0xc6: {  	[tilespmem:$0x1FF70] =	vst v15;
	v1 =	vsel vm2, $0x49B, v1;
	v2 =	vsel vm5, $0x419, v2;
	v0 =	vsel vm6, $0x298, v0  }
0xc7: {  	s4 =	srdreg.scid;
	s11 =	simm.s32 $0x7A1400;
	[tilespmem:$0x1FFA0] =	vst v60;
	v1 =	vsel vm1, $0x51C, v1;
	v2 =	vsel vm4, $0x49A, v2;
	v0 =	vsel vm5, $0x319, v0  }
0xc8: {  	s12 =	simm.s32 $0x2;
	s13 =	simm.s32 $0x2000;
	s14 =	simm.s32 $0x12000;
	[tilespmem:$0x1FED0] =	vst v4;
	v1 =	vsel vm0, $0x59D, v1;
	v2 =	vsel vm2, $0x51B, v2;
	v0 =	vsel vm4, $0x39A, v0  }
.Ltmp0:
0xc9: {  	s15 =	simm.s32 $0x0;
	s6 =	sand.u32 $0x1, s4;
	[tilespmem:$0x1FFC0] =	vst v22;
	v58 =	vsel vm3, $0x61E, v1;
	v2 =	vsel vm1, $0x59C, v2;
	v0 =	vsel vm2, $0x41B, v0;
	(pc) =	sbr.rel .LBB2_1-.Ltmp0, $4  }
0xca: {  	s4 =	stileid.u32;
	s5 =	sadd.s32 $0x3000, s7;
	s8 =	ssub.s32 $0x2, s6;
	[tilespmem:$0x1FFE0] =	vst v58;
	v2 =	vsel vm0, $0x61D, v2;
	v0 =	vsel vm1, $0x49C, v0  }
0xcb: {  	s7 =	sadd.s32 $0xF45000, s7;
	s10 =	sshll.u32 s4, $0x1;
	s9 =	sshrl.u32 s8, $0x1;
	v59 =	vsel vm3, $0x69E, v2;
	[tilespmem:$0x1FFB0] =	vst v55;
	v0 =	vsel vm0, $0x51D, v0  }
0xcc: {  	s6 =	sor.u32 s6, s10;
	s10 =	simm.s32 $0x800;
	s8 =	ssub.s32 s8, s9;
	[tilespmem:$0x1FFF0] =	vst v59;
	v21 =	vsel vm3, $0x59E, v0  }
0xcd: {  	s9 =	simm.s32 $0x1;
	p0 =	sne.s32 s6, $0x1;
	s8 =	smax.u32 s8, $0x1;
	[tilespmem:$0x1FFD0] =	vst v21  }
.LBB2_11:
0xce: {  	s15 =	sadd.s32 $0x1, s15  }
0xcf: {  	p1 =	sne.s32 s15, s8  }
.Ltmp1:
0xd0: {  	_ = 	snop;
	(pc) =	sbr.rel @!p1 .LBB2_12-.Ltmp1, $1  }
0xd1: {  	_ =	sdelay $0x3  }
.LBB2_1:
.Ltmp2:
0xd2: {  	(pc) =	sbr.rel .LBB2_2-.Ltmp2, $2  }
0xd3: {  	_ =	sdelay $0x2  }
0xd4: {  	p1 =	por $0x0, $0x0;
	s16 =	simm.s32 $0x0  }
.LBB2_6:
0xd5: {  	s16 =	sadd.s32 $0x1, s16  }
0xd6: {  	p2 =	sne.s32 s16, $0x7B  }
.Ltmp3:
0xd7: {  	_ = 	snop;
	(pc) =	sbr.rel @!p2 .LBB2_7-.Ltmp3, $2  }
0xd8: {  	_ =	sdelay $0x2  }
0xd9: {  	p1 =	por !p1, !p1  }
.LBB2_2:
0xda: {  	s17 =	sshll.u32 s16, $0x5  }
0xdb: {  	s17 =	sor.u32 s6, s17  }
0xdc: {  	p2 =	sgt.u32 s17, $0xF41  }
.Ltmp4:
0xdd: {  	_ = 	snop;
	(pc) =	sbr.rel @p2 .LBB2_6-.Ltmp4, $1  }
0xde: {  	_ =	sdelay $0x3  }
0xdf: {  	s18 =	simm.s32 $0x0  }
0xe0: {  	s19 =	sshll.u32 s17, $0x8;
	v0 =	vmov s18  }
0xe1: {  	s19 =	sadd.s32 s0, s19;
	v0 =	vshll.u32 v0, $0x3  }
0xe2: {  	v1 =	vor.u32 s18, v34;
	[tilespmem:s3], [sflag:$0x2] =	stream.strided.gather [hbm4b:s19+s10], $0x2000, s11, s10, $0x38;
	v0 =	vand.u32 $0x400, v0;
	[tilespmem:$0x12800] =	vst v63  }
0xe3: {  	v2 =	vor.u32 s18, v44;
	v1 =	vand.u32 $0x7F, v1;
	_ =	swait.ge [sflag:s12], $0x2000;
	v7 =	vor.u32 v37, v0  }
0xe4: {  	p2 =	slt.u32 s16, $0x2;
	v3 =	vor.u32 s18, v45;
	v2 =	vand.u32 $0x7F, v2;
	[sflag:s12] =	ssyncset.done $0x0;
	v4 =	vor.u32 v1, v7  }
0xe5: {  	s19 =	simm.s32 @!p2 $0x1;
	v14 =	vand.u32 $0x7F, v3;
	v12 =	vor.u32 v52, v0;
	[sflag:s12] =	ssyncadd.s32 $0xFFFFE000;
	v0 =	vor.u32 v2, v7  }
0xe6: {  	v5 =	vor.u32 v14, v12;
	_ =	swait.ge @!p2 [sflag:s19], $0x8000  }
0xe7: {  	v6 =	vor.u32 s18, v35;
	v2 =	vor.u32 v2, v12;
	[sflag:s19] =	ssyncset.done @!p2 $0x0  }
0xe8: {  	v3 =	vor.u32 s18, v41;
	v20 =	vand.u32 $0x7F, v6;
	[sflag:s19] =	ssyncadd.s32 @!p2 $0xFFFF8000  }
0xe9: {  	v3 =	vand.u32 $0x7F, v3;
	v10 =	vor.u32 v20, v12;
	v60 =	vld.idx.msk [tilespmem:v4+s3+$0x0], $0xffff  }
0xea: {  	v13 =	vor.u32 v3, v12;
	v63 =	vld.idx.msk [tilespmem:v0+s3+$0x0], $0xffff;
	v0 =	vor.u32 s18, v39  }
0xeb: {  	v6 =	vor.u32 v3, v7;
	v3 =	vld.idx.msk [tilespmem:v5+s3+$0x0], $0xffff;
	v19 =	vand.u32 $0x7F, v0  }
0xec: {  	v4 =	vor.u32 s18, v43;
	v0 =	vld.idx.msk [tilespmem:v2+s3+$0x0], $0xffff;
	v15 =	vor.u32 v19, v7  }
0xed: {  	v9 =	vor.u32 s18, v33;
	v4 =	vand.u32 $0x7F, v4  }
0xee: {  	v9 =	vand.u32 $0x7F, v9;
	v8 =	vld.idx.msk [tilespmem:v10+s3+$0x0], $0xffff;
	v5 =	vor.u32 v4, v7  }
0xef: {  	v10 =	vor.u32 s18, v47;
	v55 =	vld.idx.msk [tilespmem:v13+s3+$0x0], $0xffff;
	v13 =	vor.u32 s18, v51;
	v4 =	vor.u32 v4, v12  }
0xf0: {  	v11 =	vor.u32 v9, v7;
	v54 =	vand.u32 $0x7F, v10;
	v13 =	vand.u32 $0x7F, v13;
	[tilespmem:$0x1FDC0] =	vst v3  }
0xf1: {  	v3 =	vor.u32 s18, v42;
	[tilespmem:$0x1FDD0] =	vst v0;
	v0 =	vor.u32 s18, v48;
	v10 =	vld.idx.msk [tilespmem:v15+s3+$0x0], $0xffff;
	v15 =	vor.u32 v13, v12  }
0xf2: {  	v56 =	vor.u32 v54, v7;
	v2 =	vand.u32 $0x7F, v3;
	v3 =	vld.idx.msk [tilespmem:v6+s3+$0x0], $0xffff;
	v16 =	vand.u32 $0x7F, v0  }
0xf3: {  	v0 =	vor.u32 s18, v36;
	v5 =	vld.idx.msk [tilespmem:v5+s3+$0x0], $0xffff;
	v53 =	vor.u32 v16, v12  }
0xf4: {  	v61 =	vor.u32 v1, v12;
	v58 =	vld.idx.msk [tilespmem:v4+s3+$0x0], $0xffff;
	v18 =	vand.u32 $0x7F, v0  }
0xf5: {  	v0 =	vld.idx.msk [tilespmem:v11+s3+$0x0], $0xffff;
	v11 =	vor.u32 v18, v7  }
0xf6: {  	v17 =	vor.u32 v9, v12;
	v1 =	vld.idx.msk [tilespmem:v15+s3+$0x0], $0xffff  }
0xf7: {  	v6 =	vor.u32 v2, v7;
	v4 =	vld.idx.msk [tilespmem:v56+s3+$0x0], $0xffff  }
0xf8: {  	[tilespmem:$0x1FDE0] =	vst v8;
	v59 =	vor.u32 v2, v12;
	v8 =	vld.idx.msk [tilespmem:v53+s3+$0x0], $0xffff  }
0xf9: {  	v56 =	vld.idx.msk [tilespmem:v61+s3+$0x0], $0xffff;
	v57 =	vor.u32 v16, v7  }
0xfa: {  	v15 =	vor.u32 s18, v38;
	v16 =	vld.idx.msk [tilespmem:v11+s3+$0x0], $0xffff;
	v11 =	vor.u32 v54, v12  }
0xfb: {  	v9 =	vor.u32 v14, v7;
	v61 =	vld.idx.msk [tilespmem:v17+s3+$0x0], $0xffff;
	v53 =	vor.u32 s18, v40;
	[tilespmem:$0x1FE00] =	vst v1;
	v1 =	vand.u32 $0x7F, v15  }
0xfc: {  	v2 =	vor.u32 s18, v50;
	v6 =	vld.idx.msk [tilespmem:v6+s3+$0x0], $0xffff;
	v15 =	vand.u32 $0x7F, v53;
	v14 =	vor.u32 v1, v7  }
0xfd: {  	v62 =	vld.idx.msk [tilespmem:v59+s3+$0x0], $0xffff;
	[tilespmem:$0x1FDF0] =	vst v8;
	v8 =	vand.u32 $0x7F, v2;
	v53 =	vor.u32 v15, v12  }
0xfe: {  	v13 =	vor.u32 v13, v7;
	v17 =	vor.u32 v20, v7;
	v2 =	vld.idx.msk [tilespmem:v57+s3+$0x0], $0xffff;
	v57 =	vor.u32 v8, v12  }
0xff: {  	v15 =	vor.u32 v15, v7;
	v59 =	vld.idx.msk [tilespmem:v11+s3+$0x0], $0xffff;
	v8 =	vor.u32 v8, v7;
	v7 =	vor.u32 v1, v12  }
0x100: {  	s18 =	simm.s32 $0x1;
	v11 =	vld.idx.msk [tilespmem:v9+s3+$0x0], $0xffff  }
0x101: {  	s18 =	simm.s32 @!p1 $0x0;
	v9 =	vor.u32 v18, v12;
	v18 =	vld.idx.msk [tilespmem:v14+s3+$0x0], $0xffff  }
0x102: {  	s31 =	sshll.u32 s16, $0xF;
	s20 =	sshll.u32 s18, $0xF;
	v1 =	vld.idx.msk [tilespmem:v53+s3+$0x0], $0xffff  }
0x103: {  	s21 =	simm.s32 $0x10;
	s18 =	sand.u32 $0x8000, s31;
	s19 =	smov.u32 s20;
	v14 =	vor.u32 v19, v12;
	v57 =	vld.idx.msk [tilespmem:v57+s3+$0x0], $0xffff  }
.LBB2_4:
0x104: {  	v19 =	vld.idx.msk [tilespmem:v7+s3+$0x0], $0xffff  }
0x105: {  	v7 =	vld [tilespmem:$0x1FFA0];
	_ =	sdelay $0x4  }
0x106: {  	v7 =	vor.u32 s19, v7  }
0x107: {  	[tilespmem:$0x1FDB0] =	vst v7;
	v7 =	vld [tilespmem:$0x1FEC0];
	_ =	sdelay $0x4  }
0x108: {  	v21 =	vor.u32 s19, v24;
	v24 =	vor.u32 s19, v7;
	v7 =	vld [tilespmem:$0x1FEF0];
	_ =	sdelay $0x4  }
0x109: {  	v12 =	vor.u32 s19, v7;
	v7 =	vld [tilespmem:$0x1FF70];
	_ =	sdelay $0x4  }
0x10a: {  	v20 =	vor.u32 s19, v23;
	v23 =	vor.u32 s19, v26;
	v26 =	vor.u32 s19, v7;
	v7 =	vld [tilespmem:$0x1FF80];
	_ =	sdelay $0x2  }
0x10b: {  	v15 =	vld.idx.msk [tilespmem:v15+s3+$0x0], $0xffff  }
0x10c: {  	v13 =	vld.idx.msk [tilespmem:v13+s3+$0x0], $0xffff  }
0x10d: {  	v22 =	vor.u32 s19, v25;
	v25 =	vor.u32 s19, v27;
	v27 =	vor.u32 s19, v7;
	v7 =	vld [tilespmem:$0x1FF00]  }
0x10e: {  	v8 =	vld.idx.msk [tilespmem:v8+s3+$0x0], $0xffff  }
0x10f: {  	v17 =	vld.idx.msk [tilespmem:v17+s3+$0x0], $0xffff  }
0x110: {  	v14 =	vld.idx.msk [tilespmem:v14+s3+$0x0], $0xffff  }
0x111: {  	v9 =	vld.idx.msk [tilespmem:v9+s3+$0x0], $0xffff  }
0x112: {  	[tilespmem:v20+s13+$0x0] =	vst.idx.msk $0xffff, v16;
	v20 =	vor.u32 s19, v7;
	v7 =	vld [tilespmem:$0x1FF60];
	_ =	sdelay $0x4  }
0x113: {  	v16 =	vor.u32 s19, v28;
	v28 =	vor.u32 s19, v7;
	v7 =	vld [tilespmem:$0x1FF10];
	_ =	sdelay $0x4  }
0x114: {  	[tilespmem:v21+s13+$0x0] =	vst.idx.msk $0xffff, v18;
	v21 =	vor.u32 s19, v7;
	v7 =	vld [tilespmem:$0x1FF40];
	_ =	sdelay $0x4  }
0x115: {  	v18 =	vor.u32 s19, v29;
	v29 =	vor.u32 s19, v7;
	v7 =	vld [tilespmem:$0x1FF50];
	_ =	sdelay $0x4  }
0x116: {  	[tilespmem:v22+s13+$0x0] =	vst.idx.msk $0xffff, v10;
	v22 =	vor.u32 s19, v7;
	v7 =	vld [tilespmem:$0x1FF30];
	_ =	sdelay $0x4  }
0x117: {  	v10 =	vor.u32 s19, v30;
	v30 =	vor.u32 s19, v7;
	v7 =	vld [tilespmem:$0x1FF90];
	_ =	sdelay $0x4  }
0x118: {  	[tilespmem:v23+s13+$0x0] =	vst.idx.msk $0xffff, v15;
	v23 =	vor.u32 s19, v7;
	v7 =	vld [tilespmem:$0x1FF20];
	_ =	sdelay $0x1  }
0x119: {  	v15 =	vor.u32 s19, v31  }
0x11a: {  	[tilespmem:v25+s13+$0x0] =	vst.idx.msk $0xffff, v3;
	v3 =	vor.u32 s19, v32  }
0x11b: {  	v25 =	vor.u32 s19, v46;
	[tilespmem:v16+s13+$0x0] =	vst.idx.msk $0xffff, v6  }
0x11c: {  	[tilespmem:v18+s13+$0x0] =	vst.idx.msk $0xffff, v5;
	v31 =	vor.u32 s19, v7;
	v7 =	vmov v32;
	v32 =	vor.u32 s19, v49  }
0x11d: {  	[tilespmem:v10+s13+$0x0] =	vst.idx.msk $0xffff, v63  }
0x11e: {  	s22 =	smov.u32 s21;
	[tilespmem:v15+s13+$0x0] =	vst.idx.msk $0xffff, v0  }
0x11f: {  	v54 =	vor.u32 s22, v35;
	[tilespmem:v3+s13+$0x0] =	vst.idx.msk $0xffff, v11  }
0x120: {  	v53 =	vmov v35;
	v35 =	vand.u32 $0x7F, v54;
	v54 =	vor.u32 s22, v45;
	[tilespmem:v25+s13+$0x0] =	vst.idx.msk $0xffff, v4  }
0x121: {  	v54 =	vand.u32 $0x7F, v54;
	[tilespmem:v32+s13+$0x0] =	vst.idx.msk $0xffff, v60  }
0x122: {  	v16 =	vor.u32 s22, v50;
	v5 =	vor.u32 s22, v47;
	v4 =	vmov s22;
	[tilespmem:v23+s13+$0x0] =	vst.idx.msk $0xffff, v2  }
0x123: {  	v18 =	vor.u32 s22, v48;
	v10 =	vor.u32 s22, v38;
	v4 =	vshll.u32 v4, $0x3;
	[tilespmem:v31+s13+$0x0] =	vst.idx.msk $0xffff, v8  }
0x124: {  	v0 =	vor.u32 s22, v43;
	v15 =	vor.u32 s22, v44;
	v4 =	vand.u32 $0x400, v4;
	[tilespmem:v22+s13+$0x0] =	vst.idx.msk $0xffff, v13  }
0x125: {  	v31 =	vor.u32 v37, v4;
	v8 =	vand.u32 $0x7F, v15;
	v4 =	vor.u32 v52, v4;
	[tilespmem:v30+s13+$0x0] =	vst.idx.msk $0xffff, v17  }
0x126: {  	v3 =	vor.u32 s22, v41;
	v30 =	vor.u32 v8, v4;
	[tilespmem:v21+s13+$0x0] =	vst.idx.msk $0xffff, v9;
	v21 =	vor.u32 v8, v31;
	v8 =	vld [tilespmem:$0x1FED0]  }
0x127: {  	v11 =	vor.u32 s22, v42;
	v25 =	vor.u32 s22, v40;
	v49 =	vmovc v34;
	v34 =	vor.u32 s22, v34;
	v9 =	vld [tilespmem:$0x1FFB0];
	[tilespmem:v29+s13+$0x0] =	vst.idx.msk $0xffff, v19  }
0x128: {  	v6 =	vand.u32 $0x7F, v34;
	v34 =	vor.u32 s22, v51;
	v2 =	vor.u32 s22, v36;
	[tilespmem:v20+s13+$0x0] =	vst.idx.msk $0xffff, v14  }
0x129: {  	v32 =	vor.u32 s22, v39;
	v2 =	vand.u32 $0x7F, v2;
	v17 =	vand.u32 $0x7F, v25;
	[tilespmem:v28+s13+$0x0] =	vst.idx.msk $0xffff, v1;
	v1 =	vld [tilespmem:$0x1FEE0]  }
0x12a: {  	v25 =	vor.u32 v54, v4;
	v19 =	vor.u32 v54, v31;
	v54 =	vmovc v52;
	v52 =	vmovc v51;
	v51 =	vmov v50  }
0x12b: {  	v50 =	vmovc v48;
	v48 =	vmov v47;
	v47 =	vmov v45;
	v20 =	vor.u32 v2, v31;
	[tilespmem:v26+s13+$0x0] =	vst.idx.msk $0xffff, v55  }
0x12c: {  	v45 =	vmovc v44;
	v14 =	vor.u32 s19, v8;
	[tilespmem:v27+s13+$0x0] =	vst.idx.msk $0xffff, v62;
	v27 =	vor.u32 s19, v9;
	v9 =	vor.u32 v2, v4;
	v2 =	vld [tilespmem:$0x1FDD0]  }
0x12d: {  	v44 =	vmovc v43;
	v43 =	vmovc v42;
	v42 =	vmov v41;
	v41 =	vmov v40;
	v40 =	vmov v39  }
0x12e: {  	v39 =	vmovc v38;
	v38 =	vmovc v37;
	v37 =	vor.u32 v6, v4;
	v28 =	vor.u32 v6, v31;
	v6 =	vld [tilespmem:$0x1FDB0];
	v1 =	vor.u32 s19, v1  }
0x12f: {  	v63 =	vld [tilespmem:$0x1FDC0]  }
0x130: {  	[tilespmem:v24+s13+$0x0] =	vst.idx.msk $0xffff, v58  }
0x131: {  	[tilespmem:v14+s13+$0x0] =	vst.idx.msk $0xffff, v2;
	v2 =	vld [tilespmem:$0x1FFC0];
	_ =	sdelay $0x1  }
0x132: {  	v32 =	vand.u32 $0x7F, v32;
	[tilespmem:v1+s13+$0x0] =	vst.idx.msk $0xffff, v61  }
0x133: {  	v1 =	vld [tilespmem:$0x1FFD0];
	[tilespmem:v12+s13+$0x0] =	vst.idx.msk $0xffff, v63  }
0x134: {  	v16 =	vand.u32 $0x7F, v16;
	v18 =	vand.u32 $0x7F, v18;
	v14 =	vor.u32 v32, v4;
	v12 =	vld [tilespmem:$0x1FFE0];
	[tilespmem:v27+s13+$0x0] =	vst.idx.msk $0xffff, v59  }
0x135: {  	v5 =	vand.u32 $0x7F, v5;
	v2 =	vor.u32 s19, v2;
	[tilespmem:v6+s13+$0x0] =	vst.idx.msk $0xffff, v56;
	v6 =	vor.u32 v32, v31;
	v32 =	vmovc v7;
	v7 =	vld [tilespmem:$0x1FDF0]  }
0x136: {  	v0 =	vand.u32 $0x7F, v0;
	v22 =	vor.u32 v35, v4;
	v15 =	vor.u32 v17, v31  }
0x137: {  	v36 =	vor.u32 v17, v4;
	v17 =	vor.u32 v35, v31;
	v35 =	vor.u32 v5, v4  }
0x138: {  	v29 =	vor.u32 v5, v31;
	v8 =	vor.u32 v16, v31;
	v61 =	vor.u32 v18, v31  }
0x139: {  	v5 =	vld [tilespmem:$0x1FFF0];
	v27 =	vor.u32 v16, v4;
	v16 =	vor.u32 v18, v4;
	v1 =	vor.u32 s19, v1  }
0x13a: {  	v18 =	vor.u32 v0, v4;
	v12 =	vor.u32 s19, v12;
	[tilespmem:v2+s13+$0x0] =	vst.idx.msk $0xffff, v7;
	v2 =	vor.u32 v0, v31;
	v0 =	vld [tilespmem:$0x1FE00];
	_ =	sdelay $0x2  }
0x13b: {  	v46 =	vmov v33;
	v33 =	vor.u32 s22, v33  }
0x13c: {  	v3 =	vand.u32 $0x7F, v3;
	v23 =	vand.u32 $0x7F, v33;
	[tilespmem:v1+s13+$0x0] =	vst.idx.msk $0xffff, v57  }
0x13d: {  	v33 =	vor.u32 v3, v4;
	v5 =	vor.u32 s19, v5;
	[tilespmem:v12+s13+$0x0] =	vst.idx.msk $0xffff, v0;
	v0 =	vor.u32 v3, v31;
	v3 =	vld [tilespmem:$0x1FDE0];
	_ =	sdelay $0x1  }
0x13e: {  	v34 =	vand.u32 $0x7F, v34  }
0x13f: {  	v10 =	vand.u32 $0x7F, v10;
	v11 =	vand.u32 $0x7F, v11;
	v13 =	vor.u32 v34, v31  }
0x140: {  	v26 =	vor.u32 v10, v31;
	v24 =	vor.u32 v23, v4;
	v1 =	vor.u32 v23, v31;
	v23 =	vld [tilespmem:$0x1FE10]  }
0x141: {  	v62 =	vor.u32 v11, v4;
	v11 =	vor.u32 v11, v31;
	v31 =	vld [tilespmem:$0x1FE90];
	[tilespmem:v5+s13+$0x0] =	vst.idx.msk $0xffff, v3  }
0x142: {  	v60 =	vld.idx.msk [tilespmem:v28+s3+$0x0], $0xffff  }
0x143: {  	v28 =	vld [tilespmem:$0x1FE60]  }
0x144: {  	v63 =	vld.idx.msk [tilespmem:v21+s3+$0x0], $0xffff  }
0x145: {  	v3 =	vld.idx.msk [tilespmem:v25+s3+$0x0], $0xffff  }
0x146: {  	v25 =	vld [tilespmem:$0x1FE30]  }
0x147: {  	v55 =	vld.idx.msk [tilespmem:v33+s3+$0x0], $0xffff  }
0x148: {  	v33 =	vmov v46;
	v46 =	vld [tilespmem:$0x1FEA0]  }
0x149: {  	v5 =	vld.idx.msk [tilespmem:v2+s3+$0x0], $0xffff  }
0x14a: {  	v7 =	vor.u32 v10, v4;
	v10 =	vld.idx.msk [tilespmem:v6+s3+$0x0], $0xffff  }
0x14b: {  	v6 =	vld.idx.msk [tilespmem:v11+s3+$0x0], $0xffff  }
0x14c: {  	v58 =	vld.idx.msk [tilespmem:v18+s3+$0x0], $0xffff  }
0x14d: {  	[tilespmem:$0x1FDC0] =	vst v3;
	v3 =	vld.idx.msk [tilespmem:v30+s3+$0x0], $0xffff  }
0x14e: {  	v34 =	vor.u32 v34, v4;
	v4 =	vld.idx.msk [tilespmem:v29+s3+$0x0], $0xffff  }
0x14f: {  	v29 =	vld [tilespmem:$0x1FE70]  }
0x150: {  	v2 =	vld.idx.msk [tilespmem:v61+s3+$0x0], $0xffff  }
0x151: {  	v62 =	vld.idx.msk [tilespmem:v62+s3+$0x0], $0xffff  }
0x152: {  	[tilespmem:$0x1FDD0] =	vst v3;
	v3 =	vld.idx.msk [tilespmem:v0+s3+$0x0], $0xffff  }
0x153: {  	v0 =	vld.idx.msk [tilespmem:v22+s3+$0x0], $0xffff  }
0x154: {  	v56 =	vld.idx.msk [tilespmem:v37+s3+$0x0], $0xffff  }
0x155: {  	v61 =	vld.idx.msk [tilespmem:v24+s3+$0x0], $0xffff  }
0x156: {  	v24 =	vld [tilespmem:$0x1FE20]  }
0x157: {  	v59 =	vld.idx.msk [tilespmem:v35+s3+$0x0], $0xffff  }
0x158: {  	[tilespmem:$0x1FDE0] =	vst v0;
	v0 =	vld.idx.msk [tilespmem:v1+s3+$0x0], $0xffff  }
0x159: {  	v1 =	vld.idx.msk [tilespmem:v16+s3+$0x0], $0xffff  }
0x15a: {  	v11 =	vld.idx.msk [tilespmem:v19+s3+$0x0], $0xffff  }
0x15b: {  	v57 =	vld.idx.msk [tilespmem:v27+s3+$0x0], $0xffff  }
0x15c: {  	v27 =	vld [tilespmem:$0x1FE50]  }
0x15d: {  	v18 =	vld.idx.msk [tilespmem:v26+s3+$0x0], $0xffff  }
0x15e: {  	p2 =	sne.s32 s21, $0xF0;
	[tilespmem:$0x1FDF0] =	vst v1;
	v1 =	vld.idx.msk [tilespmem:v34+s3+$0x0], $0xffff  }
.Ltmp5:
0x15f: {  	v26 =	vld [tilespmem:$0x1FE40];
	(pc) =	sbr.rel @p2 .LBB2_4-.Ltmp5, $4  }
0x160: {  	v37 =	vmov v38;
	v38 =	vmov v39;
	v30 =	vld [tilespmem:$0x1FE80]  }
0x161: {  	v39 =	vmovc v40;
	v40 =	vmovc v41;
	v41 =	vmov v42;
	v42 =	vmov v43;
	v43 =	vmov v44;
	v16 =	vld.idx.msk [tilespmem:v20+s3+$0x0], $0xffff  }
0x162: {  	s20 =	sadd.s32 $0x800, s20;
	v44 =	vmovc v45;
	v45 =	vmovc v47;
	v47 =	vmov v48;
	v48 =	vmov v50;
	v34 =	vmov v49;
	v49 =	vld [tilespmem:$0x1FEB0]  }
0x163: {  	s21 =	sadd.s32 $0x10, s21;
	s19 =	smov.u32 s20;
	v50 =	vmovc v51;
	v51 =	vmovc v52;
	v52 =	vmov v54;
	v35 =	vmov v53;
	[tilespmem:$0x1FE00] =	vst v1;
	v1 =	vld.idx.msk [tilespmem:v36+s3+$0x0], $0xffff;
	v36 =	vlaneseq.u32  }
0x164: {  	_ =	sdelay $0x3  }
0x165: {  	v12 =	vld.idx.msk [tilespmem:v15+s3+$0x0], $0xffff  }
0x166: {  	v13 =	vld.idx.msk [tilespmem:v13+s3+$0x0], $0xffff;
	v54 =	vor.u32 s19, v23  }
0x167: {  	v7 =	vld.idx.msk [tilespmem:v7+s3+$0x0], $0xffff;
	v19 =	vor.u32 s19, v24  }
0x168: {  	v8 =	vld.idx.msk [tilespmem:v8+s3+$0x0], $0xffff;
	v20 =	vor.u32 s19, v25  }
0x169: {  	v17 =	vld.idx.msk [tilespmem:v17+s3+$0x0], $0xffff;
	v21 =	vor.u32 s19, v26  }
0x16a: {  	v14 =	vld.idx.msk [tilespmem:v14+s3+$0x0], $0xffff  }
0x16b: {  	v9 =	vld.idx.msk [tilespmem:v9+s3+$0x0], $0xffff;
	v22 =	vor.u32 s19, v27;
	[tilespmem:v54+s13+$0x0] =	vst.idx.msk $0xffff, v16  }
0x16c: {  	v53 =	vor.u32 s19, v28;
	[tilespmem:v19+s13+$0x0] =	vst.idx.msk $0xffff, v18  }
0x16d: {  	v54 =	vor.u32 s19, v29;
	[tilespmem:v20+s13+$0x0] =	vst.idx.msk $0xffff, v10  }
0x16e: {  	v18 =	vor.u32 s19, v30;
	[tilespmem:v21+s13+$0x0] =	vst.idx.msk $0xffff, v12;
	v21 =	vld [tilespmem:$0x1FF90]  }
0x16f: {  	v19 =	vor.u32 s19, v31;
	v12 =	vld [tilespmem:$0x1FF20]  }
0x170: {  	[tilespmem:v22+s13+$0x0] =	vst.idx.msk $0xffff, v3;
	v3 =	vor.u32 s19, v32  }
0x171: {  	[tilespmem:v53+s13+$0x0] =	vst.idx.msk $0xffff, v6;
	v53 =	vor.u32 s19, v46  }
0x172: {  	[tilespmem:v54+s13+$0x0] =	vst.idx.msk $0xffff, v5;
	v54 =	vor.u32 s19, v49  }
0x173: {  	[tilespmem:v18+s13+$0x0] =	vst.idx.msk $0xffff, v63;
	v63 =	vor.u32 s19, v21  }
0x174: {  	[tilespmem:v19+s13+$0x0] =	vst.idx.msk $0xffff, v0;
	v0 =	vor.u32 s19, v12  }
0x175: {  	v16 =	vld [tilespmem:$0x1FF50];
	[tilespmem:v3+s13+$0x0] =	vst.idx.msk $0xffff, v11  }
0x176: {  	v18 =	vld [tilespmem:$0x1FF30];
	[tilespmem:v53+s13+$0x0] =	vst.idx.msk $0xffff, v4  }
0x177: {  	v53 =	vld [tilespmem:$0x1FF10];
	[tilespmem:v54+s13+$0x0] =	vst.idx.msk $0xffff, v60  }
0x178: {  	v60 =	vld [tilespmem:$0x1FF40];
	[tilespmem:v63+s13+$0x0] =	vst.idx.msk $0xffff, v2  }
0x179: {  	[tilespmem:v0+s13+$0x0] =	vst.idx.msk $0xffff, v8;
	v8 =	vld [tilespmem:$0x1FF00]  }
0x17a: {  	v10 =	vld [tilespmem:$0x1FF60];
	v3 =	vor.u32 s19, v16  }
0x17b: {  	v15 =	vld [tilespmem:$0x1FF70];
	v19 =	vor.u32 s19, v18  }
0x17c: {  	v54 =	vor.u32 s19, v53  }
0x17d: {  	v63 =	vor.u32 s19, v60  }
0x17e: {  	v20 =	vld [tilespmem:$0x1FF80];
	v0 =	vor.u32 s19, v8  }
0x17f: {  	v11 =	vor.u32 s19, v10;
	[tilespmem:v3+s13+$0x0] =	vst.idx.msk $0xffff, v13  }
0x180: {  	v22 =	vld [tilespmem:$0x1FFA0];
	v53 =	vor.u32 s19, v15;
	[tilespmem:v19+s13+$0x0] =	vst.idx.msk $0xffff, v17  }
0x181: {  	v60 =	vld [tilespmem:$0x1FEC0];
	[tilespmem:v54+s13+$0x0] =	vst.idx.msk $0xffff, v9  }
0x182: {  	[tilespmem:v63+s13+$0x0] =	vst.idx.msk $0xffff, v7;
	v7 =	vld [tilespmem:$0x1FED0]  }
0x183: {  	v54 =	vor.u32 s19, v20;
	v9 =	vld [tilespmem:$0x1FEE0];
	[tilespmem:v0+s13+$0x0] =	vst.idx.msk $0xffff, v14  }
0x184: {  	[tilespmem:v11+s13+$0x0] =	vst.idx.msk $0xffff, v1;
	v11 =	vld [tilespmem:$0x1FEF0]  }
0x185: {  	[tilespmem:v53+s13+$0x0] =	vst.idx.msk $0xffff, v55;
	v53 =	vld [tilespmem:$0x1FFB0]  }
0x186: {  	v15 =	vld [tilespmem:$0x1FDD0];
	v63 =	vor.u32 s19, v60  }
0x187: {  	v17 =	vld [tilespmem:$0x1FFD0];
	v8 =	vor.u32 s19, v7  }
0x188: {  	v10 =	vor.u32 s19, v9;
	[tilespmem:v54+s13+$0x0] =	vst.idx.msk $0xffff, v62;
	v54 =	vld [tilespmem:$0x1FFC0]  }
0x189: {  	v19 =	vld [tilespmem:$0x1FDC0]  }
0x18a: {  	v12 =	vor.u32 s19, v11;
	v13 =	vor.u32 s19, v53;
	v53 =	vld [tilespmem:$0x1FFE0]  }
0x18b: {  	v55 =	vld [tilespmem:$0x1FFF0];
	[tilespmem:v63+s13+$0x0] =	vst.idx.msk $0xffff, v58  }
0x18c: {  	v14 =	vor.u32 s19, v22;
	[tilespmem:v8+s13+$0x0] =	vst.idx.msk $0xffff, v15  }
0x18d: {  	v16 =	vor.u32 s19, v54;
	[tilespmem:v10+s13+$0x0] =	vst.idx.msk $0xffff, v61;
	v61 =	vld [tilespmem:$0x1FDF0]  }
0x18e: {  	v18 =	vor.u32 s19, v17  }
0x18f: {  	v62 =	vld [tilespmem:$0x1FE00];
	[tilespmem:v12+s13+$0x0] =	vst.idx.msk $0xffff, v19;
	v54 =	vor.u32 s19, v53  }
0x190: {  	v63 =	vld [tilespmem:$0x1FDE0];
	v60 =	vor.u32 s19, v55;
	[tilespmem:v13+s13+$0x0] =	vst.idx.msk $0xffff, v59  }
0x191: {  	[tilespmem:v14+s13+$0x0] =	vst.idx.msk $0xffff, v56  }
.Ltmp6:
0x192: {  	[tilespmem:v16+s13+$0x0] =	vst.idx.msk $0xffff, v61;
	(pc) =	sbr.rel .LBB2_6-.Ltmp6, $4  }
0x193: {  	[tilespmem:v18+s13+$0x0] =	vst.idx.msk $0xffff, v57  }
0x194: {  	s17 =	sshll.u32 s17, $0xC;
	[tilespmem:v54+s13+$0x0] =	vst.idx.msk $0xffff, v62  }
0x195: {  	s18 =	sadd.s32 $0x2000, s18;
	s17 =	sadd.s32 s5, s17;
	[tilespmem:v60+s13+$0x0] =	vst.idx.msk $0xffff, v63  }
0x196: {  	[hbm4b:s17+s3] =	stream.linear.scatter [tilespmem:s18], [sflag:$0x1], $0x8000, $0x38;
	[tilespmem:$0x12800] =	vst v63  }
.LBB2_7:
0x197: {  	_ =	swait.ge [sflag:s9], $0x8000  }
.Ltmp7:
0x198: {  	[sflag:s9] =	ssyncset.done $0x0;
	(pc) =	sbr.rel @p0 .LBB2_11-.Ltmp7, $4  }
0x199: {  	[sflag:s9] =	ssyncadd.s32 $0xFFFF8000  }
0x19a: {  	_ =	swait.ge [sflag:s9], $0x8000  }
0x19b: {  	[sflag:s9] =	ssyncset.done $0x0  }
0x19c: {  	[sflag:s9] =	ssyncadd.s32 $0xFFFF8000  }
0x19d: {  	s16 =	simm.s32 $0x0  }
0x19e: {  	[tilespmem:s14], [sflag:$0x2] =	stream.linear.gather [hbm4b:s1+s16], $0x800, $0x38;
	[tilespmem:$0x12800] =	vst v63  }
0x19f: {  	_ =	swait.ge [sflag:s12], $0x800  }
0x1a0: {  	[sflag:s12] =	ssyncset.done $0x0  }
0x1a1: {  	s17 =	simm.s32 $0x0;
	[sflag:s12] =	ssyncadd.s32 $0xFFFFF800  }
0x1a2: {  	v0 =	vld [tilespmem:s17+$0x12000];
	_ =	sdelay $0x3  }
0x1a3: {  	s16 =	simm.s32 $0x2010  }
0x1a4: {  	[tilespmem:s16+$0xFFFFFFF0] =	vst v0  }
0x1a5: {  	v0 =	vld [tilespmem:s17+$0x12010];
	_ =	sdelay $0x4  }
0x1a6: {  	s18 =	simm.s32 $0x20;
	s17 =	simm.s32 $0x100;
	[tilespmem:s16+$0x0] =	vst v0  }
.LBB2_9:
0x1a7: {  	p1 =	sne.s32 s17, $0x1F80;
	v0 =	vld [tilespmem:s18+$0x12000];
	_ =	sdelay $0x3  }
0x1a8: {  	s16 =	sadd.s32 $0x80, s16  }
0x1a9: {  	[tilespmem:s16+$0xFFFFFFF0] =	vst v0  }
0x1aa: {  	v0 =	vld [tilespmem:s18+$0x12010]  }
.Ltmp8:
0x1ab: {  	(pc) =	sbr.rel @p1 .LBB2_9-.Ltmp8, $2  }
0x1ac: {  	_ =	sdelay $0x2  }
0x1ad: {  	s18 =	sshra.s32 s17, $0x2;
	s17 =	sadd.s32 $0x80, s17;
	[tilespmem:s16+$0x0] =	vst v0  }
0x1ae: {  	v0 =	vld [tilespmem:s18+$0x12000];
	_ =	sdelay $0x3  }
0x1af: {  	s16 =	sadd.s32 $0x80, s16  }
0x1b0: {  	[tilespmem:s16+$0xFFFFFFF0] =	vst v0  }
0x1b1: {  	v0 =	vld [tilespmem:s18+$0x12010];
	_ =	sdelay $0x4  }
.Ltmp9:
0x1b2: {  	[tilespmem:s16+$0x0] =	vst v0;
	(pc) =	sbr.rel .LBB2_11-.Ltmp9, $4  }
0x1b3: {  	[hbm4b:s7+s3] =	stream.linear.scatter [tilespmem:s13], [sflag:$0x2], $0x2000, $0x38;
	[tilespmem:$0x12800] =	vst v63  }
0x1b4: {  	_ =	swait.ge [sflag:s12], $0x2000  }
0x1b5: {  	[sflag:s12] =	ssyncset.done $0x0  }
0x1b6: {  	[sflag:s12] =	ssyncadd.s32 $0xFFFFE000  }
.LBB2_12:
0x1b7: {  	_ =	sfence.sel $0x180000  }
0x1b8: {  	[bflag:$0x0] =	sbarrier.arrive $0xFFFF  }
0x1b9: {  	p0 =	sne.s32 s4, $0x0;
	_ =	strace $0x90000047  }
0x1ba: {  	s0 =	sadd.s32 @!p0 $0x100000, s2;
	[bflag:$0x2] =	sbarrier.arrive $0xFFFF  }
0x1bb: {  	[sflag:s0] =	ssyncadd.tile.s32 @!p0 $0x1;
	_ =	shalt  }
.Lfunc_end2:
_tile_overlayer_lowered:
.L_overlay_start_2:
0x1bc: {  	(tag) =	ssettag $0x2  }
0x1bd: {  	s0 =	rddreg [dreg:$0x0];
	s2 =	stileid.u32  }
0x1be: {  	s1 =	rddreg [dreg:$0x1];
	p0 =	sne.s32 s2, $0x0  }
0x1bf: {  	s3 =	rddreg [dreg:$0x2];
	[bflag:$0x3] =	sbarrier.arrive $0xFFFF;
	s2 =	simm.s32 @!p0 $0x1C02  }
0x1c0: {  	[timem:s3], [sflag:s2] =	dma.local @!p0 [hbm:s0], s1  }
0x1c1: {  	s0 =	simm.s32 @!p0 $0x2  }
0x1c2: {  	_ =	swait.ge @!p0 [sflag:s0], s1  }
0x1c3: {  	s1 =	ssub.s32 @!p0 $0x0, s1;
	[sflag:s0] =	ssyncset.done @!p0 $0x0  }
0x1c4: {  	[sflag:s0] =	ssyncadd.s32 @!p0 s1  }
0x1c5: {  	[bflag:$0x3] =	sbarrier.arrive $0xFFFF  }
0x1c6: {  	_ =	shalt  }

// kernel: kernel.9.cloned.1.call-start
scs
__scs_entry_jumppad:
0x0: {  	(pc) =	sbr.rel $0x88, $3  }
0x1: {  	(tag) =	ssettag $0x0;
	lr =	simm.s32 $0x1  }
0x2: {  	[smem:$0x3F93] =	sst lr;
	_ =	strace $0xD0000000  }
0x3: {  	_ = 	snop  }
0x4: {  	_ = 	snop  }
0x5: {  	_ = 	snop  }
0x6: {  	_ = 	snop  }
0x7: {  	_ = 	snop  }
__scs_overlays_trampoline_lowered:
0x8: {  	[smem:$0x3FA2] =	sst s0  }
0x9: {  	[smem:$0x3FA3] =	sst s1  }
0xa: {  	[smem:$0x3FA4] =	sst s2  }
0xb: {  	[smem:$0x3FA5] =	sst s3  }
0xc: {  	[smem:$0x3FA6] =	sst s4  }
0xd: {  	[smem:$0x3FA7] =	sst s5  }
0xe: {  	[smem:$0x3FA8] =	sst s6  }
0xf: {  	[smem:$0x3FA9] =	sst s7  }
0x10: {  	[smem:$0x3FAA] =	sst s8  }
0x11: {  	[smem:$0x3FAB] =	sst s9;
	s0 =	simm.s32 @!p0 $0x0  }
0x12: {  	s1 =	sld [smem:$0x3F91];
	s0 =	simm.s32 @p0 $0x1  }
0x13: {  	[smem:$0x3FAC] =	sst s0;
	s0 =	simm.s32 @!p1 $0x0  }
0x14: {  	s2 =	sld [smem:$0x3F90];
	s0 =	simm.s32 @p1 $0x1  }
0x15: {  	[smem:$0x3FAD] =	sst s0;
	s0 =	simm.s32 @!p2 $0x0  }
0x16: {  	s3 =	sld [smem:$0x3FDB];
	s0 =	simm.s32 @p2 $0x1  }
0x17: {  	s4 =	simm.s32 $0x1BF5;
	[smem:$0x3FAF] =	sst s0  }
0x18: {  	s0 =	sld [smem:$0x3F92];
	_ =	swait.ge [sflag:s4], $0x0  }
0x19: {  	s7 =	sld [smem:$0x3F93]  }
0x1a: {  	s8 =	sadd.s32 $0xFFFFE003, lr  }
0x1b: {  	s9 =	sadd.s32 $0xFFFFFEF7, lr;
	s5 =	simm.s32 $0xFFFFFFFF;
	p2 =	slt.u32 s8, $0xFFFFF086  }
0x1c: {  	p1 =	slt.u32 s9, $0xF7A;
	s5 =	simm.s32 @!p2 $0x0  }
0x1d: {  	s5 =	simm.s32 @p1 $0x1;
	p0 =	seq.s32 s7, s2  }
0x1e: {  	s7 =	smul.u32 @!p0 $0xF7A, s2;
	p2 =	seq.s32 @!p0 s5, $0x0  }
0x1f: {  	s9 =	smul.u32 $0xF7A, s1;
	s8 =	simm.s32 @!p0 $0x1BF5;
	p2 =	por !p2, p0  }
0x20: {  	[sflag:s8] =	ssyncset.s32 @!p0 $0xFFFFF086;
	s6 =	sadd.s32 @!p0 s3, s7;
	s7 =	simm.s32 @!p0 $0x108  }
0x21: {  	s3 =	sadd.s32 s3, s9;
	s6 =	sadd.s32 @!p0 $0x88, s6;
	s7 =	simm.s32 @p2 $0x1082  }
0x22: {  	[simem:s7], [sflag:s8] =	dma.local @!p0 [hbm:s6], $0xF7A  }
0x23: {  	s9 =	sor.u32 $0xD0000000, s2;
	s6 =	simm.s32 $0x108;
	_ =	swait.ge @!p0 [sflag:s8], $0x0  }
0x24: {  	s3 =	sadd.s32 $0x88, s3;
	s6 =	simm.s32 @!p1 $0x1082;
	[sflag:s4] =	ssyncset.s32 $0xFFFFF086  }
0x25: {  	[simem:s6], [sflag:s4] =	dma.local [hbm:s3], $0xF7A  }
0x26: {  	[smem:$0x3F93] =	sst s1;
	(tag) =	ssettag s2;
	_ =	strace s9  }
0x27: {  	s1 =	sld [smem:$0x3FA3]  }
0x28: {  	s2 =	sld [smem:$0x3FA4]  }
0x29: {  	s4 =	sld [smem:$0x3FA6]  }
0x2a: {  	p0 =	seq.s32 s5, $0x0;
	s5 =	sld [smem:$0x3FA7]  }
0x2b: {  	s6 =	sld [smem:$0x3FA8]  }
0x2c: {  	s7 =	sld [smem:$0x3FA9]  }
0x2d: {  	s3 =	simm.s32 $0x108;
	s8 =	sld [smem:$0x3FAA]  }
0x2e: {  	s3 =	simm.s32 @!p0 $0x1082;
	s9 =	sld [smem:$0x3FAB]  }
0x2f: {  	lr =	sadd.s32 s0, s3;
	s0 =	sld [smem:$0x3FA2]  }
0x30: {  	s3 =	sld [smem:$0x3FA5]  }
0x31: {  	[smem:$0x3FAE] =	sst s10  }
0x32: {  	s10 =	sld [smem:$0x3FAC];
	_ =	sdelay $0x3  }
0x33: {  	p0 =	seq.s32 s10, $0x1;
	s10 =	sld [smem:$0x3FAE];
	_ =	sdelay $0x3  }
0x34: {  	[smem:$0x3FAE] =	sst s10  }
0x35: {  	s10 =	sld [smem:$0x3FAD];
	_ =	sdelay $0x3  }
0x36: {  	p1 =	seq.s32 s10, $0x1;
	s10 =	sld [smem:$0x3FAE];
	_ =	sdelay $0x3  }
0x37: {  	[smem:$0x3FAE] =	sst s10  }
0x38: {  	s10 =	sld [smem:$0x3FAF]  }
0x39: {  	_ = 	snop;
	(pc) =	sbr.ind lr, $3  }
0x3a: {  	_ = 	snop  }
0x3b: {  	_ = 	snop  }
0x3c: {  	p2 =	seq.s32 s10, $0x1;
	s10 =	sld [smem:$0x3FAE]  }
0x3d: {  	_ =	shalt  }
0x3e: {  	_ =	shalt  }
0x3f: {  	_ =	shalt  }
0x40: {  	_ =	shalt  }
0x41: {  	_ =	shalt  }
0x42: {  	_ =	shalt  }
0x43: {  	_ =	shalt  }
0x44: {  	_ =	shalt  }
0x45: {  	_ =	shalt  }
0x46: {  	_ =	shalt  }
0x47: {  	_ =	shalt  }
0x48: {  	_ =	shalt  }
0x49: {  	_ =	shalt  }
0x4a: {  	_ =	shalt  }
0x4b: {  	_ =	shalt  }
0x4c: {  	_ =	shalt  }
0x4d: {  	_ =	shalt  }
0x4e: {  	_ =	shalt  }
0x4f: {  	_ =	shalt  }
0x50: {  	_ =	shalt  }
0x51: {  	_ =	shalt  }
0x52: {  	_ =	shalt  }
0x53: {  	_ =	shalt  }
0x54: {  	_ =	shalt  }
0x55: {  	_ =	shalt  }
0x56: {  	_ =	shalt  }
0x57: {  	_ =	shalt  }
0x58: {  	_ =	shalt  }
0x59: {  	_ =	shalt  }
0x5a: {  	_ =	shalt  }
0x5b: {  	_ =	shalt  }
0x5c: {  	_ =	shalt  }
0x5d: {  	_ =	shalt  }
0x5e: {  	_ =	shalt  }
0x5f: {  	_ =	shalt  }
0x60: {  	_ =	shalt  }
0x61: {  	_ =	shalt  }
0x62: {  	_ =	shalt  }
0x63: {  	_ =	shalt  }
0x64: {  	_ =	shalt  }
0x65: {  	_ =	shalt  }
0x66: {  	_ =	shalt  }
0x67: {  	_ =	shalt  }
0x68: {  	_ =	shalt  }
0x69: {  	_ =	shalt  }
0x6a: {  	_ =	shalt  }
0x6b: {  	_ =	shalt  }
0x6c: {  	_ =	shalt  }
0x6d: {  	_ =	shalt  }
0x6e: {  	_ =	shalt  }
0x6f: {  	_ =	shalt  }
0x70: {  	_ =	shalt  }
0x71: {  	_ =	shalt  }
0x72: {  	_ =	shalt  }
0x73: {  	_ =	shalt  }
0x74: {  	_ =	shalt  }
0x75: {  	_ =	shalt  }
0x76: {  	_ =	shalt  }
0x77: {  	_ =	shalt  }
0x78: {  	_ =	shalt  }
0x79: {  	_ =	shalt  }
0x7a: {  	_ =	shalt  }
0x7b: {  	_ =	shalt  }
0x7c: {  	_ =	shalt  }
0x7d: {  	_ =	shalt  }
0x7e: {  	_ =	shalt  }
0x7f: {  	_ =	shalt  }
0x80: {  	_ =	shalt  }
0x81: {  	_ =	shalt  }
0x82: {  	_ =	shalt  }
0x83: {  	_ =	shalt  }
0x84: {  	_ =	shalt  }
0x85: {  	_ =	shalt  }
0x86: {  	_ =	shalt  }
0x87: {  	_ =	shalt  }
.Lfunc_end0:
.L_simem_size_0:
called_computation.2_lowered:
.L_overlay_start_0:
0x88: {  	s2 =	sld [smem:$0x3FD9]  }
0x89: {  	s3 =	sld [smem:$0x3FFE];
	_ =	sdelay $0x1  }
0x8a: {  	s1 =	srdreg.scid  }
0x8b: {  	s0 =	sand.u32 $0x1, s1  }
0x8c: {  	s17 =	sshll.u32 s0, $0xA;
	s2 =	sadd.s32 s3, s2  }
0x8d: {  	s2 =	sadd.s32 s2, s17  }
0x8e: {  	[smem:$0x3FBA] =	sst s2  }
0x8f: {  	_ = 	snop  }
0x90: {  	s2 =	sld [smem:$0x3FD0];
	(tm) =	ssettm $0x1  }
0x91: {  	s18 =	sld [smem:$0x3FFB];
	_ =	sdelay $0x3  }
0x92: {  	_ =	strace s18  }
0x93: {  	s3 =	sld [smem:$0x3FFC];
	_ =	sdelay $0x3  }
0x94: {  	_ =	strace s3  }
0x95: {  	s3 =	sld [smem:$0x3FFD];
	_ =	sdelay $0x3  }
0x96: {  	_ =	strace s3  }
0x97: {  	_ =	strace $0x8FFFFFFF  }
0x98: {  	s19 =	sld [smem:$0x3FDB];
	_ =	sdelay $0x1  }
0x99: {  	s4 =	simm.s32 $_scs_section_size  }
0x9a: {  	s5 =	simm.s32 $_size__tile_overlayer_lowered;
	s6 =	simm.s32 $_tile_overlayer_lowered  }
0x9b: {  	s22 =	simm.s32 $0x1BFF;
	s21 =	sshll.u32 s6, $0x1;
	s3 =	sadd.s32 s4, s19  }
0x9c: {  	s7 =	simm.s32 $0x0;
	s20 =	sshll.u32 s5, $0x1;
	s5 =	sadd.s32 s21, s3  }
0x9d: {  	[timem:s7], [sflag:s22] =	dma.local [hbm:s5], s20  }
0x9e: {  	_ =	swait.ge [sflag:s22], s20  }
0x9f: {  	s4 =	ssub.s32 $0x0, s20;
	[sflag:s22] =	ssyncset.done $0x0  }
0xa0: {  	[sflag:s22] =	ssyncadd.s32 s4;
	_ =	sdelay $0x1  }
0xa1: {  	s23 =	simm.s32 $0x1B8B  }
0xa2: {  	_ =	swait.ge [sflag:s23], $0x1  }
0xa3: {  	[sflag:s23] =	ssyncset.done $0x0  }
0xa4: {  	s25 =	simm.s32 $0x1B8E;
	s24 =	sld [smem:$0x3FFE];
	[sflag:s23] =	ssyncadd.s32 $0xFFFFFFFF  }
0xa5: {  	s26 =	simm.s32 $execute0_lowered;
	[smem:$0x3FD2] =	sst s25  }
0xa6: {  	s5 =	sshll.u32 s26, $0x1;
	_ =	strace $0x80000049;
	[dreg:$0x1] =	wrdreg $0xFFFFFFFF  }
0xa7: {  	s28 =	simm.s32 $_size_execute0_lowered;
	s3 =	sadd.s32 s3, s5;
	[dreg:$0x0] =	wrdreg $0x0  }
0xa8: {  	s5 =	sshll.u32 s28, $0x1;
	[dreg:$0x2] =	wrdreg s3  }
0xa9: {  	[dreg:$0x3] =	wrdreg s5  }
0xaa: {  	[dreg:$0x4] =	wrdreg $0xC0  }
0xab: {  	_ =	task [dreg:s7], $0x5FFFF  }
0xac: {  	[dreg:$0x1] =	wrdreg $0xFFFFFFFF  }
0xad: {  	[dreg:$0x0] =	wrdreg $0x60  }
0xae: {  	[dreg:$0x2] =	wrdreg s24  }
0xaf: {  	[dreg:$0x3] =	wrdreg s2  }
0xb0: {  	[dreg:$0x4] =	wrdreg $0x152000  }
0xb1: {  	[dreg:$0x5] =	wrdreg $0x9  }
0xb2: {  	_ =	task.clear_ibuf [dreg:s7], $0x6FFFF;
	_ =	strace $0x90000049  }
0xb3: {  	s29 =	simm.s32 $0x9;
	_ =	strace $0x8000004B  }
0xb4: {  	_ =	swait.ge [sflag:s29], $0x1  }
0xb5: {  	[sflag:s29] =	ssyncadd.s32 $0xFFFFFFFF  }
0xb6: {  	_ =	strace $0x9000004B  }
0xb7: {  	_ =	sfence  }
0xb8: {  	s30 =	sld [smem:$0x0];
	_ =	sdelay $0x2  }
0xb9: {  	s31 =	sshll.u32 s1, $0xD;
	s1 =	sshrl.u32 s1, $0x2  }
0xba: {  	s3 =	sand.u32 $0x4000, s31;
	s1 =	sadd.s32 s1, s30  }
0xbb: {  	s0 =	sor.u32 s3, s0;
	s1 =	sshll.u32 s1, $0x11  }
0xbc: {  	s0 =	sor.u32 s1, s0  }
0xbd: {  	s0 =	sadd.s32 $0x8F2B, s0  }
0xbe: {  	[sflag:s0] =	ssyncadd.remote.s32 $0x1  }
0xbf: {  	_ =	sfence.sel $0xFFFF  }
0xc0: {  	[dreg:$0x0] =	wrdreg $0xFFFFFFFF;
	(pc) =	sbr.abs _section_cstart, $3  }
0xc1: {  	[dreg:$0x1] =	wrdreg $0xFFFFFFFF  }
0xc2: {  	_ =	task.clear_ibuf [dreg:s7], $0x2FFFF;
	_ =	strace $0x9FFFFFFF  }
0xc3: {  	(tm) =	ssettm $0x7FFFFFFF  }
tec
execute0_lowered:
.L_overlay_start_1:
0x0: {  	(tag) =	ssettag $0x1  }
0x1: {  	s0 =	rddreg [dreg:$0x0]  }
0x2: {  	s1 =	rddreg [dreg:$0x1]  }
0x3: {  	s2 =	rddreg [dreg:$0x2]  }
0x4: {  	s4 =	srdreg.scid;
	s9 =	stileid.u32;
	s3 =	simm.s32 $0x0  }
0x5: {  	s21 =	simm.s32 $0x2;
	s22 =	simm.s32 $0x200;
	s28 =	simm.s32 $0x14A00  }
0x6: {  	s29 =	simm.s32 $0x0;
	s5 =	sand.u32 $0x1, s4;
	s23 =	sshll.u32 s9, $0x1  }
0x7: {  	[smem:$0x7FF] =	sst s3;
	s4 =	sadd.s32 $0x3000, s0;
	s26 =	sshll.u32 s9, $0x9  }
0x8: {  	s30 =	sshll.u32 s9, $0xE;
	s9 =	sshll.u32 s9, $0x6;
	s7 =	sor.u32 s5, s23  }
0x9: {  	_ =	strace $0x8000004A;
	s8 =	ssub.s32 $0x2, s5;
	s5 =	sadd.s32 $0xF56400, s0  }
0xa: {  	[dreg:$0x4] =	wrdreg s26;
	s9 =	sor.u32 $0x1C02, s9;
	s23 =	simm.s32 $0x1  }
0xb: {  	s6 =	sshll.u32 s7, $0x6;
	s24 =	sshll.u32 s7, $0xA;
	s25 =	sshrl.u32 s8, $0x1  }
0xc: {  	s7 =	sshll.u32 s7, $0xB;
	s11 =	sadd.s32 s6, s0;
	s16 =	sadd.s32 s24, s0  }
0xd: {  	s0 =	sadd.s32 $0xF56C00, s0;
	s19 =	ssub.s32 s8, s25;
	s6 =	sor.u32 $0x2000, s26  }
0xe: {  	s8 =	sadd.s32 s30, s2;
	s31 =	sor.u32 $0x10000, s7;
	s24 =	simm.s32 $0x4200  }
0xf: {  	s25 =	simm.s32 $0x800;
	s26 =	simm.s32 $0x4A00;
	s10 =	sshll.u32 s6, $0x5  }
0x10: {  	s12 =	sadd.s32 $0xF55400, s11;
	s13 =	sadd.s32 $0xF55C00, s11;
	s14 =	sadd.s32 s1, s31  }
0x11: {  	s15 =	sadd.s32 $0xF45400, s16;
	s16 =	sadd.s32 $0xF4D400, s16;
	s17 =	sadd.s32 s0, s7  }
0x12: {  	s18 =	sadd.s32 s0, s31;
	s19 =	smax.u32 s19, $0x1;
	s20 =	sshrl.u32 s8, $0x3  }
0x13: {  	s10 =	sadd.s32 s10, s2;
	[dreg:$0x5] =	wrdreg s12;
	s12 =	sadd.s32 s1, s7  }
.LBB2_1:
0x14: {  	[spmem:s20], [sflag:s9] =	dma.local [hbm:s5], $0x800  }
0x15: {  	_ =	swait.ge [sflag:s21], $0x800  }
0x16: {  	[sflag:s21] =	ssyncset.done $0x0  }
0x17: {  	s0 =	sshrl.u32 s10, $0x3;
	[sflag:s21] =	ssyncadd.s32 $0xFFFFF800  }
0x18: {  	[spmem:s0], [sflag:s9] =	dma.local [hbm:s5], $0x800  }
0x19: {  	_ =	swait.ge [sflag:s21], $0x800  }
0x1a: {  	[sflag:s21] =	ssyncset.done $0x0  }
0x1b: {  	s30 =	rddreg [dreg:$0x5];
	[sflag:s21] =	ssyncadd.s32 $0xFFFFF800  }
0x1c: {  	[tilespmem:s3], [sflag:$0x2] =	stream.linear.gather [hbm4b:s30+s3], $0x200, $0x38;
	[tilespmem:$0x1D200] =	vst v63  }
0x1d: {  	_ =	swait.ge [sflag:s21], $0x200  }
0x1e: {  	[sflag:s21] =	ssyncset.done $0x0  }
0x1f: {  	[sflag:s21] =	ssyncadd.s32 $0xFFFFFE00  }
0x20: {  	[tilespmem:s22], [sflag:$0x1] =	stream.indirect.gather [hbm4b:s4+s22], $0x20, s3, s22, $0xb8;
	[tilespmem:$0x1D200] =	vst v63  }
0x21: {  	_ =	swait.ge [sflag:s23], $0x4000  }
0x22: {  	[sflag:s23] =	ssyncset.done $0x0  }
0x23: {  	[sflag:s23] =	ssyncadd.s32 $0xFFFFC000  }
0x24: {  	[hbm4b:s12+s3] =	stream.linear.scatter [tilespmem:s22], [sflag:$0x2], $0x4000, $0x38;
	[tilespmem:$0x1D200] =	vst v63  }
0x25: {  	_ =	swait.ge [sflag:s21], $0x4000  }
0x26: {  	[sflag:s21] =	ssyncset.done $0x0  }
0x27: {  	[sflag:s21] =	ssyncadd.s32 $0xFFFFC000  }
0x28: {  	[tilespmem:s3], [sflag:$0x2] =	stream.linear.gather [hbm4b:s13+s3], $0x200, $0x38;
	[tilespmem:$0x1D200] =	vst v63  }
0x29: {  	_ =	swait.ge [sflag:s21], $0x200  }
0x2a: {  	[sflag:s21] =	ssyncset.done $0x0  }
0x2b: {  	[sflag:s21] =	ssyncadd.s32 $0xFFFFFE00  }
0x2c: {  	[tilespmem:s22], [sflag:$0x1] =	stream.indirect.gather [hbm4b:s4+s22], $0x20, s3, s22, $0xb8;
	[tilespmem:$0x1D200] =	vst v63  }
0x2d: {  	_ =	swait.ge [sflag:s23], $0x4000  }
0x2e: {  	[sflag:s23] =	ssyncset.done $0x0  }
0x2f: {  	[sflag:s23] =	ssyncadd.s32 $0xFFFFC000  }
0x30: {  	[hbm4b:s14+s3] =	stream.linear.scatter [tilespmem:s22], [sflag:$0x2], $0x4000, $0x38;
	[tilespmem:$0x1D200] =	vst v63  }
0x31: {  	_ =	swait.ge [sflag:s21], $0x4000  }
0x32: {  	[sflag:s21] =	ssyncset.done $0x0  }
0x33: {  	s0 =	simm.s32 $0x0;
	s31 =	rddreg [dreg:$0x4];
	[sflag:s21] =	ssyncadd.s32 $0xFFFFC000  }
.LBB2_2:
0x34: {  	s1 =	sshll.u32 s0, $0x8  }
0x35: {  	s7 =	simm.s32 $0x0;
	s1 =	sadd.s32 s1, s15  }
0x36: {  	[tilespmem:s24], [sflag:$0x2] =	stream.linear.gather [hbm4b:s1+s7], $0x800, $0x38;
	[tilespmem:$0x1D200] =	vst v63  }
0x37: {  	_ =	swait.ge [sflag:s21], $0x800  }
0x38: {  	s30 =	simm.s32 $0x40;
	[sflag:s21] =	ssyncset.done $0x0  }
0x39: {  	v0 =	vmov s31;
	s7 =	simm.s32 $0x0;
	s1 =	smov.u32 s31;
	[sflag:s21] =	ssyncadd.s32 $0xFFFFF800  }
.LBB2_3:
0x3a: {  	p0 =	sne.s32 s30, $0x1FC0  }
0x3b: {  	[tilespmem:s7+$0x14A00] =	vst v0;
	s1 =	sadd.s32 $0x1, s1;
	s7 =	smov.u32 s30;
	s30 =	sadd.s32 $0x40, s30  }
.Ltmp0:
0x3c: {  	(pc) =	sbr.rel @p0 .LBB2_3-.Ltmp0, $2  }
0x3d: {  	_ =	sdelay $0x2  }
0x3e: {  	v0 =	vmov s1;
	s7 =	sshra.s32 s7, $0x2  }
0x3f: {  	[tilespmem:s7+$0x14A00] =	vst v0  }
0x40: {  	[tilespmem:s26], [sflag:$0x1] =	stream.indirect.gather [hbm4b:s4+s25], $0x20, s24, s25, $0xb8;
	[tilespmem:$0x1D200] =	vst v63  }
0x41: {  	s0 =	sadd.s32 $0x1, s0;
	_ =	swait.ge [sflag:s23], $0x10000  }
0x42: {  	p0 =	sne.s32 s0, $0x4;
	[sflag:s23] =	ssyncset.done $0x0  }
.Ltmp1:
0x43: {  	[sflag:s23] =	ssyncadd.s32 $0xFFFF0000;
	(pc) =	sbr.rel @p0 .LBB2_2-.Ltmp1, $4  }
0x44: {  	[spmem:s2] =	stream.indirect.scatter.add.f32 [tilespmem:s26], [sflag:$0x2], $0x20, s28, s25, $0xb8;
	[tilespmem:$0x1D200] =	vst v63  }
0x45: {  	_ =	swait.ge [sflag:s21], $0x10000  }
0x46: {  	[sflag:s21] =	ssyncset.done $0x0  }
0x47: {  	s31 =	sadd.s32 $0x80, s31;
	s30 =	simm.s32 $0x0;
	[sflag:s21] =	ssyncadd.s32 $0xFFFF0000  }
0x48: {  	s7 =	smov.u32 s6;
	s31 =	simm.s32 $0x0  }
.LBB2_6:
0x49: {  	s0 =	sshll.u32 s31, $0x8  }
0x4a: {  	s0 =	sadd.s32 s0, s16  }
0x4b: {  	[tilespmem:s24], [sflag:$0x2] =	stream.linear.gather [hbm4b:s0+s30], $0x800, $0x38;
	[tilespmem:$0x1D200] =	vst v63  }
0x4c: {  	_ =	swait.ge [sflag:s21], $0x800  }
0x4d: {  	s1 =	simm.s32 $0x40;
	[sflag:s21] =	ssyncset.done $0x0  }
0x4e: {  	v0 =	vmov s7;
	s11 =	simm.s32 $0x0;
	s0 =	smov.u32 s7;
	[sflag:s21] =	ssyncadd.s32 $0xFFFFF800  }
.LBB2_7:
0x4f: {  	p0 =	sne.s32 s1, $0x1FC0  }
0x50: {  	[tilespmem:s11+$0x14A00] =	vst v0;
	s0 =	sadd.s32 $0x1, s0;
	s11 =	smov.u32 s1;
	s1 =	sadd.s32 $0x40, s1  }
.Ltmp2:
0x51: {  	(pc) =	sbr.rel @p0 .LBB2_7-.Ltmp2, $2  }
0x52: {  	_ =	sdelay $0x2  }
0x53: {  	v0 =	vmov s0;
	s11 =	sshra.s32 s11, $0x2  }
0x54: {  	[tilespmem:s11+$0x14A00] =	vst v0  }
0x55: {  	[tilespmem:s26], [sflag:$0x1] =	stream.indirect.gather [hbm4b:s4+s25], $0x20, s24, s25, $0xb8;
	[tilespmem:$0x1D200] =	vst v63  }
0x56: {  	s31 =	sadd.s32 $0x1, s31;
	_ =	swait.ge [sflag:s23], $0x10000  }
0x57: {  	p0 =	sne.s32 s31, $0x4;
	[sflag:s23] =	ssyncset.done $0x0  }
.Ltmp3:
0x58: {  	[sflag:s23] =	ssyncadd.s32 $0xFFFF0000;
	(pc) =	sbr.rel @p0 .LBB2_6-.Ltmp3, $4  }
0x59: {  	[spmem:s2] =	stream.indirect.scatter.add.f32 [tilespmem:s26], [sflag:$0x2], $0x20, s28, s25, $0xb8;
	[tilespmem:$0x1D200] =	vst v63  }
0x5a: {  	_ =	swait.ge [sflag:s21], $0x10000  }
0x5b: {  	[sflag:s21] =	ssyncset.done $0x0  }
0x5c: {  	s7 =	sadd.s32 $0x80, s7;
	[sflag:s21] =	ssyncadd.s32 $0xFFFF0000  }
0x5d: {  	[tilespmem:s22], [sflag:$0x2] =	stream.linear.gather [spmem:s8], $0x4000, $0x38;
	[tilespmem:$0x1D200] =	vst v63  }
0x5e: {  	_ =	swait.ge [sflag:s21], $0x4000  }
0x5f: {  	[sflag:s21] =	ssyncset.done $0x0  }
0x60: {  	[sflag:s21] =	ssyncadd.s32 $0xFFFFC000  }
0x61: {  	[hbm4b:s17+s3] =	stream.linear.scatter [tilespmem:s22], [sflag:$0x2], $0x4000, $0x38;
	[tilespmem:$0x1D200] =	vst v63  }
0x62: {  	_ =	swait.ge [sflag:s21], $0x4000  }
0x63: {  	[sflag:s21] =	ssyncset.done $0x0  }
0x64: {  	[sflag:s21] =	ssyncadd.s32 $0xFFFFC000  }
0x65: {  	[tilespmem:s22], [sflag:$0x2] =	stream.linear.gather [spmem:s10], $0x4000, $0x38;
	[tilespmem:$0x1D200] =	vst v63  }
0x66: {  	s29 =	sadd.s32 $0x1, s29;
	_ =	swait.ge [sflag:s21], $0x4000  }
0x67: {  	p0 =	sne.s32 s29, s19;
	[sflag:s21] =	ssyncset.done $0x0  }
.Ltmp4:
0x68: {  	[sflag:s21] =	ssyncadd.s32 $0xFFFFC000;
	(pc) =	sbr.rel @p0 .LBB2_1-.Ltmp4, $4  }
0x69: {  	[hbm4b:s18+s3] =	stream.linear.scatter [tilespmem:s22], [sflag:$0x2], $0x4000, $0x38;
	[tilespmem:$0x1D200] =	vst v63  }
0x6a: {  	_ =	swait.ge [sflag:s21], $0x4000  }
0x6b: {  	[sflag:s21] =	ssyncset.done $0x0  }
0x6c: {  	[sflag:s21] =	ssyncadd.s32 $0xFFFFC000  }
0x6d: {  	_ =	sfence.sel $0x180000  }
0x6e: {  	[bflag:$0x0] =	sbarrier.arrive $0xFFFF  }
0x6f: {  	_ =	strace $0x9000004A  }
0x70: {  	s0 =	stileid.u32;
	[bflag:$0x2] =	sbarrier.arrive $0xFFFF  }
0x71: {  	p0 =	sne.s32 s0, $0x0;
	s0 =	rddreg [dreg:$0x3]  }
0x72: {  	s0 =	sadd.s32 @!p0 $0x100000, s0  }
0x73: {  	[sflag:s0] =	ssyncadd.tile.s32 @!p0 $0x1;
	_ =	shalt  }
.Lfunc_end2:
_tile_overlayer_lowered:
.L_overlay_start_2:
0x74: {  	(tag) =	ssettag $0x2  }
0x75: {  	s0 =	rddreg [dreg:$0x0];
	s2 =	stileid.u32  }
0x76: {  	s1 =	rddreg [dreg:$0x1];
	p0 =	sne.s32 s2, $0x0  }
0x77: {  	s3 =	rddreg [dreg:$0x2];
	[bflag:$0x3] =	sbarrier.arrive $0xFFFF;
	s2 =	simm.s32 @!p0 $0x1C02  }
0x78: {  	[timem:s3], [sflag:s2] =	dma.local @!p0 [hbm:s0], s1  }
0x79: {  	s0 =	simm.s32 @!p0 $0x2  }
0x7a: {  	_ =	swait.ge @!p0 [sflag:s0], s1  }
0x7b: {  	s1 =	ssub.s32 @!p0 $0x0, s1;
	[sflag:s0] =	ssyncset.done @!p0 $0x0  }
0x7c: {  	[sflag:s0] =	ssyncadd.s32 @!p0 s1  }
0x7d: {  	[bflag:$0x3] =	sbarrier.arrive $0xFFFF  }
0x7e: {  	_ =	shalt  }

// kernel: sparse-core-data-format-call.cloned.1.call-start
scs
called_computation_lowered:
.L_overlay_start_0:
0x0: {  	s2 =	sld [smem:$0x3FD9]  }
0x1: {  	s3 =	sld [smem:$0x3FFE];
	_ =	sdelay $0x1  }
0x2: {  	s1 =	srdreg.scid  }
0x3: {  	s0 =	sand.u32 $0x1, s1  }
0x4: {  	s18 =	sshll.u32 s0, $0xA;
	s2 =	sadd.s32 s3, s2  }
0x5: {  	s2 =	sadd.s32 s2, s18  }
0x6: {  	[smem:$0x3FBA] =	sst s2  }
0x7: {  	_ = 	snop  }
0x8: {  	s2 =	sld [smem:$0x3FD0];
	(tm) =	ssettm $0x1  }
0x9: {  	s19 =	sld [smem:$0x3FFB];
	_ =	sdelay $0x3  }
0xa: {  	_ =	strace s19  }
0xb: {  	s3 =	sld [smem:$0x3FFC];
	_ =	sdelay $0x3  }
0xc: {  	_ =	strace s3  }
0xd: {  	s3 =	sld [smem:$0x3FFD];
	_ =	sdelay $0x3  }
0xe: {  	_ =	strace s3  }
0xf: {  	_ =	strace $0x8FFFFFFF  }
0x10: {  	s20 =	sld [smem:$0x3FDB];
	_ =	sdelay $0x1  }
0x11: {  	s4 =	simm.s32 $_scs_section_size  }
0x12: {  	s5 =	simm.s32 $_size__tile_overlayer_lowered;
	s6 =	simm.s32 $_tile_overlayer_lowered  }
0x13: {  	s23 =	simm.s32 $0x1BFF;
	s22 =	sshll.u32 s6, $0x1;
	s3 =	sadd.s32 s4, s20  }
0x14: {  	s7 =	simm.s32 $0x0;
	s21 =	sshll.u32 s5, $0x1;
	s5 =	sadd.s32 s22, s3  }
0x15: {  	[timem:s7], [sflag:s23] =	dma.local [hbm:s5], s21  }
0x16: {  	_ =	swait.ge [sflag:s23], s21  }
0x17: {  	s4 =	ssub.s32 $0x0, s21;
	[sflag:s23] =	ssyncset.done $0x0  }
0x18: {  	[sflag:s23] =	ssyncadd.s32 s4;
	_ =	sdelay $0x1  }
0x19: {  	s24 =	simm.s32 $0x1B8B  }
0x1a: {  	_ =	swait.ge [sflag:s24], $0x1  }
0x1b: {  	[sflag:s24] =	ssyncset.done $0x0  }
0x1c: {  	s26 =	simm.s32 $0x1B8E;
	s25 =	sld [smem:$0x3FFE];
	[sflag:s24] =	ssyncadd.s32 $0xFFFFFFFF  }
0x1d: {  	s27 =	simm.s32 $execute0_lowered;
	[smem:$0x3FD2] =	sst s26  }
0x1e: {  	s5 =	sshll.u32 s27, $0x1;
	_ =	strace $0x8000004F;
	[dreg:$0x1] =	wrdreg $0xFFFFFFFF  }
0x1f: {  	s28 =	simm.s32 $_size_execute0_lowered;
	s3 =	sadd.s32 s3, s5;
	[dreg:$0x0] =	wrdreg $0x0  }
0x20: {  	s5 =	sshll.u32 s28, $0x1;
	[dreg:$0x2] =	wrdreg s3  }
0x21: {  	[dreg:$0x3] =	wrdreg s5  }
0x22: {  	[dreg:$0x4] =	wrdreg $0xC0  }
0x23: {  	_ =	task [dreg:s7], $0x5FFFF  }
0x24: {  	[dreg:$0x1] =	wrdreg $0xFFFFFFFF  }
0x25: {  	[dreg:$0x0] =	wrdreg $0x60  }
0x26: {  	[dreg:$0x2] =	wrdreg s25  }
0x27: {  	[dreg:$0x3] =	wrdreg s2  }
0x28: {  	[dreg:$0x4] =	wrdreg $0x9  }
0x29: {  	_ =	task.clear_ibuf [dreg:s7], $0x5FFFF;
	_ =	strace $0x9000004F  }
0x2a: {  	s29 =	simm.s32 $0x9;
	_ =	strace $0x80000051  }
0x2b: {  	_ =	swait.ge [sflag:s29], $0x1  }
0x2c: {  	[sflag:s29] =	ssyncadd.s32 $0xFFFFFFFF  }
0x2d: {  	_ =	strace $0x90000051  }
0x2e: {  	_ =	sfence  }
0x2f: {  	s30 =	sld [smem:$0x0];
	_ =	sdelay $0x2  }
0x30: {  	s31 =	sshll.u32 s1, $0xD;
	s1 =	sshrl.u32 s1, $0x2  }
0x31: {  	s3 =	sand.u32 $0x4000, s31;
	s1 =	sadd.s32 s1, s30  }
0x32: {  	s0 =	sor.u32 s3, s0;
	s1 =	sshll.u32 s1, $0x11  }
0x33: {  	s0 =	sor.u32 s1, s0  }
0x34: {  	s0 =	sadd.s32 $0x8F2B, s0  }
0x35: {  	[sflag:s0] =	ssyncadd.remote.s32 $0x1  }
0x36: {  	_ =	sfence.sel $0xFFFF  }
0x37: {  	[dreg:$0x0] =	wrdreg $0xFFFFFFFF;
	(pc) =	sbr.abs _section_cstart, $3  }
0x38: {  	[dreg:$0x1] =	wrdreg $0xFFFFFFFF  }
0x39: {  	_ =	task.clear_ibuf [dreg:s7], $0x2FFFF;
	_ =	strace $0x9FFFFFFF  }
0x3a: {  	(tm) =	ssettm $0x7FFFFFFF  }
0x3b: {  	_ =	shalt  }
tec
execute0_lowered:
.L_overlay_start_1:
0x0: {  	(tag) =	ssettag $0x1  }
0x1: {  	s4 =	rddreg [dreg:$0x0]  }
0x2: {  	s0 =	srdreg.scid;
	s2 =	rddreg [dreg:$0x1]  }
0x3: {  	s1 =	stileid.u32;
	s5 =	simm.s32 $0x1;
	s0 =	sshll.u32 s0, $0x4  }
0x4: {  	s7 =	simm.s32 $0x2;
	s11 =	simm.s32 $0x0;
	s3 =	sand.u32 $0x10, s0  }
.Ltmp0:
0x5: {  	p0 =	por $0x0, $0x0;
	s3 =	sor.u32 s1, s3;
	(pc) =	sbr.rel .LBB1_1-.Ltmp0, $4  }
0x6: {  	s8 =	simm.s32 $0x7A1400;
	s10 =	simm.s32 $0x0;
	s3 =	sshll.u32 s3, $0x7  }
0x7: {  	s0 =	rddreg [dreg:$0x2];
	_ =	strace $0x80000050;
	s6 =	ssub.s32 $0xF4200, s3  }
0x8: {  	s4 =	sadd.s32 $0x3000, s4;
	[sflag:s5] =	ssyncpa.u1 $0x0;
	s6 =	sshrl.u32 s6, $0xC  }
0x9: {  	[sflag:s7] =	ssyncpa.u1 $0x0;
	s9 =	smov.u32 s3;
	s7 =	sadd.s32 $0x2, s6  }
.LBB1_5:
0xa: {  	s13 =	sadd.s32 $0x1000, s9  }
0xb: {  	p2 =	sgt.s32 s13, $0xF423F  }
0xc: {  	s13 =	smov.u32 @p2 s3;
	p2 =	sne.s32 s10, s7  }
.Ltmp1:
0xd: {  	p1 =	slt.u32 s10, $0x2;
	(pc) =	sbr.rel @!p2 .LBB1_6-.Ltmp1, $4  }
0xe: {  	s12 =	simm.s32 @!p1 $0x2  }
0xf: {  	s14 =	sadd.s32 $0x1, s10;
	_ =	swait.ge @!p1 [sflag:s12], $0x1000  }
0x10: {  	s11 =	smov.u32 s9;
	p0 =	por !p0, !p0;
	[sflag:s12] =	ssyncset.done @!p1 $0x0  }
0x11: {  	s10 =	smov.u32 s14;
	s9 =	smov.u32 s13;
	[sflag:s12] =	ssyncadd.s32 @!p1 $0xFFFFF000  }
.LBB1_1:
0x12: {  	p1 =	sgt.u32 s10, s6  }
0x13: {  	s13 =	smov.u32 s9;
	p2 =	sgt.s32 @!p1 s9, $0xF41C0  }
0x14: {  	s12 =	sand.u32 @!p1 $0x1FFFFFF, s9;
	s14 =	sshra.s32 @!p1 s9, $0x1F;
	p2 =	por !p2, p1  }
0x15: {  	s15 =	smulhi.u32 @!p1 $0x218DEF5, s12;
	s14 =	sand.u32 @!p1 s14, s9;
	s13 =	simm.s32 @p2 $0xF41C0  }
0x16: {  	s13 =	ssub.s32 @!p1 s13, s14  }
0x17: {  	s14 =	sshrl.u32 @!p1 s15, $0xD;
	s13 =	sadd.s32 @!p1 $0xFFF0BE40, s13  }
0x18: {  	s15 =	sxor.u32 @!p1 $0xFFFFFFFF, s10;
	s14 =	smul.u32 @!p1 $0xF4240, s14;
	s16 =	sshll.u32 @!p1 s13, $0x7  }
0x19: {  	s15 =	sshll.u32 @!p1 s15, $0xC;
	p2 =	sgt.s32 @!p1 s13, $0x7F;
	s13 =	ssub.s32 @!p1 $0x4000, s16  }
0x1a: {  	s12 =	ssub.s32 @!p1 s12, s14;
	p2 =	por !p2, p1;
	s14 =	sand.u32 @!p1 $0x1000, s15  }
0x1b: {  	s15 =	simm.s32 @!p1 $0x20;
	s13 =	sshrl.u32 @!p1 s13, $0x2;
	s12 =	sshll.u32 @!p1 s12, $0x4  }
0x1c: {  	s16 =	simm.s32 @!p1 $0x80;
	s13 =	simm.s32 @!p2 $0x0;
	s12 =	sadd.s32 @!p1 s4, s12  }
0x1d: {  	[tilespmem:s14], [sflag:$0x1] =	stream.strided.gather @!p1 [hbm4b:s12+s15], s13, s16, s15, $0x38;
	[tilespmem:$0x4040] =	vst v63  }
0x1e: {  	p1 =	seq.s32 s10, $0x0  }
0x1f: {  	p2 =	sge.u32 @!p1 s10, s7  }
0x20: {  	p1 =	por p1, p2  }
.Ltmp2:
0x21: {  	_ = 	snop;
	(pc) =	sbr.rel @p1 .LBB1_5-.Ltmp2, $1  }
0x22: {  	_ =	sdelay $0x3  }
0x23: {  	p1 =	sgt.s32 s11, $0xF41C0;
	s12 =	smov.u32 s11;
	s13 =	sshra.s32 s11, $0x1F  }
0x24: {  	s12 =	simm.s32 @!p1 $0xF41C0;
	s13 =	sand.u32 s13, s11  }
0x25: {  	s12 =	ssub.s32 s12, s13  }
0x26: {  	s12 =	sadd.s32 $0xFFF0BE40, s12  }
0x27: {  	s28 =	sshll.u32 s12, $0x7  }
0x28: {  	s13 =	ssub.s32 $0x4000, s28  }
0x29: {  	p1 =	sgt.s32 s12, $0x7F;
	s12 =	sshrl.u32 s13, $0x2  }
0x2a: {  	s13 =	simm.s32 $0x1;
	s12 =	simm.s32 @p1 $0x0  }
0x2b: {  	s13 =	simm.s32 @!p0 $0x0;
	_ =	swait.ge [sflag:s5], s12  }
0x2c: {  	s14 =	sshll.u32 s13, $0xC;
	s12 =	ssub.s32 $0x0, s12;
	[sflag:s5] =	ssyncset.done $0x0  }
0x2d: {  	s16 =	sor.u32 $0x10, s14;
	[sflag:s5] =	ssyncadd.s32 s12  }
0x2e: {  	s29 =	smul.u32 $0x4080, s13;
	v1 =	vld [tilespmem:s16+$0x0]  }
0x2f: {  	s30 =	sand.u32 $0x1, s10;
	v0 =	vld [tilespmem:s16+$0xFFFFFFF0]  }
0x30: {  	s13 =	smul.u32 $0x4080, s30;
	s12 =	sshrl.u32 s29, $0x2  }
0x31: {  	s14 =	sor.u32 $0x2000, s12  }
0x32: {  	s31 =	sshrl.u32 s13, $0x2;
	s13 =	sadd.s32 $0x0, s14  }
0x33: {  	s15 =	simm.s32 $0x4;
	s12 =	sor.u32 $0x2000, s31;
	s16 =	sadd.s32 $0x20, s16;
	[tilespmem:s13+$0x810 ss:$0x81] =	vst.msk $0xffff, v1  }
.LBB1_3:
0x34: {  	v1 =	vld [tilespmem:s16+$0x0];
	p1 =	sne.s32 s15, $0x1FC;
	[tilespmem:s13+$0x0 ss:$0x81] =	vst.msk $0xffff, v0;
	s13 =	smov.u32 s15;
	s15 =	sadd.s32 $0x4, s15  }
.Ltmp3:
0x35: {  	v0 =	vld [tilespmem:s16+$0xFFFFFFF0];
	(pc) =	sbr.rel @p1 .LBB1_3-.Ltmp3, $4  }
0x36: {  	_ = 	snop  }
0x37: {  	s13 =	sshra.s32 s13, $0x2  }
0x38: {  	s13 =	sadd.s32 s13, s14  }
0x39: {  	s16 =	sadd.s32 $0x20, s16;
	[tilespmem:s13+$0x810 ss:$0x81] =	vst.msk $0xffff, v1  }
0x3a: {  	s14 =	sshll.u32 s11, $0x3  }
0x3b: {  	s30 =	sand.u32 $0x7F, s11;
	s14 =	sand.u32 $0xFFFFFC00, s14  }
0x3c: {  	s11 =	sor.u32 s30, s14  }
0x3d: {  	s15 =	smulhi.u32 $0x218D6287, s11;
	_ =	sdelay $0x1  }
0x3e: {  	s14 =	smulhi.u32 $0x218D6287, s14;
	s15 =	sshrl.u32 s15, $0x11  }
0x3f: {  	s15 =	smul.u32 $0xF4280, s15  }
0x40: {  	s14 =	sshrl.u32 s14, $0x11  }
.Ltmp4:
0x41: {  	s14 =	sand.u32 $0x1F, s14;
	s11 =	ssub.s32 s11, s15;
	(pc) =	sbr.rel .LBB1_5-.Ltmp4, $4  }
0x42: {  	s14 =	smul.u32 $0x1E850, s14;
	s15 =	sshrl.u32 s11, $0x3;
	s11 =	sand.u32 $0x7, s11  }
0x43: {  	s15 =	sadd.s32 s2, s15;
	s11 =	sshll.u32 s11, $0x12  }
0x44: {  	[tilespmem:s13+$0x0 ss:$0x81] =	vst.msk $0xffff, v0;
	s31 =	sadd.s32 s14, s15;
	s11 =	sor.u32 $0x400, s11  }
0x45: {  	[hbm4b:s31+s11] =	stream.strided.scatter [tilespmem:s12], [sflag:$0x2], $0x1000, s8, s11, $0x20;
	[tilespmem:$0x4040] =	vst v63  }
.LBB1_6:
0x46: {  	_ =	sfence.sel $0x180000  }
0x47: {  	s2 =	simm.s32 $0x1;
	[bflag:$0x0] =	sbarrier.arrive $0xFFFF  }
0x48: {  	s31 =	simm.s32 $0x2;
	[sflag:s2] =	ssyncpa.u1 $0x1  }
0x49: {  	[sflag:s31] =	ssyncpa.u1 $0x1  }
0x4a: {  	p0 =	sne.s32 s1, $0x0;
	_ =	strace $0x90000050  }
0x4b: {  	s0 =	sadd.s32 @!p0 $0x100000, s0;
	[bflag:$0x2] =	sbarrier.arrive $0xFFFF  }
0x4c: {  	[sflag:s0] =	ssyncadd.tile.s32 @!p0 $0x1;
	_ =	shalt  }
.Lfunc_end1:
_tile_overlayer_lowered:
.L_overlay_start_2:
0x4d: {  	(tag) =	ssettag $0x2  }
0x4e: {  	s0 =	rddreg [dreg:$0x0];
	s2 =	stileid.u32  }
0x4f: {  	s1 =	rddreg [dreg:$0x1];
	p0 =	sne.s32 s2, $0x0  }
0x50: {  	s3 =	rddreg [dreg:$0x2];
	[bflag:$0x3] =	sbarrier.arrive $0xFFFF;
	s2 =	simm.s32 @!p0 $0x1C01  }
0x51: {  	[timem:s3], [sflag:s2] =	dma.local @!p0 [hbm:s0], s1  }
0x52: {  	s0 =	simm.s32 @!p0 $0x1  }
0x53: {  	_ =	swait.ge @!p0 [sflag:s0], s1  }
0x54: {  	s1 =	ssub.s32 @!p0 $0x0, s1;
	[sflag:s0] =	ssyncset.done @!p0 $0x0  }
0x55: {  	[sflag:s0] =	ssyncadd.s32 @!p0 s1  }
0x56: {  	[bflag:$0x3] =	sbarrier.arrive $0xFFFF  }
0x57: {  	_ =	shalt  }

</sc_bundles>
